<compile_context>
chip_gen: v7x
topology: tpu7x:2x2x1
jax: 0.10.2.dev20260603
libtpu: 0.0.44.dev20260713+nightly
codegen_flags: <defaults>
</compile_context>

<pallas_src>
import functools

import jax
import jax.numpy as jnp
from jax import lax
from jax.experimental import pallas as pl
from jax.experimental.pallas import tpu as pltpu
from jax.experimental.pallas import tpu_sc as plsc

N = 50000
E = 800000
SD = 64
HALF = 32
MC = 64
H = 32

NSUB = 16
LANES = 128
UNIT = 2
CHUNK = UNIT * LANES
NCHUNKS = E // CHUNK
CH_BASE = NCHUNKS // NSUB
CH_REM = NCHUNKS % NSUB

OUT_BIG = 3128
OUT_SMALL = 3120
BIG_TILES = 10
ZCOPY = CHUNK
NZ = 12


def _sc_segment_sum(x2, edges):
    mesh = plsc.VectorSubcoreMesh(core_axis_name="c", subcore_axis_name="s")

    @functools.partial(
        pl.kernel,
        out_type=[
            jax.ShapeDtypeStruct((N, HALF), jnp.float32),
            jax.ShapeDtypeStruct((N, HALF), jnp.float32),
        ],
        mesh=mesh,
        compiler_params=pltpu.CompilerParams(use_tc_tiling_on_sc=False),
        scratch_types=[
            [pltpu.VMEM((CHUNK,), jnp.int32)] * 2,
            [pltpu.VMEM((CHUNK,), jnp.int32)] * 2,
            [pltpu.VMEM((UNIT, LANES), jnp.int32)] * 2,
            [pltpu.VMEM((UNIT, LANES), jnp.int32)] * 2,
            [pltpu.VMEM((CHUNK, HALF), jnp.float32)] * 2,
            pltpu.VMEM_SHARED((N, HALF), jnp.float32),
            [pltpu.SemaphoreType.DMA] * 2,
            [pltpu.SemaphoreType.DMA] * 2,
            [pltpu.SemaphoreType.DMA] * 2,
        ],
    )
    def seg_sum(x2_hbm, e_hbm, lo_hbm, hi_hbm,
                sst, dst_st, gbuf, sbuf, rows_buf, acc, isem, gsem, ssem):
        c = lax.axis_index("c")
        s = lax.axis_index("s")

        obase = s * OUT_SMALL + 8 * jnp.minimum(s, BIG_TILES)

        zero = jnp.zeros((16,), jnp.float32)
        zb = rows_buf[0]

        def zrow(i, carry):
            zb[i, pl.ds(0, 16)] = zero
            zb[i, pl.ds(16, 16)] = zero
            return carry

        lax.fori_loop(0, ZCOPY, zrow, 0)
        zcopies = [
            pltpu.make_async_copy(zb, acc.at[pl.ds(obase + k * ZCOPY,
                                                   ZCOPY)], isem[0])
            for k in range(NZ)
        ]
        for d in zcopies:
            d.start()

        @pl.when(s < BIG_TILES)
        def _():
            pltpu.sync_copy(zb.at[pl.ds(0, OUT_BIG - NZ * ZCOPY)],
                            acc.at[pl.ds(obase + NZ * ZCOPY,
                                         OUT_BIG - NZ * ZCOPY)])

        @pl.when(s >= BIG_TILES)
        def _():
            pltpu.sync_copy(zb.at[pl.ds(0, OUT_SMALL - NZ * ZCOPY)],
                            acc.at[pl.ds(obase + NZ * ZCOPY,
                                         OUT_SMALL - NZ * ZCOPY)])

        for d in zcopies:
            d.wait()
        plsc.subcore_barrier()

        nchunk = CH_BASE + jnp.where(s < CH_REM, 1, 0)
        ebase = (s * CH_BASE + jnp.minimum(s, CH_REM)) * CHUNK

        def idx_copies(u, b):
            e0 = ebase + u * CHUNK
            return (
                pltpu.make_async_copy(e_hbm.at[0, pl.ds(e0, CHUNK)],
                                      sst[b], isem[b]),
                pltpu.make_async_copy(e_hbm.at[1, pl.ds(e0, CHUNK)],
                                      dst_st[b], isem[b]),
            )

        def fire_idx(u, b):
            for d in idx_copies(u, b):
                d.start()

        def wait_idx(u, b):
            for d in idx_copies(u, b):
                d.wait()

        def gather_copies(b):
            return [
                pltpu.make_async_copy(
                    x2_hbm.at[gbuf[b].at[i]],
                    rows_buf[b].at[pl.ds(i * LANES, LANES)], gsem[b])
                for i in range(UNIT)
            ]

        def scatter_copies(b):
            return [
                pltpu.make_async_copy(
                    rows_buf[b].at[pl.ds(i * LANES, LANES)],
                    acc.at[sbuf[b].at[i]], ssem[b])
                for i in range(UNIT)
            ]

        def prep_and_fire_gathers(b):
            for i in range(UNIT):
                for j in range(LANES // 16):
                    k = i * LANES + j * 16
                    v = sst[b][pl.ds(k, 16)]
                    gbuf[b][i, pl.ds(j * 16, 16)] = v * 2 + c
                    sbuf[b][i, pl.ds(j * 16, 16)] = dst_st[b][pl.ds(k, 16)]
            for d in gather_copies(b):
                d.start()

        fire_idx(0, 0)
        fire_idx(1, 1)
        wait_idx(0, 0)
        prep_and_fire_gathers(0)

        def body(kk, carry):
            uu = kk * 2
            for b in (0, 1):
                u = uu + b

                @pl.when(u < nchunk)
                def _(u=u, b=b):
                    for d in gather_copies(b):
                        d.wait()
                    for i in range(UNIT):
                        pltpu.async_copy(
                            rows_buf[b].at[pl.ds(i * LANES, LANES)],
                            acc.at[sbuf[b].at[i]], ssem[b], add=True)
                    nb = 1 - b

                    @pl.when(u + 1 < nchunk)
                    def _():
                        @pl.when(u >= 1)
                        def _():
                            for d in scatter_copies(nb):
                                d.wait()
                        wait_idx(u + 1, nb)
                        prep_and_fire_gathers(nb)

                    @pl.when(u + 1 >= nchunk)
                    def _():
                        @pl.when(u >= 1)
                        def _():
                            for d in scatter_copies(nb):
                                d.wait()
                        for d in scatter_copies(b):
                            d.wait()

                    @pl.when(u + 2 < nchunk)
                    def _():
                        fire_idx(u + 2, b)
            return carry

        nhalf = (CH_BASE + 2) // 2
        lax.fori_loop(0, nhalf, body, 0)
        plsc.subcore_barrier()

        for half, out_hbm in ((0, lo_hbm), (1, hi_hbm)):
            @pl.when((c == half) & (s < BIG_TILES))
            def _(out_hbm=out_hbm):
                pltpu.sync_copy(acc.at[pl.ds(obase, OUT_BIG)],
                                out_hbm.at[pl.ds(obase, OUT_BIG)])

            @pl.when((c == half) & (s >= BIG_TILES))
            def _(out_hbm=out_hbm):
                pltpu.sync_copy(acc.at[pl.ds(obase, OUT_SMALL)],
                                out_hbm.at[pl.ds(obase, OUT_SMALL)])

    return seg_sum(x2, edges)


BR = 5000


def _mlp_body(x_ref, lo_ref, hi_ref, wm_ref, w1_ref, b1_ref, w2_ref, b2_ref,
              w3_ref, b3_ref, o_ref):
    f32 = jnp.float32
    s = jnp.concatenate([lo_ref[...], hi_ref[...]], axis=1)
    msgs = jnp.dot(s, wm_ref[...], preferred_element_type=f32)
    xm = jnp.concatenate([x_ref[...], msgs], axis=1)
    h = jnp.dot(xm, w1_ref[...], preferred_element_type=f32) + b1_ref[...]
    h = jnp.maximum(h, 0.0)
    h = jnp.dot(h, w2_ref[...], preferred_element_type=f32) + b2_ref[...]
    h = jnp.maximum(h, 0.0)
    o_ref[...] = jnp.dot(h, w3_ref[...], preferred_element_type=f32) + b3_ref[...]


def _tc_mlp(x, s_lo4, s_hi4, W_msg, W1, b1, W2, b2, W3, b3):
    full = lambda shape: pl.BlockSpec(shape, lambda i: (0, 0))
    return pl.pallas_call(
        _mlp_body,
        grid=(N // BR,),
        in_specs=[
            pl.BlockSpec((BR, SD), lambda i: (i, 0)),
            pl.BlockSpec((BR, HALF), lambda i: (i, 0)),
            pl.BlockSpec((BR, HALF), lambda i: (i, 0)),
            full((MC, MC)),
            full((SD + MC, H)),
            full((1, H)),
            full((H, H)),
            full((1, H)),
            full((H, SD)),
            full((1, SD)),
        ],
        out_specs=pl.BlockSpec((BR, SD), lambda i: (i, 0)),
        out_shape=jax.ShapeDtypeStruct((N, SD), jnp.float32),
    )(x, s_lo4, s_hi4, W_msg, W1, b1.reshape(1, H), W2, b2.reshape(1, H),
      W3, b3.reshape(1, SD))


@jax.jit
def kernel(x, edge_index, W_msg, b_msg, W1, b1, W2, b2, W3, b3):
    del b_msg
    x2 = x.reshape(2 * N, HALF)
    s_lo4, s_hi4 = _sc_segment_sum(x2, edge_index)
    return _tc_mlp(x, s_lo4, s_hi4, W_msg, W1, b1, W2, b2, W3, b3)

# --- scband reference (transcript-rebuilt; emitter-appended) ---
"""Pipeline reference for scband-particle-17446157157101 (READ-ONLY COPY).

The authoritative reference and input builder live on the scoring server;
editing this copy changes nothing except your own understanding.
"""

import jax, jax.numpy as jnp
import numpy as np

N = 50000
E = 800000
SD = 64   # state_dim = N_spatial_dim + 2*N_polarizations + hidden_dim = 3 + 4 + 57
MC = 64   # message_out_channels
H = 32    # MLP hidden_channels


def setup_inputs(seed: int = 0) -> dict:
    key = jax.random.key(seed)
    ks = jax.random.split(key, 12)
    x = jax.random.normal(ks[0], (N, SD), dtype=jnp.float32)
    edge_index = jax.random.randint(ks[1], (2, E), 0, N, dtype=jnp.int32)
    # CustomNNConv message weights (state_dim -> message_out_channels)
    W_msg = jax.random.normal(ks[2], (SD, MC), dtype=jnp.float32) * 0.1
    b_msg = jnp.zeros((MC,), dtype=jnp.float32)
    # own_state_nn MLP: (SD + MC) -> 32 -> 32 -> SD, 3 layers
    W1 = jax.random.normal(ks[3], (SD + MC, H), dtype=jnp.float32) * 0.1
    b1 = jnp.zeros((H,), dtype=jnp.float32)
    W2 = jax.random.normal(ks[4], (H, H), dtype=jnp.float32) * 0.1
    b2 = jnp.zeros((H,), dtype=jnp.float32)
    W3 = jax.random.normal(ks[5], (H, SD), dtype=jnp.float32) * 0.1
    b3 = jnp.zeros((SD,), dtype=jnp.float32)
    return {"x": x, "edge_index": edge_index, "W_msg": W_msg, "b_msg": b_msg,
            "W1": W1, "b1": b1, "W2": W2, "b2": b2, "W3": W3, "b3": b3}


def reference(x, edge_index, W_msg, b_msg, W1, b1, W2, b2, W3, b3):
    src = edge_index[0]
    dst = edge_index[1]
    # CustomNNConv: per-edge message from source node state, scatter-add to dst
    msg = x[src] @ W_msg + b_msg                    # gather + edgewise transform
    messages = jax.ops.segment_sum(msg, dst, num_segments=N)  # scatter-add
    # combined = cat([x, messages], dim=-1)
    combined = jnp.concatenate([x, messages], axis=-1)
    # own_state_nn: 3-layer MLP with ReLU
    h = jax.nn.relu(combined @ W1 + b1)
    h = jax.nn.relu(h @ W2 + b2)
    new_state = h @ W3 + b3
    return new_state

if __name__ == "__main__":
    import jax
    _d = setup_inputs()
    print(jax.jit(kernel)(*tuple(_d.values())))

</pallas_src>

<mosaic_0001>
#map = affine_map<(d0, d1) -> (0, 0)>
module attributes {stable_mosaic.version = 14 : i64} {
  func.func @seg_sum(%arg0: i32, %arg1: i32, %arg2: memref<100000x32xf32, #tpu.memory_space<hbm>>, %arg3: memref<2x800000xi32, #tpu.memory_space<hbm>>, %arg4: memref<50000x32xf32, #tpu.memory_space<hbm>>, %arg5: memref<50000x32xf32, #tpu.memory_space<hbm>>, %arg6: memref<256xi32, #tpu.memory_space<vmem>>, %arg7: memref<256xi32, #tpu.memory_space<vmem>>, %arg8: memref<256xi32, #tpu.memory_space<vmem>>, %arg9: memref<256xi32, #tpu.memory_space<vmem>>, %arg10: memref<2x128xi32, #tpu.memory_space<vmem>>, %arg11: memref<2x128xi32, #tpu.memory_space<vmem>>, %arg12: memref<2x128xi32, #tpu.memory_space<vmem>>, %arg13: memref<2x128xi32, #tpu.memory_space<vmem>>, %arg14: memref<256x32xf32, #tpu.memory_space<vmem>>, %arg15: memref<256x32xf32, #tpu.memory_space<vmem>>, %arg16: memref<50000x32xf32, #tpu.memory_space<vmem_shared>>, %arg17: memref<!tpu.dma_semaphore, #tpu.memory_space<semaphore_mem>>, %arg18: memref<!tpu.dma_semaphore, #tpu.memory_space<semaphore_mem>>, %arg19: memref<!tpu.dma_semaphore, #tpu.memory_space<semaphore_mem>>, %arg20: memref<!tpu.dma_semaphore, #tpu.memory_space<semaphore_mem>>, %arg21: memref<!tpu.dma_semaphore, #tpu.memory_space<semaphore_mem>>, %arg22: memref<!tpu.dma_semaphore, #tpu.memory_space<semaphore_mem>>) attributes {dimension_semantics = [#tpu.dimension_semantics<core_parallel>, #tpu.dimension_semantics<subcore_parallel>], iteration_bounds = array<i64: 2, 16>, scalar_prefetch = 0 : i64, scratch_operands = 17 : i64, tpu.core_type = #tpu.core_type<sc_vector_subcore>, window_params = [{transform_indices = #map}, {transform_indices = #map}, {transform_indices = #map}, {transform_indices = #map}]} {
    %mul3A = arith.constant 3120 : i32
    %mul3A_0 = arith.muli %arg1, %mul3A : i32
    %min3A = arith.constant 10 : i32
    %min3A_1 = arith.minsi %arg1, %min3A : i32
    %mul3A_2 = arith.constant 8 : i32
    %mul3A_3 = arith.muli %mul3A_2, %min3A_1 : i32
    %add3A = arith.addi %mul3A_0, %mul3A_3 : i32
    %broadcast_in_dim3A = arith.constant 0.000000e+00 : f32
    %broadcast_in_dim3A_4 = vector.broadcast %broadcast_in_dim3A : f32 to vector<16xf32>
    %scan3A = arith.constant 0 : i32
    %scan3A_5 = arith.constant 0 : i32
    %scan3A_6 = arith.constant 256 : i32
    %scan3A_7 = arith.addi %scan3A_5, %scan3A_6 : i32
    %scan3A_8 = arith.constant 1 : i32
    scf.for %scan3A_605 = %scan3A_5 to %scan3A_7 step %scan3A_8  : i32 {
      %swap3A_606 = arith.index_cast %scan3A_605 : i32 to index
      %swap3A_607 = arith.constant 0 : index
      %swap3A_608 = tpu.vector_load %arg14[%swap3A_606, %swap3A_607] {strides = array<i32>} : memref<256x32xf32, #tpu.memory_space<vmem>>, vector<1x16xf32>,
      %swap3A_609 = vector.shape_cast %swap3A_608 : vector<1x16xf32> to vector<16xf32>
      %swap3A_610 = vector.shape_cast %broadcast_in_dim3A_4 : vector<16xf32> to vector<1x16xf32>
      tpu.vector_store %arg14[%swap3A_606, %swap3A_607], %swap3A_610 {strides = array<i32>} : memref<256x32xf32, #tpu.memory_space<vmem>>, vector<1x16xf32>,
      %swap3A_611 = arith.index_cast %scan3A_605 : i32 to index
      %swap3A_612 = arith.constant 16 : index
      %swap3A_613 = tpu.vector_load %arg14[%swap3A_611, %swap3A_612] {strides = array<i32>} : memref<256x32xf32, #tpu.memory_space<vmem>>, vector<1x16xf32>,
      %swap3A_614 = vector.shape_cast %swap3A_613 : vector<1x16xf32> to vector<16xf32>
      %swap3A_615 = vector.shape_cast %broadcast_in_dim3A_4 : vector<16xf32> to vector<1x16xf32>
      tpu.vector_store %arg14[%swap3A_611, %swap3A_612], %swap3A_615 {strides = array<i32>} : memref<256x32xf32, #tpu.memory_space<vmem>>, vector<1x16xf32>,
    }
    %scan3A_9 = arith.constant 256 : i32
    %add3A_10 = arith.constant 0 : i32
    %add3A_11 = arith.addi %add3A, %add3A_10 : i32
    %add3A_12 = arith.constant 256 : i32
    %add3A_13 = arith.addi %add3A, %add3A_12 : i32
    %add3A_14 = arith.constant 512 : i32
    %add3A_15 = arith.addi %add3A, %add3A_14 : i32
    %add3A_16 = arith.constant 768 : i32
    %add3A_17 = arith.addi %add3A, %add3A_16 : i32
    %add3A_18 = arith.constant 1024 : i32
    %add3A_19 = arith.addi %add3A, %add3A_18 : i32
    %add3A_20 = arith.constant 1280 : i32
    %add3A_21 = arith.addi %add3A, %add3A_20 : i32
    %add3A_22 = arith.constant 1536 : i32
    %add3A_23 = arith.addi %add3A, %add3A_22 : i32
    %add3A_24 = arith.constant 1792 : i32
    %add3A_25 = arith.addi %add3A, %add3A_24 : i32
    %add3A_26 = arith.constant 2048 : i32
    %add3A_27 = arith.addi %add3A, %add3A_26 : i32
    %add3A_28 = arith.constant 2304 : i32
    %add3A_29 = arith.addi %add3A, %add3A_28 : i32
    %add3A_30 = arith.constant 2560 : i32
    %add3A_31 = arith.addi %add3A, %add3A_30 : i32
    %add3A_32 = arith.constant 2816 : i32
    %add3A_33 = arith.addi %add3A, %add3A_32 : i32
    %dma_start3A = arith.constant 0 : i32
    %dma_start3A_34 = tpu.memref_slice %arg16[%add3A_11, %dma_start3A] : memref<50000x32xf32, #tpu.memory_space<vmem_shared>> -> memref<256x32xf32, #tpu.memory_space<vmem_shared>>
    %dma_start3A_35 = arith.constant 0 : i32
    %dma_start3A_36 = tpu.memref_slice %arg16[%add3A_11, %dma_start3A_35] : memref<50000x32xf32, #tpu.memory_space<vmem_shared>> -> memref<256x32xf32, #tpu.memory_space<vmem_shared>>
    tpu.enqueue_dma source(%arg14 : memref<256x32xf32, #tpu.memory_space<vmem>>) target(%dma_start3A_36 : memref<256x32xf32, #tpu.memory_space<vmem_shared>>) target_semaphore(%arg17 : memref<!tpu.dma_semaphore, #tpu.memory_space<semaphore_mem>>)
    %dma_start3A_37 = arith.constant 0 : i32
    %dma_start3A_38 = tpu.memref_slice %arg16[%add3A_13, %dma_start3A_37] : memref<50000x32xf32, #tpu.memory_space<vmem_shared>> -> memref<256x32xf32, #tpu.memory_space<vmem_shared>>
    %dma_start3A_39 = arith.constant 0 : i32
    %dma_start3A_40 = tpu.memref_slice %arg16[%add3A_13, %dma_start3A_39] : memref<50000x32xf32, #tpu.memory_space<vmem_shared>> -> memref<256x32xf32, #tpu.memory_space<vmem_shared>>
    tpu.enqueue_dma source(%arg14 : memref<256x32xf32, #tpu.memory_space<vmem>>) target(%dma_start3A_40 : memref<256x32xf32, #tpu.memory_space<vmem_shared>>) target_semaphore(%arg17 : memref<!tpu.dma_semaphore, #tpu.memory_space<semaphore_mem>>)
    %dma_start3A_41 = arith.constant 0 : i32
    %dma_start3A_42 = tpu.memref_slice %arg16[%add3A_15, %dma_start3A_41] : memref<50000x32xf32, #tpu.memory_space<vmem_shared>> -> memref<256x32xf32, #tpu.memory_space<vmem_shared>>
    %dma_start3A_43 = arith.constant 0 : i32
    %dma_start3A_44 = tpu.memref_slice %arg16[%add3A_15, %dma_start3A_43] : memref<50000x32xf32, #tpu.memory_space<vmem_shared>> -> memref<256x32xf32, #tpu.memory_space<vmem_shared>>
    tpu.enqueue_dma source(%arg14 : memref<256x32xf32, #tpu.memory_space<vmem>>) target(%dma_start3A_44 : memref<256x32xf32, #tpu.memory_space<vmem_shared>>) target_semaphore(%arg17 : memref<!tpu.dma_semaphore, #tpu.memory_space<semaphore_mem>>)
    %dma_start3A_45 = arith.constant 0 : i32
    %dma_start3A_46 = tpu.memref_slice %arg16[%add3A_17, %dma_start3A_45] : memref<50000x32xf32, #tpu.memory_space<vmem_shared>> -> memref<256x32xf32, #tpu.memory_space<vmem_shared>>
    %dma_start3A_47 = arith.constant 0 : i32
    %dma_start3A_48 = tpu.memref_slice %arg16[%add3A_17, %dma_start3A_47] : memref<50000x32xf32, #tpu.memory_space<vmem_shared>> -> memref<256x32xf32, #tpu.memory_space<vmem_shared>>
    tpu.enqueue_dma source(%arg14 : memref<256x32xf32, #tpu.memory_space<vmem>>) target(%dma_start3A_48 : memref<256x32xf32, #tpu.memory_space<vmem_shared>>) target_semaphore(%arg17 : memref<!tpu.dma_semaphore, #tpu.memory_space<semaphore_mem>>)
    %dma_start3A_49 = arith.constant 0 : i32
    %dma_start3A_50 = tpu.memref_slice %arg16[%add3A_19, %dma_start3A_49] : memref<50000x32xf32, #tpu.memory_space<vmem_shared>> -> memref<256x32xf32, #tpu.memory_space<vmem_shared>>
    %dma_start3A_51 = arith.constant 0 : i32
    %dma_start3A_52 = tpu.memref_slice %arg16[%add3A_19, %dma_start3A_51] : memref<50000x32xf32, #tpu.memory_space<vmem_shared>> -> memref<256x32xf32, #tpu.memory_space<vmem_shared>>
    tpu.enqueue_dma source(%arg14 : memref<256x32xf32, #tpu.memory_space<vmem>>) target(%dma_start3A_52 : memref<256x32xf32, #tpu.memory_space<vmem_shared>>) target_semaphore(%arg17 : memref<!tpu.dma_semaphore, #tpu.memory_space<semaphore_mem>>)
    %dma_start3A_53 = arith.constant 0 : i32
    %dma_start3A_54 = tpu.memref_slice %arg16[%add3A_21, %dma_start3A_53] : memref<50000x32xf32, #tpu.memory_space<vmem_shared>> -> memref<256x32xf32, #tpu.memory_space<vmem_shared>>
    %dma_start3A_55 = arith.constant 0 : i32
    %dma_start3A_56 = tpu.memref_slice %arg16[%add3A_21, %dma_start3A_55] : memref<50000x32xf32, #tpu.memory_space<vmem_shared>> -> memref<256x32xf32, #tpu.memory_space<vmem_shared>>
    tpu.enqueue_dma source(%arg14 : memref<256x32xf32, #tpu.memory_space<vmem>>) target(%dma_start3A_56 : memref<256x32xf32, #tpu.memory_space<vmem_shared>>) target_semaphore(%arg17 : memref<!tpu.dma_semaphore, #tpu.memory_space<semaphore_mem>>)
    %dma_start3A_57 = arith.constant 0 : i32
    %dma_start3A_58 = tpu.memref_slice %arg16[%add3A_23, %dma_start3A_57] : memref<50000x32xf32, #tpu.memory_space<vmem_shared>> -> memref<256x32xf32, #tpu.memory_space<vmem_shared>>
    %dma_start3A_59 = arith.constant 0 : i32
    %dma_start3A_60 = tpu.memref_slice %arg16[%add3A_23, %dma_start3A_59] : memref<50000x32xf32, #tpu.memory_space<vmem_shared>> -> memref<256x32xf32, #tpu.memory_space<vmem_shared>>
    tpu.enqueue_dma source(%arg14 : memref<256x32xf32, #tpu.memory_space<vmem>>) target(%dma_start3A_60 : memref<256x32xf32, #tpu.memory_space<vmem_shared>>) target_semaphore(%arg17 : memref<!tpu.dma_semaphore, #tpu.memory_space<semaphore_mem>>)
    %dma_start3A_61 = arith.constant 0 : i32
    %dma_start3A_62 = tpu.memref_slice %arg16[%add3A_25, %dma_start3A_61] : memref<50000x32xf32, #tpu.memory_space<vmem_shared>> -> memref<256x32xf32, #tpu.memory_space<vmem_shared>>
    %dma_start3A_63 = arith.constant 0 : i32
    %dma_start3A_64 = tpu.memref_slice %arg16[%add3A_25, %dma_start3A_63] : memref<50000x32xf32, #tpu.memory_space<vmem_shared>> -> memref<256x32xf32, #tpu.memory_space<vmem_shared>>
    tpu.enqueue_dma source(%arg14 : memref<256x32xf32, #tpu.memory_space<vmem>>) target(%dma_start3A_64 : memref<256x32xf32, #tpu.memory_space<vmem_shared>>) target_semaphore(%arg17 : memref<!tpu.dma_semaphore, #tpu.memory_space<semaphore_mem>>)
    %dma_start3A_65 = arith.constant 0 : i32
    %dma_start3A_66 = tpu.memref_slice %arg16[%add3A_27, %dma_start3A_65] : memref<50000x32xf32, #tpu.memory_space<vmem_shared>> -> memref<256x32xf32, #tpu.memory_space<vmem_shared>>
    %dma_start3A_67 = arith.constant 0 : i32
    %dma_start3A_68 = tpu.memref_slice %arg16[%add3A_27, %dma_start3A_67] : memref<50000x32xf32, #tpu.memory_space<vmem_shared>> -> memref<256x32xf32, #tpu.memory_space<vmem_shared>>
    tpu.enqueue_dma source(%arg14 : memref<256x32xf32, #tpu.memory_space<vmem>>) target(%dma_start3A_68 : memref<256x32xf32, #tpu.memory_space<vmem_shared>>) target_semaphore(%arg17 : memref<!tpu.dma_semaphore, #tpu.memory_space<semaphore_mem>>)
    %dma_start3A_69 = arith.constant 0 : i32
    %dma_start3A_70 = tpu.memref_slice %arg16[%add3A_29, %dma_start3A_69] : memref<50000x32xf32, #tpu.memory_space<vmem_shared>> -> memref<256x32xf32, #tpu.memory_space<vmem_shared>>
    %dma_start3A_71 = arith.constant 0 : i32
    %dma_start3A_72 = tpu.memref_slice %arg16[%add3A_29, %dma_start3A_71] : memref<50000x32xf32, #tpu.memory_space<vmem_shared>> -> memref<256x32xf32, #tpu.memory_space<vmem_shared>>
    tpu.enqueue_dma source(%arg14 : memref<256x32xf32, #tpu.memory_space<vmem>>) target(%dma_start3A_72 : memref<256x32xf32, #tpu.memory_space<vmem_shared>>) target_semaphore(%arg17 : memref<!tpu.dma_semaphore, #tpu.memory_space<semaphore_mem>>)
    %dma_start3A_73 = arith.constant 0 : i32
    %dma_start3A_74 = tpu.memref_slice %arg16[%add3A_31, %dma_start3A_73] : memref<50000x32xf32, #tpu.memory_space<vmem_shared>> -> memref<256x32xf32, #tpu.memory_space<vmem_shared>>
    %dma_start3A_75 = arith.constant 0 : i32
    %dma_start3A_76 = tpu.memref_slice %arg16[%add3A_31, %dma_start3A_75] : memref<50000x32xf32, #tpu.memory_space<vmem_shared>> -> memref<256x32xf32, #tpu.memory_space<vmem_shared>>
    tpu.enqueue_dma source(%arg14 : memref<256x32xf32, #tpu.memory_space<vmem>>) target(%dma_start3A_76 : memref<256x32xf32, #tpu.memory_space<vmem_shared>>) target_semaphore(%arg17 : memref<!tpu.dma_semaphore, #tpu.memory_space<semaphore_mem>>)
    %dma_start3A_77 = arith.constant 0 : i32
    %dma_start3A_78 = tpu.memref_slice %arg16[%add3A_33, %dma_start3A_77] : memref<50000x32xf32, #tpu.memory_space<vmem_shared>> -> memref<256x32xf32, #tpu.memory_space<vmem_shared>>
    %dma_start3A_79 = arith.constant 0 : i32
    %dma_start3A_80 = tpu.memref_slice %arg16[%add3A_33, %dma_start3A_79] : memref<50000x32xf32, #tpu.memory_space<vmem_shared>> -> memref<256x32xf32, #tpu.memory_space<vmem_shared>>
    tpu.enqueue_dma source(%arg14 : memref<256x32xf32, #tpu.memory_space<vmem>>) target(%dma_start3A_80 : memref<256x32xf32, #tpu.memory_space<vmem_shared>>) target_semaphore(%arg17 : memref<!tpu.dma_semaphore, #tpu.memory_space<semaphore_mem>>)
    %lt3A = arith.constant 10 : i32
    %lt3A_81 = arith.cmpi slt, %arg1, %lt3A : i32
    %convert_element_type3A = arith.extui %lt3A_81 : i1 to i32
    %cond3A = arith.constant 0 : i32
    %cond3A_82 = arith.cmpi ne, %convert_element_type3A, %cond3A : i32
    scf.if %cond3A_82 {
      %add3A_605 = arith.constant 3072 : i32
      %add3A_606 = arith.addi %add3A, %add3A_605 : i32
      "tpu.region"() ({
        %run_scoped3A = tpu.sem_alloc : memref<!tpu.dma_semaphore, #tpu.memory_space<semaphore_mem>>
        %dma_start3A_607 = arith.constant 0 : i32
        %dma_start3A_608 = arith.constant 0 : i32
        %dma_start3A_609 = tpu.memref_slice %arg14[%dma_start3A_607, %dma_start3A_608] : memref<256x32xf32, #tpu.memory_space<vmem>> -> memref<56x32xf32, #tpu.memory_space<vmem>>
        %dma_start3A_610 = arith.constant 0 : i32
        %dma_start3A_611 = tpu.memref_slice %arg16[%add3A_606, %dma_start3A_610] : memref<50000x32xf32, #tpu.memory_space<vmem_shared>> -> memref<56x32xf32, #tpu.memory_space<vmem_shared>>
        %dma_start3A_612 = arith.constant 0 : i32
        %dma_start3A_613 = tpu.memref_slice %arg16[%add3A_606, %dma_start3A_612] : memref<50000x32xf32, #tpu.memory_space<vmem_shared>> -> memref<56x32xf32, #tpu.memory_space<vmem_shared>>
        %dma_start3A_614 = arith.constant 0 : i32
        %dma_start3A_615 = arith.constant 0 : i32
        %dma_start3A_616 = tpu.memref_slice %arg14[%dma_start3A_614, %dma_start3A_615] : memref<256x32xf32, #tpu.memory_space<vmem>> -> memref<56x32xf32, #tpu.memory_space<vmem>>
        tpu.enqueue_dma source(%dma_start3A_616 : memref<56x32xf32, #tpu.memory_space<vmem>>) target(%dma_start3A_613 : memref<56x32xf32, #tpu.memory_space<vmem_shared>>) target_semaphore(%run_scoped3A : memref<!tpu.dma_semaphore, #tpu.memory_space<semaphore_mem>>)
        %dma_wait3A_617 = arith.constant 0 : i32
        %dma_wait3A_618 = arith.constant 0 : i32
        %dma_wait3A_619 = tpu.memref_slice %arg14[%dma_wait3A_617, %dma_wait3A_618] : memref<256x32xf32, #tpu.memory_space<vmem>> -> memref<56x32xf32, #tpu.memory_space<vmem>>
        %dma_wait3A_620 = arith.constant 0 : i32
        %dma_wait3A_621 = tpu.memref_slice %arg16[%add3A_606, %dma_wait3A_620] : memref<50000x32xf32, #tpu.memory_space<vmem_shared>> -> memref<56x32xf32, #tpu.memory_space<vmem_shared>>
        %dma_wait3A_622 = arith.constant 0 : i32
        %dma_wait3A_623 = tpu.memref_slice %arg16[%add3A_606, %dma_wait3A_622] : memref<50000x32xf32, #tpu.memory_space<vmem_shared>> -> memref<56x32xf32, #tpu.memory_space<vmem_shared>>
        %dma_wait3A_624 = arith.constant 0 : i32
        %dma_wait3A_625 = arith.constant 0 : i32
        %dma_wait3A_626 = tpu.memref_slice %arg14[%dma_wait3A_624, %dma_wait3A_625] : memref<256x32xf32, #tpu.memory_space<vmem>> -> memref<56x32xf32, #tpu.memory_space<vmem>>
        tpu.wait_dma2 semaphore(%run_scoped3A : memref<!tpu.dma_semaphore, #tpu.memory_space<semaphore_mem>>) src(%dma_wait3A_626 : memref<56x32xf32, #tpu.memory_space<vmem>>) dst(%dma_wait3A_623 : memref<56x32xf32, #tpu.memory_space<vmem_shared>>)
        tpu.yield
      }) : () -> ()
    } else {
    }
    %ge3A = arith.constant 10 : i32
    %ge3A_83 = arith.cmpi sge, %arg1, %ge3A : i32
    %convert_element_type3A_84 = arith.extui %ge3A_83 : i1 to i32
    %cond3A_85 = arith.constant 0 : i32
    %cond3A_86 = arith.cmpi ne, %convert_element_type3A_84, %cond3A_85 : i32
    scf.if %cond3A_86 {
      %add3A_605 = arith.constant 3072 : i32
      %add3A_606 = arith.addi %add3A, %add3A_605 : i32
      "tpu.region"() ({
        %run_scoped3A = tpu.sem_alloc : memref<!tpu.dma_semaphore, #tpu.memory_space<semaphore_mem>>
        %dma_start3A_607 = arith.constant 0 : i32
        %dma_start3A_608 = arith.constant 0 : i32
        %dma_start3A_609 = tpu.memref_slice %arg14[%dma_start3A_607, %dma_start3A_608] : memref<256x32xf32, #tpu.memory_space<vmem>> -> memref<48x32xf32, #tpu.memory_space<vmem>>
        %dma_start3A_610 = arith.constant 0 : i32
        %dma_start3A_611 = tpu.memref_slice %arg16[%add3A_606, %dma_start3A_610] : memref<50000x32xf32, #tpu.memory_space<vmem_shared>> -> memref<48x32xf32, #tpu.memory_space<vmem_shared>>
        %dma_start3A_612 = arith.constant 0 : i32
        %dma_start3A_613 = tpu.memref_slice %arg16[%add3A_606, %dma_start3A_612] : memref<50000x32xf32, #tpu.memory_space<vmem_shared>> -> memref<48x32xf32, #tpu.memory_space<vmem_shared>>
        %dma_start3A_614 = arith.constant 0 : i32
        %dma_start3A_615 = arith.constant 0 : i32
        %dma_start3A_616 = tpu.memref_slice %arg14[%dma_start3A_614, %dma_start3A_615] : memref<256x32xf32, #tpu.memory_space<vmem>> -> memref<48x32xf32, #tpu.memory_space<vmem>>
        tpu.enqueue_dma source(%dma_start3A_616 : memref<48x32xf32, #tpu.memory_space<vmem>>) target(%dma_start3A_613 : memref<48x32xf32, #tpu.memory_space<vmem_shared>>) target_semaphore(%run_scoped3A : memref<!tpu.dma_semaphore, #tpu.memory_space<semaphore_mem>>)
        %dma_wait3A_617 = arith.constant 0 : i32
        %dma_wait3A_618 = arith.constant 0 : i32
        %dma_wait3A_619 = tpu.memref_slice %arg14[%dma_wait3A_617, %dma_wait3A_618] : memref<256x32xf32, #tpu.memory_space<vmem>> -> memref<48x32xf32, #tpu.memory_space<vmem>>
        %dma_wait3A_620 = arith.constant 0 : i32
        %dma_wait3A_621 = tpu.memref_slice %arg16[%add3A_606, %dma_wait3A_620] : memref<50000x32xf32, #tpu.memory_space<vmem_shared>> -> memref<48x32xf32, #tpu.memory_space<vmem_shared>>
        %dma_wait3A_622 = arith.constant 0 : i32
        %dma_wait3A_623 = tpu.memref_slice %arg16[%add3A_606, %dma_wait3A_622] : memref<50000x32xf32, #tpu.memory_space<vmem_shared>> -> memref<48x32xf32, #tpu.memory_space<vmem_shared>>
        %dma_wait3A_624 = arith.constant 0 : i32
        %dma_wait3A_625 = arith.constant 0 : i32
        %dma_wait3A_626 = tpu.memref_slice %arg14[%dma_wait3A_624, %dma_wait3A_625] : memref<256x32xf32, #tpu.memory_space<vmem>> -> memref<48x32xf32, #tpu.memory_space<vmem>>
        tpu.wait_dma2 semaphore(%run_scoped3A : memref<!tpu.dma_semaphore, #tpu.memory_space<semaphore_mem>>) src(%dma_wait3A_626 : memref<48x32xf32, #tpu.memory_space<vmem>>) dst(%dma_wait3A_623 : memref<48x32xf32, #tpu.memory_space<vmem_shared>>)
        tpu.yield
      }) : () -> ()
    } else {
    }
    %dma_wait3A = arith.constant 0 : i32
    %dma_wait3A_87 = tpu.memref_slice %arg16[%add3A_11, %dma_wait3A] : memref<50000x32xf32, #tpu.memory_space<vmem_shared>> -> memref<256x32xf32, #tpu.memory_space<vmem_shared>>
    %dma_wait3A_88 = arith.constant 0 : i32
    %dma_wait3A_89 = tpu.memref_slice %arg16[%add3A_11, %dma_wait3A_88] : memref<50000x32xf32, #tpu.memory_space<vmem_shared>> -> memref<256x32xf32, #tpu.memory_space<vmem_shared>>
    tpu.wait_dma2 semaphore(%arg17 : memref<!tpu.dma_semaphore, #tpu.memory_space<semaphore_mem>>) src(%arg14 : memref<256x32xf32, #tpu.memory_space<vmem>>) dst(%dma_wait3A_89 : memref<256x32xf32, #tpu.memory_space<vmem_shared>>)
    %dma_wait3A_90 = arith.constant 0 : i32
    %dma_wait3A_91 = tpu.memref_slice %arg16[%add3A_13, %dma_wait3A_90] : memref<50000x32xf32, #tpu.memory_space<vmem_shared>> -> memref<256x32xf32, #tpu.memory_space<vmem_shared>>
    %dma_wait3A_92 = arith.constant 0 : i32
    %dma_wait3A_93 = tpu.memref_slice %arg16[%add3A_13, %dma_wait3A_92] : memref<50000x32xf32, #tpu.memory_space<vmem_shared>> -> memref<256x32xf32, #tpu.memory_space<vmem_shared>>
    tpu.wait_dma2 semaphore(%arg17 : memref<!tpu.dma_semaphore, #tpu.memory_space<semaphore_mem>>) src(%arg14 : memref<256x32xf32, #tpu.memory_space<vmem>>) dst(%dma_wait3A_93 : memref<256x32xf32, #tpu.memory_space<vmem_shared>>)
    %dma_wait3A_94 = arith.constant 0 : i32
    %dma_wait3A_95 = tpu.memref_slice %arg16[%add3A_15, %dma_wait3A_94] : memref<50000x32xf32, #tpu.memory_space<vmem_shared>> -> memref<256x32xf32, #tpu.memory_space<vmem_shared>>
    %dma_wait3A_96 = arith.constant 0 : i32
    %dma_wait3A_97 = tpu.memref_slice %arg16[%add3A_15, %dma_wait3A_96] : memref<50000x32xf32, #tpu.memory_space<vmem_shared>> -> memref<256x32xf32, #tpu.memory_space<vmem_shared>>
    tpu.wait_dma2 semaphore(%arg17 : memref<!tpu.dma_semaphore, #tpu.memory_space<semaphore_mem>>) src(%arg14 : memref<256x32xf32, #tpu.memory_space<vmem>>) dst(%dma_wait3A_97 : memref<256x32xf32, #tpu.memory_space<vmem_shared>>)
    %dma_wait3A_98 = arith.constant 0 : i32
    %dma_wait3A_99 = tpu.memref_slice %arg16[%add3A_17, %dma_wait3A_98] : memref<50000x32xf32, #tpu.memory_space<vmem_shared>> -> memref<256x32xf32, #tpu.memory_space<vmem_shared>>
    %dma_wait3A_100 = arith.constant 0 : i32
    %dma_wait3A_101 = tpu.memref_slice %arg16[%add3A_17, %dma_wait3A_100] : memref<50000x32xf32, #tpu.memory_space<vmem_shared>> -> memref<256x32xf32, #tpu.memory_space<vmem_shared>>
    tpu.wait_dma2 semaphore(%arg17 : memref<!tpu.dma_semaphore, #tpu.memory_space<semaphore_mem>>) src(%arg14 : memref<256x32xf32, #tpu.memory_space<vmem>>) dst(%dma_wait3A_101 : memref<256x32xf32, #tpu.memory_space<vmem_shared>>)
    %dma_wait3A_102 = arith.constant 0 : i32
    %dma_wait3A_103 = tpu.memref_slice %arg16[%add3A_19, %dma_wait3A_102] : memref<50000x32xf32, #tpu.memory_space<vmem_shared>> -> memref<256x32xf32, #tpu.memory_space<vmem_shared>>
    %dma_wait3A_104 = arith.constant 0 : i32
    %dma_wait3A_105 = tpu.memref_slice %arg16[%add3A_19, %dma_wait3A_104] : memref<50000x32xf32, #tpu.memory_space<vmem_shared>> -> memref<256x32xf32, #tpu.memory_space<vmem_shared>>
    tpu.wait_dma2 semaphore(%arg17 : memref<!tpu.dma_semaphore, #tpu.memory_space<semaphore_mem>>) src(%arg14 : memref<256x32xf32, #tpu.memory_space<vmem>>) dst(%dma_wait3A_105 : memref<256x32xf32, #tpu.memory_space<vmem_shared>>)
    %dma_wait3A_106 = arith.constant 0 : i32
    %dma_wait3A_107 = tpu.memref_slice %arg16[%add3A_21, %dma_wait3A_106] : memref<50000x32xf32, #tpu.memory_space<vmem_shared>> -> memref<256x32xf32, #tpu.memory_space<vmem_shared>>
    %dma_wait3A_108 = arith.constant 0 : i32
    %dma_wait3A_109 = tpu.memref_slice %arg16[%add3A_21, %dma_wait3A_108] : memref<50000x32xf32, #tpu.memory_space<vmem_shared>> -> memref<256x32xf32, #tpu.memory_space<vmem_shared>>
    tpu.wait_dma2 semaphore(%arg17 : memref<!tpu.dma_semaphore, #tpu.memory_space<semaphore_mem>>) src(%arg14 : memref<256x32xf32, #tpu.memory_space<vmem>>) dst(%dma_wait3A_109 : memref<256x32xf32, #tpu.memory_space<vmem_shared>>)
    %dma_wait3A_110 = arith.constant 0 : i32
    %dma_wait3A_111 = tpu.memref_slice %arg16[%add3A_23, %dma_wait3A_110] : memref<50000x32xf32, #tpu.memory_space<vmem_shared>> -> memref<256x32xf32, #tpu.memory_space<vmem_shared>>
    %dma_wait3A_112 = arith.constant 0 : i32
    %dma_wait3A_113 = tpu.memref_slice %arg16[%add3A_23, %dma_wait3A_112] : memref<50000x32xf32, #tpu.memory_space<vmem_shared>> -> memref<256x32xf32, #tpu.memory_space<vmem_shared>>
    tpu.wait_dma2 semaphore(%arg17 : memref<!tpu.dma_semaphore, #tpu.memory_space<semaphore_mem>>) src(%arg14 : memref<256x32xf32, #tpu.memory_space<vmem>>) dst(%dma_wait3A_113 : memref<256x32xf32, #tpu.memory_space<vmem_shared>>)
    %dma_wait3A_114 = arith.constant 0 : i32
    %dma_wait3A_115 = tpu.memref_slice %arg16[%add3A_25, %dma_wait3A_114] : memref<50000x32xf32, #tpu.memory_space<vmem_shared>> -> memref<256x32xf32, #tpu.memory_space<vmem_shared>>
    %dma_wait3A_116 = arith.constant 0 : i32
    %dma_wait3A_117 = tpu.memref_slice %arg16[%add3A_25, %dma_wait3A_116] : memref<50000x32xf32, #tpu.memory_space<vmem_shared>> -> memref<256x32xf32, #tpu.memory_space<vmem_shared>>
    tpu.wait_dma2 semaphore(%arg17 : memref<!tpu.dma_semaphore, #tpu.memory_space<semaphore_mem>>) src(%arg14 : memref<256x32xf32, #tpu.memory_space<vmem>>) dst(%dma_wait3A_117 : memref<256x32xf32, #tpu.memory_space<vmem_shared>>)
    %dma_wait3A_118 = arith.constant 0 : i32
    %dma_wait3A_119 = tpu.memref_slice %arg16[%add3A_27, %dma_wait3A_118] : memref<50000x32xf32, #tpu.memory_space<vmem_shared>> -> memref<256x32xf32, #tpu.memory_space<vmem_shared>>
    %dma_wait3A_120 = arith.constant 0 : i32
    %dma_wait3A_121 = tpu.memref_slice %arg16[%add3A_27, %dma_wait3A_120] : memref<50000x32xf32, #tpu.memory_space<vmem_shared>> -> memref<256x32xf32, #tpu.memory_space<vmem_shared>>
    tpu.wait_dma2 semaphore(%arg17 : memref<!tpu.dma_semaphore, #tpu.memory_space<semaphore_mem>>) src(%arg14 : memref<256x32xf32, #tpu.memory_space<vmem>>) dst(%dma_wait3A_121 : memref<256x32xf32, #tpu.memory_space<vmem_shared>>)
    %dma_wait3A_122 = arith.constant 0 : i32
    %dma_wait3A_123 = tpu.memref_slice %arg16[%add3A_29, %dma_wait3A_122] : memref<50000x32xf32, #tpu.memory_space<vmem_shared>> -> memref<256x32xf32, #tpu.memory_space<vmem_shared>>
    %dma_wait3A_124 = arith.constant 0 : i32
    %dma_wait3A_125 = tpu.memref_slice %arg16[%add3A_29, %dma_wait3A_124] : memref<50000x32xf32, #tpu.memory_space<vmem_shared>> -> memref<256x32xf32, #tpu.memory_space<vmem_shared>>
    tpu.wait_dma2 semaphore(%arg17 : memref<!tpu.dma_semaphore, #tpu.memory_space<semaphore_mem>>) src(%arg14 : memref<256x32xf32, #tpu.memory_space<vmem>>) dst(%dma_wait3A_125 : memref<256x32xf32, #tpu.memory_space<vmem_shared>>)
    %dma_wait3A_126 = arith.constant 0 : i32
    %dma_wait3A_127 = tpu.memref_slice %arg16[%add3A_31, %dma_wait3A_126] : memref<50000x32xf32, #tpu.memory_space<vmem_shared>> -> memref<256x32xf32, #tpu.memory_space<vmem_shared>>
    %dma_wait3A_128 = arith.constant 0 : i32
    %dma_wait3A_129 = tpu.memref_slice %arg16[%add3A_31, %dma_wait3A_128] : memref<50000x32xf32, #tpu.memory_space<vmem_shared>> -> memref<256x32xf32, #tpu.memory_space<vmem_shared>>
    tpu.wait_dma2 semaphore(%arg17 : memref<!tpu.dma_semaphore, #tpu.memory_space<semaphore_mem>>) src(%arg14 : memref<256x32xf32, #tpu.memory_space<vmem>>) dst(%dma_wait3A_129 : memref<256x32xf32, #tpu.memory_space<vmem_shared>>)
    %dma_wait3A_130 = arith.constant 0 : i32
    %dma_wait3A_131 = tpu.memref_slice %arg16[%add3A_33, %dma_wait3A_130] : memref<50000x32xf32, #tpu.memory_space<vmem_shared>> -> memref<256x32xf32, #tpu.memory_space<vmem_shared>>
    %dma_wait3A_132 = arith.constant 0 : i32
    %dma_wait3A_133 = tpu.memref_slice %arg16[%add3A_33, %dma_wait3A_132] : memref<50000x32xf32, #tpu.memory_space<vmem_shared>> -> memref<256x32xf32, #tpu.memory_space<vmem_shared>>
    tpu.wait_dma2 semaphore(%arg17 : memref<!tpu.dma_semaphore, #tpu.memory_space<semaphore_mem>>) src(%arg14 : memref<256x32xf32, #tpu.memory_space<vmem>>) dst(%dma_wait3A_133 : memref<256x32xf32, #tpu.memory_space<vmem_shared>>)
    %barrier3A = arith.constant 0 : index
    tpu.barrier barrier_id(%barrier3A)
    %lt3A_134 = arith.constant 5 : i32
    %lt3A_135 = arith.cmpi slt, %arg1, %lt3A_134 : i32
    %jit3A = arith.constant 1 : i32
    %jit3A_136 = arith.constant 0 : i32
    %select_n3A = arith.select %lt3A_135, %jit3A, %jit3A_136 : i32
    %add3A_137 = arith.constant 195 : i32
    %add3A_138 = arith.addi %add3A_137, %select_n3A : i32
    %mul3A_139 = arith.constant 195 : i32
    %mul3A_140 = arith.muli %arg1, %mul3A_139 : i32
    %min3A_141 = arith.constant 5 : i32
    %min3A_142 = arith.minsi %arg1, %min3A_141 : i32
    %add3A_143 = arith.addi %mul3A_140, %min3A_142 : i32
    %mul3A_144 = arith.constant 256 : i32
    %mul3A_145 = arith.muli %add3A_143, %mul3A_144 : i32
    %add3A_146 = arith.constant 0 : i32
    %add3A_147 = arith.addi %mul3A_145, %add3A_146 : i32
    %dma_start3A_148 = arith.constant 0 : i32
    %dma_start3A_149 = tpu.memref_slice %arg3[%dma_start3A_148, %add3A_147] : memref<2x800000xi32, #tpu.memory_space<hbm>> -> memref<1x256xi32, #tpu.memory_space<hbm>>
    %dma_start3A_150 = tpu.memref_squeeze %dma_start3A_149 : memref<1x256xi32, #tpu.memory_space<hbm>> -> memref<256xi32, #tpu.memory_space<hbm>>
    %dma_start3A_151 = tpu.memref_slice %arg3[%dma_start3A_148, %add3A_147] : memref<2x800000xi32, #tpu.memory_space<hbm>> -> memref<1x256xi32, #tpu.memory_space<hbm>>
    %dma_start3A_152 = tpu.memref_squeeze %dma_start3A_151 : memref<1x256xi32, #tpu.memory_space<hbm>> -> memref<256xi32, #tpu.memory_space<hbm>>
    tpu.enqueue_dma source(%dma_start3A_152 : memref<256xi32, #tpu.memory_space<hbm>>) target(%arg6 : memref<256xi32, #tpu.memory_space<vmem>>) target_semaphore(%arg17 : memref<!tpu.dma_semaphore, #tpu.memory_space<semaphore_mem>>)
    %dma_start3A_153 = arith.constant 1 : i32
    %dma_start3A_154 = tpu.memref_slice %arg3[%dma_start3A_153, %add3A_147] : memref<2x800000xi32, #tpu.memory_space<hbm>> -> memref<1x256xi32, #tpu.memory_space<hbm>>
    %dma_start3A_155 = tpu.memref_squeeze %dma_start3A_154 : memref<1x256xi32, #tpu.memory_space<hbm>> -> memref<256xi32, #tpu.memory_space<hbm>>
    %dma_start3A_156 = tpu.memref_slice %arg3[%dma_start3A_153, %add3A_147] : memref<2x800000xi32, #tpu.memory_space<hbm>> -> memref<1x256xi32, #tpu.memory_space<hbm>>
    %dma_start3A_157 = tpu.memref_squeeze %dma_start3A_156 : memref<1x256xi32, #tpu.memory_space<hbm>> -> memref<256xi32, #tpu.memory_space<hbm>>
    tpu.enqueue_dma source(%dma_start3A_157 : memref<256xi32, #tpu.memory_space<hbm>>) target(%arg8 : memref<256xi32, #tpu.memory_space<vmem>>) target_semaphore(%arg17 : memref<!tpu.dma_semaphore, #tpu.memory_space<semaphore_mem>>)
    %add3A_158 = arith.constant 256 : i32
    %add3A_159 = arith.addi %mul3A_145, %add3A_158 : i32
    %dma_start3A_160 = arith.constant 0 : i32
    %dma_start3A_161 = tpu.memref_slice %arg3[%dma_start3A_160, %add3A_159] : memref<2x800000xi32, #tpu.memory_space<hbm>> -> memref<1x256xi32, #tpu.memory_space<hbm>>
    %dma_start3A_162 = tpu.memref_squeeze %dma_start3A_161 : memref<1x256xi32, #tpu.memory_space<hbm>> -> memref<256xi32, #tpu.memory_space<hbm>>
    %dma_start3A_163 = tpu.memref_slice %arg3[%dma_start3A_160, %add3A_159] : memref<2x800000xi32, #tpu.memory_space<hbm>> -> memref<1x256xi32, #tpu.memory_space<hbm>>
    %dma_start3A_164 = tpu.memref_squeeze %dma_start3A_163 : memref<1x256xi32, #tpu.memory_space<hbm>> -> memref<256xi32, #tpu.memory_space<hbm>>
    tpu.enqueue_dma source(%dma_start3A_164 : memref<256xi32, #tpu.memory_space<hbm>>) target(%arg7 : memref<256xi32, #tpu.memory_space<vmem>>) target_semaphore(%arg18 : memref<!tpu.dma_semaphore, #tpu.memory_space<semaphore_mem>>)
    %dma_start3A_165 = arith.constant 1 : i32
    %dma_start3A_166 = tpu.memref_slice %arg3[%dma_start3A_165, %add3A_159] : memref<2x800000xi32, #tpu.memory_space<hbm>> -> memref<1x256xi32, #tpu.memory_space<hbm>>
    %dma_start3A_167 = tpu.memref_squeeze %dma_start3A_166 : memref<1x256xi32, #tpu.memory_space<hbm>> -> memref<256xi32, #tpu.memory_space<hbm>>
    %dma_start3A_168 = tpu.memref_slice %arg3[%dma_start3A_165, %add3A_159] : memref<2x800000xi32, #tpu.memory_space<hbm>> -> memref<1x256xi32, #tpu.memory_space<hbm>>
    %dma_start3A_169 = tpu.memref_squeeze %dma_start3A_168 : memref<1x256xi32, #tpu.memory_space<hbm>> -> memref<256xi32, #tpu.memory_space<hbm>>
    tpu.enqueue_dma source(%dma_start3A_169 : memref<256xi32, #tpu.memory_space<hbm>>) target(%arg9 : memref<256xi32, #tpu.memory_space<vmem>>) target_semaphore(%arg18 : memref<!tpu.dma_semaphore, #tpu.memory_space<semaphore_mem>>)
    %add3A_170 = arith.constant 0 : i32
    %add3A_171 = arith.addi %mul3A_145, %add3A_170 : i32
    %dma_wait3A_172 = arith.constant 0 : i32
    %dma_wait3A_173 = tpu.memref_slice %arg3[%dma_wait3A_172, %add3A_171] : memref<2x800000xi32, #tpu.memory_space<hbm>> -> memref<1x256xi32, #tpu.memory_space<hbm>>
    %dma_wait3A_174 = tpu.memref_squeeze %dma_wait3A_173 : memref<1x256xi32, #tpu.memory_space<hbm>> -> memref<256xi32, #tpu.memory_space<hbm>>
    %dma_wait3A_175 = tpu.memref_slice %arg3[%dma_wait3A_172, %add3A_171] : memref<2x800000xi32, #tpu.memory_space<hbm>> -> memref<1x256xi32, #tpu.memory_space<hbm>>
    %dma_wait3A_176 = tpu.memref_squeeze %dma_wait3A_175 : memref<1x256xi32, #tpu.memory_space<hbm>> -> memref<256xi32, #tpu.memory_space<hbm>>
    tpu.wait_dma2 semaphore(%arg17 : memref<!tpu.dma_semaphore, #tpu.memory_space<semaphore_mem>>) src(%dma_wait3A_176 : memref<256xi32, #tpu.memory_space<hbm>>) dst(%arg6 : memref<256xi32, #tpu.memory_space<vmem>>)
    %dma_wait3A_177 = arith.constant 1 : i32
    %dma_wait3A_178 = tpu.memref_slice %arg3[%dma_wait3A_177, %add3A_171] : memref<2x800000xi32, #tpu.memory_space<hbm>> -> memref<1x256xi32, #tpu.memory_space<hbm>>
    %dma_wait3A_179 = tpu.memref_squeeze %dma_wait3A_178 : memref<1x256xi32, #tpu.memory_space<hbm>> -> memref<256xi32, #tpu.memory_space<hbm>>
    %dma_wait3A_180 = tpu.memref_slice %arg3[%dma_wait3A_177, %add3A_171] : memref<2x800000xi32, #tpu.memory_space<hbm>> -> memref<1x256xi32, #tpu.memory_space<hbm>>
    %dma_wait3A_181 = tpu.memref_squeeze %dma_wait3A_180 : memref<1x256xi32, #tpu.memory_space<hbm>> -> memref<256xi32, #tpu.memory_space<hbm>>
    tpu.wait_dma2 semaphore(%arg17 : memref<!tpu.dma_semaphore, #tpu.memory_space<semaphore_mem>>) src(%dma_wait3A_181 : memref<256xi32, #tpu.memory_space<hbm>>) dst(%arg8 : memref<256xi32, #tpu.memory_space<vmem>>)
    %get3A = arith.constant 0 : index
    %get3A_182 = tpu.vector_load %arg6[%get3A] {strides = array<i32>} : memref<256xi32, #tpu.memory_space<vmem>>, vector<16xi32>,
    %get3A_183 = vector.shape_cast %get3A_182 : vector<16xi32> to vector<16xi32>
    %mul3A_184 = arith.constant 2 : i32
    %mul3A_185 = vector.broadcast %mul3A_184 : i32 to vector<16xi32>
    %mul3A_186 = arith.muli %get3A_183, %mul3A_185 : vector<16xi32>
    %add3A_187 = vector.broadcast %arg0 : i32 to vector<16xi32>
    %add3A_188 = arith.addi %mul3A_186, %add3A_187 : vector<16xi32>
    %swap3A = arith.constant 0 : i32
    %swap3A_189 = arith.index_cast %swap3A : i32 to index
    %swap3A_190 = arith.constant 0 : index
    %swap3A_191 = tpu.vector_load %arg10[%swap3A_189, %swap3A_190] {strides = array<i32>} : memref<2x128xi32, #tpu.memory_space<vmem>>, vector<1x16xi32>,
    %swap3A_192 = vector.shape_cast %swap3A_191 : vector<1x16xi32> to vector<16xi32>
    %swap3A_193 = vector.shape_cast %add3A_188 : vector<16xi32> to vector<1x16xi32>
    tpu.vector_store %arg10[%swap3A_189, %swap3A_190], %swap3A_193 {strides = array<i32>} : memref<2x128xi32, #tpu.memory_space<vmem>>, vector<1x16xi32>,
    %get3A_194 = arith.constant 0 : index
    %get3A_195 = tpu.vector_load %arg8[%get3A_194] {strides = array<i32>} : memref<256xi32, #tpu.memory_space<vmem>>, vector<16xi32>,
    %get3A_196 = vector.shape_cast %get3A_195 : vector<16xi32> to vector<16xi32>
    %swap3A_197 = arith.constant 0 : i32
    %swap3A_198 = arith.index_cast %swap3A_197 : i32 to index
    %swap3A_199 = arith.constant 0 : index
    %swap3A_200 = tpu.vector_load %arg12[%swap3A_198, %swap3A_199] {strides = array<i32>} : memref<2x128xi32, #tpu.memory_space<vmem>>, vector<1x16xi32>,
    %swap3A_201 = vector.shape_cast %swap3A_200 : vector<1x16xi32> to vector<16xi32>
    %swap3A_202 = vector.shape_cast %get3A_196 : vector<16xi32> to vector<1x16xi32>
    tpu.vector_store %arg12[%swap3A_198, %swap3A_199], %swap3A_202 {strides = array<i32>} : memref<2x128xi32, #tpu.memory_space<vmem>>, vector<1x16xi32>,
    %get3A_203 = arith.constant 16 : index
    %get3A_204 = tpu.vector_load %arg6[%get3A_203] {strides = array<i32>} : memref<256xi32, #tpu.memory_space<vmem>>, vector<16xi32>,
    %get3A_205 = vector.shape_cast %get3A_204 : vector<16xi32> to vector<16xi32>
    %mul3A_206 = arith.constant 2 : i32
    %mul3A_207 = vector.broadcast %mul3A_206 : i32 to vector<16xi32>
    %mul3A_208 = arith.muli %get3A_205, %mul3A_207 : vector<16xi32>
    %add3A_209 = vector.broadcast %arg0 : i32 to vector<16xi32>
    %add3A_210 = arith.addi %mul3A_208, %add3A_209 : vector<16xi32>
    %swap3A_211 = arith.constant 0 : i32
    %swap3A_212 = arith.index_cast %swap3A_211 : i32 to index
    %swap3A_213 = arith.constant 16 : index
    %swap3A_214 = tpu.vector_load %arg10[%swap3A_212, %swap3A_213] {strides = array<i32>} : memref<2x128xi32, #tpu.memory_space<vmem>>, vector<1x16xi32>,
    %swap3A_215 = vector.shape_cast %swap3A_214 : vector<1x16xi32> to vector<16xi32>
    %swap3A_216 = vector.shape_cast %add3A_210 : vector<16xi32> to vector<1x16xi32>
    tpu.vector_store %arg10[%swap3A_212, %swap3A_213], %swap3A_216 {strides = array<i32>} : memref<2x128xi32, #tpu.memory_space<vmem>>, vector<1x16xi32>,
    %get3A_217 = arith.constant 16 : index
    %get3A_218 = tpu.vector_load %arg8[%get3A_217] {strides = array<i32>} : memref<256xi32, #tpu.memory_space<vmem>>, vector<16xi32>,
    %get3A_219 = vector.shape_cast %get3A_218 : vector<16xi32> to vector<16xi32>
    %swap3A_220 = arith.constant 0 : i32
    %swap3A_221 = arith.index_cast %swap3A_220 : i32 to index
    %swap3A_222 = arith.constant 16 : index
    %swap3A_223 = tpu.vector_load %arg12[%swap3A_221, %swap3A_222] {strides = array<i32>} : memref<2x128xi32, #tpu.memory_space<vmem>>, vector<1x16xi32>,
    %swap3A_224 = vector.shape_cast %swap3A_223 : vector<1x16xi32> to vector<16xi32>
    %swap3A_225 = vector.shape_cast %get3A_219 : vector<16xi32> to vector<1x16xi32>
    tpu.vector_store %arg12[%swap3A_221, %swap3A_222], %swap3A_225 {strides = array<i32>} : memref<2x128xi32, #tpu.memory_space<vmem>>, vector<1x16xi32>,
    %get3A_226 = arith.constant 32 : index
    %get3A_227 = tpu.vector_load %arg6[%get3A_226] {strides = array<i32>} : memref<256xi32, #tpu.memory_space<vmem>>, vector<16xi32>,
    %get3A_228 = vector.shape_cast %get3A_227 : vector<16xi32> to vector<16xi32>
    %mul3A_229 = arith.constant 2 : i32
    %mul3A_230 = vector.broadcast %mul3A_229 : i32 to vector<16xi32>
    %mul3A_231 = arith.muli %get3A_228, %mul3A_230 : vector<16xi32>
    %add3A_232 = vector.broadcast %arg0 : i32 to vector<16xi32>
    %add3A_233 = arith.addi %mul3A_231, %add3A_232 : vector<16xi32>
    %swap3A_234 = arith.constant 0 : i32
    %swap3A_235 = arith.index_cast %swap3A_234 : i32 to index
    %swap3A_236 = arith.constant 32 : index
    %swap3A_237 = tpu.vector_load %arg10[%swap3A_235, %swap3A_236] {strides = array<i32>} : memref<2x128xi32, #tpu.memory_space<vmem>>, vector<1x16xi32>,
    %swap3A_238 = vector.shape_cast %swap3A_237 : vector<1x16xi32> to vector<16xi32>
    %swap3A_239 = vector.shape_cast %add3A_233 : vector<16xi32> to vector<1x16xi32>
    tpu.vector_store %arg10[%swap3A_235, %swap3A_236], %swap3A_239 {strides = array<i32>} : memref<2x128xi32, #tpu.memory_space<vmem>>, vector<1x16xi32>,
    %get3A_240 = arith.constant 32 : index
    %get3A_241 = tpu.vector_load %arg8[%get3A_240] {strides = array<i32>} : memref<256xi32, #tpu.memory_space<vmem>>, vector<16xi32>,
    %get3A_242 = vector.shape_cast %get3A_241 : vector<16xi32> to vector<16xi32>
    %swap3A_243 = arith.constant 0 : i32
    %swap3A_244 = arith.index_cast %swap3A_243 : i32 to index
    %swap3A_245 = arith.constant 32 : index
    %swap3A_246 = tpu.vector_load %arg12[%swap3A_244, %swap3A_245] {strides = array<i32>} : memref<2x128xi32, #tpu.memory_space<vmem>>, vector<1x16xi32>,
    %swap3A_247 = vector.shape_cast %swap3A_246 : vector<1x16xi32> to vector<16xi32>
    %swap3A_248 = vector.shape_cast %get3A_242 : vector<16xi32> to vector<1x16xi32>
    tpu.vector_store %arg12[%swap3A_244, %swap3A_245], %swap3A_248 {strides = array<i32>} : memref<2x128xi32, #tpu.memory_space<vmem>>, vector<1x16xi32>,
    %get3A_249 = arith.constant 48 : index
    %get3A_250 = tpu.vector_load %arg6[%get3A_249] {strides = array<i32>} : memref<256xi32, #tpu.memory_space<vmem>>, vector<16xi32>,
    %get3A_251 = vector.shape_cast %get3A_250 : vector<16xi32> to vector<16xi32>
    %mul3A_252 = arith.constant 2 : i32
    %mul3A_253 = vector.broadcast %mul3A_252 : i32 to vector<16xi32>
    %mul3A_254 = arith.muli %get3A_251, %mul3A_253 : vector<16xi32>
    %add3A_255 = vector.broadcast %arg0 : i32 to vector<16xi32>
    %add3A_256 = arith.addi %mul3A_254, %add3A_255 : vector<16xi32>
    %swap3A_257 = arith.constant 0 : i32
    %swap3A_258 = arith.index_cast %swap3A_257 : i32 to index
    %swap3A_259 = arith.constant 48 : index
    %swap3A_260 = tpu.vector_load %arg10[%swap3A_258, %swap3A_259] {strides = array<i32>} : memref<2x128xi32, #tpu.memory_space<vmem>>, vector<1x16xi32>,
    %swap3A_261 = vector.shape_cast %swap3A_260 : vector<1x16xi32> to vector<16xi32>
    %swap3A_262 = vector.shape_cast %add3A_256 : vector<16xi32> to vector<1x16xi32>
    tpu.vector_store %arg10[%swap3A_258, %swap3A_259], %swap3A_262 {strides = array<i32>} : memref<2x128xi32, #tpu.memory_space<vmem>>, vector<1x16xi32>,
    %get3A_263 = arith.constant 48 : index
    %get3A_264 = tpu.vector_load %arg8[%get3A_263] {strides = array<i32>} : memref<256xi32, #tpu.memory_space<vmem>>, vector<16xi32>,
    %get3A_265 = vector.shape_cast %get3A_264 : vector<16xi32> to vector<16xi32>
    %swap3A_266 = arith.constant 0 : i32
    %swap3A_267 = arith.index_cast %swap3A_266 : i32 to index
    %swap3A_268 = arith.constant 48 : index
    %swap3A_269 = tpu.vector_load %arg12[%swap3A_267, %swap3A_268] {strides = array<i32>} : memref<2x128xi32, #tpu.memory_space<vmem>>, vector<1x16xi32>,
    %swap3A_270 = vector.shape_cast %swap3A_269 : vector<1x16xi32> to vector<16xi32>
    %swap3A_271 = vector.shape_cast %get3A_265 : vector<16xi32> to vector<1x16xi32>
    tpu.vector_store %arg12[%swap3A_267, %swap3A_268], %swap3A_271 {strides = array<i32>} : memref<2x128xi32, #tpu.memory_space<vmem>>, vector<1x16xi32>,
    %get3A_272 = arith.constant 64 : index
    %get3A_273 = tpu.vector_load %arg6[%get3A_272] {strides = array<i32>} : memref<256xi32, #tpu.memory_space<vmem>>, vector<16xi32>,
    %get3A_274 = vector.shape_cast %get3A_273 : vector<16xi32> to vector<16xi32>
    %mul3A_275 = arith.constant 2 : i32
    %mul3A_276 = vector.broadcast %mul3A_275 : i32 to vector<16xi32>
    %mul3A_277 = arith.muli %get3A_274, %mul3A_276 : vector<16xi32>
    %add3A_278 = vector.broadcast %arg0 : i32 to vector<16xi32>
    %add3A_279 = arith.addi %mul3A_277, %add3A_278 : vector<16xi32>
    %swap3A_280 = arith.constant 0 : i32
    %swap3A_281 = arith.index_cast %swap3A_280 : i32 to index
    %swap3A_282 = arith.constant 64 : index
    %swap3A_283 = tpu.vector_load %arg10[%swap3A_281, %swap3A_282] {strides = array<i32>} : memref<2x128xi32, #tpu.memory_space<vmem>>, vector<1x16xi32>,
    %swap3A_284 = vector.shape_cast %swap3A_283 : vector<1x16xi32> to vector<16xi32>
    %swap3A_285 = vector.shape_cast %add3A_279 : vector<16xi32> to vector<1x16xi32>
    tpu.vector_store %arg10[%swap3A_281, %swap3A_282], %swap3A_285 {strides = array<i32>} : memref<2x128xi32, #tpu.memory_space<vmem>>, vector<1x16xi32>,
    %get3A_286 = arith.constant 64 : index
    %get3A_287 = tpu.vector_load %arg8[%get3A_286] {strides = array<i32>} : memref<256xi32, #tpu.memory_space<vmem>>, vector<16xi32>,
    %get3A_288 = vector.shape_cast %get3A_287 : vector<16xi32> to vector<16xi32>
    %swap3A_289 = arith.constant 0 : i32
    %swap3A_290 = arith.index_cast %swap3A_289 : i32 to index
    %swap3A_291 = arith.constant 64 : index
    %swap3A_292 = tpu.vector_load %arg12[%swap3A_290, %swap3A_291] {strides = array<i32>} : memref<2x128xi32, #tpu.memory_space<vmem>>, vector<1x16xi32>,
    %swap3A_293 = vector.shape_cast %swap3A_292 : vector<1x16xi32> to vector<16xi32>
    %swap3A_294 = vector.shape_cast %get3A_288 : vector<16xi32> to vector<1x16xi32>
    tpu.vector_store %arg12[%swap3A_290, %swap3A_291], %swap3A_294 {strides = array<i32>} : memref<2x128xi32, #tpu.memory_space<vmem>>, vector<1x16xi32>,
    %get3A_295 = arith.constant 80 : index
    %get3A_296 = tpu.vector_load %arg6[%get3A_295] {strides = array<i32>} : memref<256xi32, #tpu.memory_space<vmem>>, vector<16xi32>,
    %get3A_297 = vector.shape_cast %get3A_296 : vector<16xi32> to vector<16xi32>
    %mul3A_298 = arith.constant 2 : i32
    %mul3A_299 = vector.broadcast %mul3A_298 : i32 to vector<16xi32>
    %mul3A_300 = arith.muli %get3A_297, %mul3A_299 : vector<16xi32>
    %add3A_301 = vector.broadcast %arg0 : i32 to vector<16xi32>
    %add3A_302 = arith.addi %mul3A_300, %add3A_301 : vector<16xi32>
    %swap3A_303 = arith.constant 0 : i32
    %swap3A_304 = arith.index_cast %swap3A_303 : i32 to index
    %swap3A_305 = arith.constant 80 : index
    %swap3A_306 = tpu.vector_load %arg10[%swap3A_304, %swap3A_305] {strides = array<i32>} : memref<2x128xi32, #tpu.memory_space<vmem>>, vector<1x16xi32>,
    %swap3A_307 = vector.shape_cast %swap3A_306 : vector<1x16xi32> to vector<16xi32>
    %swap3A_308 = vector.shape_cast %add3A_302 : vector<16xi32> to vector<1x16xi32>
    tpu.vector_store %arg10[%swap3A_304, %swap3A_305], %swap3A_308 {strides = array<i32>} : memref<2x128xi32, #tpu.memory_space<vmem>>, vector<1x16xi32>,
    %get3A_309 = arith.constant 80 : index
    %get3A_310 = tpu.vector_load %arg8[%get3A_309] {strides = array<i32>} : memref<256xi32, #tpu.memory_space<vmem>>, vector<16xi32>,
    %get3A_311 = vector.shape_cast %get3A_310 : vector<16xi32> to vector<16xi32>
    %swap3A_312 = arith.constant 0 : i32
    %swap3A_313 = arith.index_cast %swap3A_312 : i32 to index
    %swap3A_314 = arith.constant 80 : index
    %swap3A_315 = tpu.vector_load %arg12[%swap3A_313, %swap3A_314] {strides = array<i32>} : memref<2x128xi32, #tpu.memory_space<vmem>>, vector<1x16xi32>,
    %swap3A_316 = vector.shape_cast %swap3A_315 : vector<1x16xi32> to vector<16xi32>
    %swap3A_317 = vector.shape_cast %get3A_311 : vector<16xi32> to vector<1x16xi32>
    tpu.vector_store %arg12[%swap3A_313, %swap3A_314], %swap3A_317 {strides = array<i32>} : memref<2x128xi32, #tpu.memory_space<vmem>>, vector<1x16xi32>,
    %get3A_318 = arith.constant 96 : index
    %get3A_319 = tpu.vector_load %arg6[%get3A_318] {strides = array<i32>} : memref<256xi32, #tpu.memory_space<vmem>>, vector<16xi32>,
    %get3A_320 = vector.shape_cast %get3A_319 : vector<16xi32> to vector<16xi32>
    %mul3A_321 = arith.constant 2 : i32
    %mul3A_322 = vector.broadcast %mul3A_321 : i32 to vector<16xi32>
    %mul3A_323 = arith.muli %get3A_320, %mul3A_322 : vector<16xi32>
    %add3A_324 = vector.broadcast %arg0 : i32 to vector<16xi32>
    %add3A_325 = arith.addi %mul3A_323, %add3A_324 : vector<16xi32>
    %swap3A_326 = arith.constant 0 : i32
    %swap3A_327 = arith.index_cast %swap3A_326 : i32 to index
    %swap3A_328 = arith.constant 96 : index
    %swap3A_329 = tpu.vector_load %arg10[%swap3A_327, %swap3A_328] {strides = array<i32>} : memref<2x128xi32, #tpu.memory_space<vmem>>, vector<1x16xi32>,
    %swap3A_330 = vector.shape_cast %swap3A_329 : vector<1x16xi32> to vector<16xi32>
    %swap3A_331 = vector.shape_cast %add3A_325 : vector<16xi32> to vector<1x16xi32>
    tpu.vector_store %arg10[%swap3A_327, %swap3A_328], %swap3A_331 {strides = array<i32>} : memref<2x128xi32, #tpu.memory_space<vmem>>, vector<1x16xi32>,
    %get3A_332 = arith.constant 96 : index
    %get3A_333 = tpu.vector_load %arg8[%get3A_332] {strides = array<i32>} : memref<256xi32, #tpu.memory_space<vmem>>, vector<16xi32>,
    %get3A_334 = vector.shape_cast %get3A_333 : vector<16xi32> to vector<16xi32>
    %swap3A_335 = arith.constant 0 : i32
    %swap3A_336 = arith.index_cast %swap3A_335 : i32 to index
    %swap3A_337 = arith.constant 96 : index
    %swap3A_338 = tpu.vector_load %arg12[%swap3A_336, %swap3A_337] {strides = array<i32>} : memref<2x128xi32, #tpu.memory_space<vmem>>, vector<1x16xi32>,
    %swap3A_339 = vector.shape_cast %swap3A_338 : vector<1x16xi32> to vector<16xi32>
    %swap3A_340 = vector.shape_cast %get3A_334 : vector<16xi32> to vector<1x16xi32>
    tpu.vector_store %arg12[%swap3A_336, %swap3A_337], %swap3A_340 {strides = array<i32>} : memref<2x128xi32, #tpu.memory_space<vmem>>, vector<1x16xi32>,
    %get3A_341 = arith.constant 112 : index
    %get3A_342 = tpu.vector_load %arg6[%get3A_341] {strides = array<i32>} : memref<256xi32, #tpu.memory_space<vmem>>, vector<16xi32>,
    %get3A_343 = vector.shape_cast %get3A_342 : vector<16xi32> to vector<16xi32>
    %mul3A_344 = arith.constant 2 : i32
    %mul3A_345 = vector.broadcast %mul3A_344 : i32 to vector<16xi32>
    %mul3A_346 = arith.muli %get3A_343, %mul3A_345 : vector<16xi32>
    %add3A_347 = vector.broadcast %arg0 : i32 to vector<16xi32>
    %add3A_348 = arith.addi %mul3A_346, %add3A_347 : vector<16xi32>
    %swap3A_349 = arith.constant 0 : i32
    %swap3A_350 = arith.index_cast %swap3A_349 : i32 to index
    %swap3A_351 = arith.constant 112 : index
    %swap3A_352 = tpu.vector_load %arg10[%swap3A_350, %swap3A_351] {strides = array<i32>} : memref<2x128xi32, #tpu.memory_space<vmem>>, vector<1x16xi32>,
    %swap3A_353 = vector.shape_cast %swap3A_352 : vector<1x16xi32> to vector<16xi32>
    %swap3A_354 = vector.shape_cast %add3A_348 : vector<16xi32> to vector<1x16xi32>
    tpu.vector_store %arg10[%swap3A_350, %swap3A_351], %swap3A_354 {strides = array<i32>} : memref<2x128xi32, #tpu.memory_space<vmem>>, vector<1x16xi32>,
    %get3A_355 = arith.constant 112 : index
    %get3A_356 = tpu.vector_load %arg8[%get3A_355] {strides = array<i32>} : memref<256xi32, #tpu.memory_space<vmem>>, vector<16xi32>,
    %get3A_357 = vector.shape_cast %get3A_356 : vector<16xi32> to vector<16xi32>
    %swap3A_358 = arith.constant 0 : i32
    %swap3A_359 = arith.index_cast %swap3A_358 : i32 to index
    %swap3A_360 = arith.constant 112 : index
    %swap3A_361 = tpu.vector_load %arg12[%swap3A_359, %swap3A_360] {strides = array<i32>} : memref<2x128xi32, #tpu.memory_space<vmem>>, vector<1x16xi32>,
    %swap3A_362 = vector.shape_cast %swap3A_361 : vector<1x16xi32> to vector<16xi32>
    %swap3A_363 = vector.shape_cast %get3A_357 : vector<16xi32> to vector<1x16xi32>
    tpu.vector_store %arg12[%swap3A_359, %swap3A_360], %swap3A_363 {strides = array<i32>} : memref<2x128xi32, #tpu.memory_space<vmem>>, vector<1x16xi32>,
    %get3A_364 = arith.constant 128 : index
    %get3A_365 = tpu.vector_load %arg6[%get3A_364] {strides = array<i32>} : memref<256xi32, #tpu.memory_space<vmem>>, vector<16xi32>,
    %get3A_366 = vector.shape_cast %get3A_365 : vector<16xi32> to vector<16xi32>
    %mul3A_367 = arith.constant 2 : i32
    %mul3A_368 = vector.broadcast %mul3A_367 : i32 to vector<16xi32>
    %mul3A_369 = arith.muli %get3A_366, %mul3A_368 : vector<16xi32>
    %add3A_370 = vector.broadcast %arg0 : i32 to vector<16xi32>
    %add3A_371 = arith.addi %mul3A_369, %add3A_370 : vector<16xi32>
    %swap3A_372 = arith.constant 1 : i32
    %swap3A_373 = arith.index_cast %swap3A_372 : i32 to index
    %swap3A_374 = arith.constant 0 : index
    %swap3A_375 = tpu.vector_load %arg10[%swap3A_373, %swap3A_374] {strides = array<i32>} : memref<2x128xi32, #tpu.memory_space<vmem>>, vector<1x16xi32>,
    %swap3A_376 = vector.shape_cast %swap3A_375 : vector<1x16xi32> to vector<16xi32>
    %swap3A_377 = vector.shape_cast %add3A_371 : vector<16xi32> to vector<1x16xi32>
    tpu.vector_store %arg10[%swap3A_373, %swap3A_374], %swap3A_377 {strides = array<i32>} : memref<2x128xi32, #tpu.memory_space<vmem>>, vector<1x16xi32>,
    %get3A_378 = arith.constant 128 : index
    %get3A_379 = tpu.vector_load %arg8[%get3A_378] {strides = array<i32>} : memref<256xi32, #tpu.memory_space<vmem>>, vector<16xi32>,
    %get3A_380 = vector.shape_cast %get3A_379 : vector<16xi32> to vector<16xi32>
    %swap3A_381 = arith.constant 1 : i32
    %swap3A_382 = arith.index_cast %swap3A_381 : i32 to index
    %swap3A_383 = arith.constant 0 : index
    %swap3A_384 = tpu.vector_load %arg12[%swap3A_382, %swap3A_383] {strides = array<i32>} : memref<2x128xi32, #tpu.memory_space<vmem>>, vector<1x16xi32>,
    %swap3A_385 = vector.shape_cast %swap3A_384 : vector<1x16xi32> to vector<16xi32>
    %swap3A_386 = vector.shape_cast %get3A_380 : vector<16xi32> to vector<1x16xi32>
    tpu.vector_store %arg12[%swap3A_382, %swap3A_383], %swap3A_386 {strides = array<i32>} : memref<2x128xi32, #tpu.memory_space<vmem>>, vector<1x16xi32>,
    %get3A_387 = arith.constant 144 : index
    %get3A_388 = tpu.vector_load %arg6[%get3A_387] {strides = array<i32>} : memref<256xi32, #tpu.memory_space<vmem>>, vector<16xi32>,
    %get3A_389 = vector.shape_cast %get3A_388 : vector<16xi32> to vector<16xi32>
    %mul3A_390 = arith.constant 2 : i32
    %mul3A_391 = vector.broadcast %mul3A_390 : i32 to vector<16xi32>
    %mul3A_392 = arith.muli %get3A_389, %mul3A_391 : vector<16xi32>
    %add3A_393 = vector.broadcast %arg0 : i32 to vector<16xi32>
    %add3A_394 = arith.addi %mul3A_392, %add3A_393 : vector<16xi32>
    %swap3A_395 = arith.constant 1 : i32
    %swap3A_396 = arith.index_cast %swap3A_395 : i32 to index
    %swap3A_397 = arith.constant 16 : index
    %swap3A_398 = tpu.vector_load %arg10[%swap3A_396, %swap3A_397] {strides = array<i32>} : memref<2x128xi32, #tpu.memory_space<vmem>>, vector<1x16xi32>,
    %swap3A_399 = vector.shape_cast %swap3A_398 : vector<1x16xi32> to vector<16xi32>
    %swap3A_400 = vector.shape_cast %add3A_394 : vector<16xi32> to vector<1x16xi32>
    tpu.vector_store %arg10[%swap3A_396, %swap3A_397], %swap3A_400 {strides = array<i32>} : memref<2x128xi32, #tpu.memory_space<vmem>>, vector<1x16xi32>,
    %get3A_401 = arith.constant 144 : index
    %get3A_402 = tpu.vector_load %arg8[%get3A_401] {strides = array<i32>} : memref<256xi32, #tpu.memory_space<vmem>>, vector<16xi32>,
    %get3A_403 = vector.shape_cast %get3A_402 : vector<16xi32> to vector<16xi32>
    %swap3A_404 = arith.constant 1 : i32
    %swap3A_405 = arith.index_cast %swap3A_404 : i32 to index
    %swap3A_406 = arith.constant 16 : index
    %swap3A_407 = tpu.vector_load %arg12[%swap3A_405, %swap3A_406] {strides = array<i32>} : memref<2x128xi32, #tpu.memory_space<vmem>>, vector<1x16xi32>,
    %swap3A_408 = vector.shape_cast %swap3A_407 : vector<1x16xi32> to vector<16xi32>
    %swap3A_409 = vector.shape_cast %get3A_403 : vector<16xi32> to vector<1x16xi32>
    tpu.vector_store %arg12[%swap3A_405, %swap3A_406], %swap3A_409 {strides = array<i32>} : memref<2x128xi32, #tpu.memory_space<vmem>>, vector<1x16xi32>,
    %get3A_410 = arith.constant 160 : index
    %get3A_411 = tpu.vector_load %arg6[%get3A_410] {strides = array<i32>} : memref<256xi32, #tpu.memory_space<vmem>>, vector<16xi32>,
    %get3A_412 = vector.shape_cast %get3A_411 : vector<16xi32> to vector<16xi32>
    %mul3A_413 = arith.constant 2 : i32
    %mul3A_414 = vector.broadcast %mul3A_413 : i32 to vector<16xi32>
    %mul3A_415 = arith.muli %get3A_412, %mul3A_414 : vector<16xi32>
    %add3A_416 = vector.broadcast %arg0 : i32 to vector<16xi32>
    %add3A_417 = arith.addi %mul3A_415, %add3A_416 : vector<16xi32>
    %swap3A_418 = arith.constant 1 : i32
    %swap3A_419 = arith.index_cast %swap3A_418 : i32 to index
    %swap3A_420 = arith.constant 32 : index
    %swap3A_421 = tpu.vector_load %arg10[%swap3A_419, %swap3A_420] {strides = array<i32>} : memref<2x128xi32, #tpu.memory_space<vmem>>, vector<1x16xi32>,
    %swap3A_422 = vector.shape_cast %swap3A_421 : vector<1x16xi32> to vector<16xi32>
    %swap3A_423 = vector.shape_cast %add3A_417 : vector<16xi32> to vector<1x16xi32>
    tpu.vector_store %arg10[%swap3A_419, %swap3A_420], %swap3A_423 {strides = array<i32>} : memref<2x128xi32, #tpu.memory_space<vmem>>, vector<1x16xi32>,
    %get3A_424 = arith.constant 160 : index
    %get3A_425 = tpu.vector_load %arg8[%get3A_424] {strides = array<i32>} : memref<256xi32, #tpu.memory_space<vmem>>, vector<16xi32>,
    %get3A_426 = vector.shape_cast %get3A_425 : vector<16xi32> to vector<16xi32>
    %swap3A_427 = arith.constant 1 : i32
    %swap3A_428 = arith.index_cast %swap3A_427 : i32 to index
    %swap3A_429 = arith.constant 32 : index
    %swap3A_430 = tpu.vector_load %arg12[%swap3A_428, %swap3A_429] {strides = array<i32>} : memref<2x128xi32, #tpu.memory_space<vmem>>, vector<1x16xi32>,
    %swap3A_431 = vector.shape_cast %swap3A_430 : vector<1x16xi32> to vector<16xi32>
    %swap3A_432 = vector.shape_cast %get3A_426 : vector<16xi32> to vector<1x16xi32>
    tpu.vector_store %arg12[%swap3A_428, %swap3A_429], %swap3A_432 {strides = array<i32>} : memref<2x128xi32, #tpu.memory_space<vmem>>, vector<1x16xi32>,
    %get3A_433 = arith.constant 176 : index
    %get3A_434 = tpu.vector_load %arg6[%get3A_433] {strides = array<i32>} : memref<256xi32, #tpu.memory_space<vmem>>, vector<16xi32>,
    %get3A_435 = vector.shape_cast %get3A_434 : vector<16xi32> to vector<16xi32>
    %mul3A_436 = arith.constant 2 : i32
    %mul3A_437 = vector.broadcast %mul3A_436 : i32 to vector<16xi32>
    %mul3A_438 = arith.muli %get3A_435, %mul3A_437 : vector<16xi32>
    %add3A_439 = vector.broadcast %arg0 : i32 to vector<16xi32>
    %add3A_440 = arith.addi %mul3A_438, %add3A_439 : vector<16xi32>
    %swap3A_441 = arith.constant 1 : i32
    %swap3A_442 = arith.index_cast %swap3A_441 : i32 to index
    %swap3A_443 = arith.constant 48 : index
    %swap3A_444 = tpu.vector_load %arg10[%swap3A_442, %swap3A_443] {strides = array<i32>} : memref<2x128xi32, #tpu.memory_space<vmem>>, vector<1x16xi32>,
    %swap3A_445 = vector.shape_cast %swap3A_444 : vector<1x16xi32> to vector<16xi32>
    %swap3A_446 = vector.shape_cast %add3A_440 : vector<16xi32> to vector<1x16xi32>
    tpu.vector_store %arg10[%swap3A_442, %swap3A_443], %swap3A_446 {strides = array<i32>} : memref<2x128xi32, #tpu.memory_space<vmem>>, vector<1x16xi32>,
    %get3A_447 = arith.constant 176 : index
    %get3A_448 = tpu.vector_load %arg8[%get3A_447] {strides = array<i32>} : memref<256xi32, #tpu.memory_space<vmem>>, vector<16xi32>,
    %get3A_449 = vector.shape_cast %get3A_448 : vector<16xi32> to vector<16xi32>
    %swap3A_450 = arith.constant 1 : i32
    %swap3A_451 = arith.index_cast %swap3A_450 : i32 to index
    %swap3A_452 = arith.constant 48 : index
    %swap3A_453 = tpu.vector_load %arg12[%swap3A_451, %swap3A_452] {strides = array<i32>} : memref<2x128xi32, #tpu.memory_space<vmem>>, vector<1x16xi32>,
    %swap3A_454 = vector.shape_cast %swap3A_453 : vector<1x16xi32> to vector<16xi32>
    %swap3A_455 = vector.shape_cast %get3A_449 : vector<16xi32> to vector<1x16xi32>
    tpu.vector_store %arg12[%swap3A_451, %swap3A_452], %swap3A_455 {strides = array<i32>} : memref<2x128xi32, #tpu.memory_space<vmem>>, vector<1x16xi32>,
    %get3A_456 = arith.constant 192 : index
    %get3A_457 = tpu.vector_load %arg6[%get3A_456] {strides = array<i32>} : memref<256xi32, #tpu.memory_space<vmem>>, vector<16xi32>,
    %get3A_458 = vector.shape_cast %get3A_457 : vector<16xi32> to vector<16xi32>
    %mul3A_459 = arith.constant 2 : i32
    %mul3A_460 = vector.broadcast %mul3A_459 : i32 to vector<16xi32>
    %mul3A_461 = arith.muli %get3A_458, %mul3A_460 : vector<16xi32>
    %add3A_462 = vector.broadcast %arg0 : i32 to vector<16xi32>
    %add3A_463 = arith.addi %mul3A_461, %add3A_462 : vector<16xi32>
    %swap3A_464 = arith.constant 1 : i32
    %swap3A_465 = arith.index_cast %swap3A_464 : i32 to index
    %swap3A_466 = arith.constant 64 : index
    %swap3A_467 = tpu.vector_load %arg10[%swap3A_465, %swap3A_466] {strides = array<i32>} : memref<2x128xi32, #tpu.memory_space<vmem>>, vector<1x16xi32>,
    %swap3A_468 = vector.shape_cast %swap3A_467 : vector<1x16xi32> to vector<16xi32>
    %swap3A_469 = vector.shape_cast %add3A_463 : vector<16xi32> to vector<1x16xi32>
    tpu.vector_store %arg10[%swap3A_465, %swap3A_466], %swap3A_469 {strides = array<i32>} : memref<2x128xi32, #tpu.memory_space<vmem>>, vector<1x16xi32>,
    %get3A_470 = arith.constant 192 : index
    %get3A_471 = tpu.vector_load %arg8[%get3A_470] {strides = array<i32>} : memref<256xi32, #tpu.memory_space<vmem>>, vector<16xi32>,
    %get3A_472 = vector.shape_cast %get3A_471 : vector<16xi32> to vector<16xi32>
    %swap3A_473 = arith.constant 1 : i32
    %swap3A_474 = arith.index_cast %swap3A_473 : i32 to index
    %swap3A_475 = arith.constant 64 : index
    %swap3A_476 = tpu.vector_load %arg12[%swap3A_474, %swap3A_475] {strides = array<i32>} : memref<2x128xi32, #tpu.memory_space<vmem>>, vector<1x16xi32>,
    %swap3A_477 = vector.shape_cast %swap3A_476 : vector<1x16xi32> to vector<16xi32>
    %swap3A_478 = vector.shape_cast %get3A_472 : vector<16xi32> to vector<1x16xi32>
    tpu.vector_store %arg12[%swap3A_474, %swap3A_475], %swap3A_478 {strides = array<i32>} : memref<2x128xi32, #tpu.memory_space<vmem>>, vector<1x16xi32>,
    %get3A_479 = arith.constant 208 : index
    %get3A_480 = tpu.vector_load %arg6[%get3A_479] {strides = array<i32>} : memref<256xi32, #tpu.memory_space<vmem>>, vector<16xi32>,
    %get3A_481 = vector.shape_cast %get3A_480 : vector<16xi32> to vector<16xi32>
    %mul3A_482 = arith.constant 2 : i32
    %mul3A_483 = vector.broadcast %mul3A_482 : i32 to vector<16xi32>
    %mul3A_484 = arith.muli %get3A_481, %mul3A_483 : vector<16xi32>
    %add3A_485 = vector.broadcast %arg0 : i32 to vector<16xi32>
    %add3A_486 = arith.addi %mul3A_484, %add3A_485 : vector<16xi32>
    %swap3A_487 = arith.constant 1 : i32
    %swap3A_488 = arith.index_cast %swap3A_487 : i32 to index
    %swap3A_489 = arith.constant 80 : index
    %swap3A_490 = tpu.vector_load %arg10[%swap3A_488, %swap3A_489] {strides = array<i32>} : memref<2x128xi32, #tpu.memory_space<vmem>>, vector<1x16xi32>,
    %swap3A_491 = vector.shape_cast %swap3A_490 : vector<1x16xi32> to vector<16xi32>
    %swap3A_492 = vector.shape_cast %add3A_486 : vector<16xi32> to vector<1x16xi32>
    tpu.vector_store %arg10[%swap3A_488, %swap3A_489], %swap3A_492 {strides = array<i32>} : memref<2x128xi32, #tpu.memory_space<vmem>>, vector<1x16xi32>,
    %get3A_493 = arith.constant 208 : index
    %get3A_494 = tpu.vector_load %arg8[%get3A_493] {strides = array<i32>} : memref<256xi32, #tpu.memory_space<vmem>>, vector<16xi32>,
    %get3A_495 = vector.shape_cast %get3A_494 : vector<16xi32> to vector<16xi32>
    %swap3A_496 = arith.constant 1 : i32
    %swap3A_497 = arith.index_cast %swap3A_496 : i32 to index
    %swap3A_498 = arith.constant 80 : index
    %swap3A_499 = tpu.vector_load %arg12[%swap3A_497, %swap3A_498] {strides = array<i32>} : memref<2x128xi32, #tpu.memory_space<vmem>>, vector<1x16xi32>,
    %swap3A_500 = vector.shape_cast %swap3A_499 : vector<1x16xi32> to vector<16xi32>
    %swap3A_501 = vector.shape_cast %get3A_495 : vector<16xi32> to vector<1x16xi32>
    tpu.vector_store %arg12[%swap3A_497, %swap3A_498], %swap3A_501 {strides = array<i32>} : memref<2x128xi32, #tpu.memory_space<vmem>>, vector<1x16xi32>,
    %get3A_502 = arith.constant 224 : index
    %get3A_503 = tpu.vector_load %arg6[%get3A_502] {strides = array<i32>} : memref<256xi32, #tpu.memory_space<vmem>>, vector<16xi32>,
    %get3A_504 = vector.shape_cast %get3A_503 : vector<16xi32> to vector<16xi32>
    %mul3A_505 = arith.constant 2 : i32
    %mul3A_506 = vector.broadcast %mul3A_505 : i32 to vector<16xi32>
    %mul3A_507 = arith.muli %get3A_504, %mul3A_506 : vector<16xi32>
    %add3A_508 = vector.broadcast %arg0 : i32 to vector<16xi32>
    %add3A_509 = arith.addi %mul3A_507, %add3A_508 : vector<16xi32>
    %swap3A_510 = arith.constant 1 : i32
    %swap3A_511 = arith.index_cast %swap3A_510 : i32 to index
    %swap3A_512 = arith.constant 96 : index
    %swap3A_513 = tpu.vector_load %arg10[%swap3A_511, %swap3A_512] {strides = array<i32>} : memref<2x128xi32, #tpu.memory_space<vmem>>, vector<1x16xi32>,
    %swap3A_514 = vector.shape_cast %swap3A_513 : vector<1x16xi32> to vector<16xi32>
    %swap3A_515 = vector.shape_cast %add3A_509 : vector<16xi32> to vector<1x16xi32>
    tpu.vector_store %arg10[%swap3A_511, %swap3A_512], %swap3A_515 {strides = array<i32>} : memref<2x128xi32, #tpu.memory_space<vmem>>, vector<1x16xi32>,
    %get3A_516 = arith.constant 224 : index
    %get3A_517 = tpu.vector_load %arg8[%get3A_516] {strides = array<i32>} : memref<256xi32, #tpu.memory_space<vmem>>, vector<16xi32>,
    %get3A_518 = vector.shape_cast %get3A_517 : vector<16xi32> to vector<16xi32>
    %swap3A_519 = arith.constant 1 : i32
    %swap3A_520 = arith.index_cast %swap3A_519 : i32 to index
    %swap3A_521 = arith.constant 96 : index
    %swap3A_522 = tpu.vector_load %arg12[%swap3A_520, %swap3A_521] {strides = array<i32>} : memref<2x128xi32, #tpu.memory_space<vmem>>, vector<1x16xi32>,
    %swap3A_523 = vector.shape_cast %swap3A_522 : vector<1x16xi32> to vector<16xi32>
    %swap3A_524 = vector.shape_cast %get3A_518 : vector<16xi32> to vector<1x16xi32>
    tpu.vector_store %arg12[%swap3A_520, %swap3A_521], %swap3A_524 {strides = array<i32>} : memref<2x128xi32, #tpu.memory_space<vmem>>, vector<1x16xi32>,
    %get3A_525 = arith.constant 240 : index
    %get3A_526 = tpu.vector_load %arg6[%get3A_525] {strides = array<i32>} : memref<256xi32, #tpu.memory_space<vmem>>, vector<16xi32>,
    %get3A_527 = vector.shape_cast %get3A_526 : vector<16xi32> to vector<16xi32>
    %mul3A_528 = arith.constant 2 : i32
    %mul3A_529 = vector.broadcast %mul3A_528 : i32 to vector<16xi32>
    %mul3A_530 = arith.muli %get3A_527, %mul3A_529 : vector<16xi32>
    %add3A_531 = vector.broadcast %arg0 : i32 to vector<16xi32>
    %add3A_532 = arith.addi %mul3A_530, %add3A_531 : vector<16xi32>
    %swap3A_533 = arith.constant 1 : i32
    %swap3A_534 = arith.index_cast %swap3A_533 : i32 to index
    %swap3A_535 = arith.constant 112 : index
    %swap3A_536 = tpu.vector_load %arg10[%swap3A_534, %swap3A_535] {strides = array<i32>} : memref<2x128xi32, #tpu.memory_space<vmem>>, vector<1x16xi32>,
    %swap3A_537 = vector.shape_cast %swap3A_536 : vector<1x16xi32> to vector<16xi32>
    %swap3A_538 = vector.shape_cast %add3A_532 : vector<16xi32> to vector<1x16xi32>
    tpu.vector_store %arg10[%swap3A_534, %swap3A_535], %swap3A_538 {strides = array<i32>} : memref<2x128xi32, #tpu.memory_space<vmem>>, vector<1x16xi32>,
    %get3A_539 = arith.constant 240 : index
    %get3A_540 = tpu.vector_load %arg8[%get3A_539] {strides = array<i32>} : memref<256xi32, #tpu.memory_space<vmem>>, vector<16xi32>,
    %get3A_541 = vector.shape_cast %get3A_540 : vector<16xi32> to vector<16xi32>
    %swap3A_542 = arith.constant 1 : i32
    %swap3A_543 = arith.index_cast %swap3A_542 : i32 to index
    %swap3A_544 = arith.constant 112 : index
    %swap3A_545 = tpu.vector_load %arg12[%swap3A_543, %swap3A_544] {strides = array<i32>} : memref<2x128xi32, #tpu.memory_space<vmem>>, vector<1x16xi32>,
    %swap3A_546 = vector.shape_cast %swap3A_545 : vector<1x16xi32> to vector<16xi32>
    %swap3A_547 = vector.shape_cast %get3A_541 : vector<16xi32> to vector<1x16xi32>
    tpu.vector_store %arg12[%swap3A_543, %swap3A_544], %swap3A_547 {strides = array<i32>} : memref<2x128xi32, #tpu.memory_space<vmem>>, vector<1x16xi32>,
    %dma_start3A_548 = arith.constant 0 : i32
    %dma_start3A_549 = arith.constant 0 : i32
    %dma_start3A_550 = arith.constant 0 : i32
    %dma_start3A_551 = tpu.memref_slice %arg14[%dma_start3A_549, %dma_start3A_550] : memref<256x32xf32, #tpu.memory_space<vmem>> -> memref<128x32xf32, #tpu.memory_space<vmem>>
    %dma_start3A_552 = arith.constant 0 : i32
    %dma_start3A_553 = tpu.memref_slice %arg10[%dma_start3A_548, %dma_start3A_552] : memref<2x128xi32, #tpu.memory_space<vmem>> -> memref<1x128xi32, #tpu.memory_space<vmem>>
    %dma_start3A_554 = tpu.memref_squeeze %dma_start3A_553 : memref<1x128xi32, #tpu.memory_space<vmem>> -> memref<128xi32, #tpu.memory_space<vmem>>
    %dma_start3A_555 = arith.constant 0 : i32
    %dma_start3A_556 = arith.constant 0 : i32
    %dma_start3A_557 = tpu.memref_slice %arg2[%dma_start3A_555, %dma_start3A_556] : memref<100000x32xf32, #tpu.memory_space<hbm>> -> memref<100000x32xf32, #tpu.memory_space<hbm>>
    tpu.enqueue_indirect_dma source(%dma_start3A_557 : memref<100000x32xf32, #tpu.memory_space<hbm>>) target(%dma_start3A_551 : memref<128x32xf32, #tpu.memory_space<vmem>>) offsets(%dma_start3A_554 : memref<128xi32, #tpu.memory_space<vmem>>) semaphore(%arg19 : memref<!tpu.dma_semaphore, #tpu.memory_space<semaphore_mem>>)
    %dma_start3A_558 = arith.constant 1 : i32
    %dma_start3A_559 = arith.constant 128 : i32
    %dma_start3A_560 = arith.constant 0 : i32
    %dma_start3A_561 = tpu.memref_slice %arg14[%dma_start3A_559, %dma_start3A_560] : memref<256x32xf32, #tpu.memory_space<vmem>> -> memref<128x32xf32, #tpu.memory_space<vmem>>
    %dma_start3A_562 = arith.constant 0 : i32
    %dma_start3A_563 = tpu.memref_slice %arg10[%dma_start3A_558, %dma_start3A_562] : memref<2x128xi32, #tpu.memory_space<vmem>> -> memref<1x128xi32, #tpu.memory_space<vmem>>
    %dma_start3A_564 = tpu.memref_squeeze %dma_start3A_563 : memref<1x128xi32, #tpu.memory_space<vmem>> -> memref<128xi32, #tpu.memory_space<vmem>>
    %dma_start3A_565 = arith.constant 0 : i32
    %dma_start3A_566 = arith.constant 0 : i32
    %dma_start3A_567 = tpu.memref_slice %arg2[%dma_start3A_565, %dma_start3A_566] : memref<100000x32xf32, #tpu.memory_space<hbm>> -> memref<100000x32xf32, #tpu.memory_space<hbm>>
    tpu.enqueue_indirect_dma source(%dma_start3A_567 : memref<100000x32xf32, #tpu.memory_space<hbm>>) target(%dma_start3A_561 : memref<128x32xf32, #tpu.memory_space<vmem>>) offsets(%dma_start3A_564 : memref<128xi32, #tpu.memory_space<vmem>>) semaphore(%arg19 : memref<!tpu.dma_semaphore, #tpu.memory_space<semaphore_mem>>)
    %scan3A_568 = arith.constant 0 : i32
    %scan3A_569 = arith.constant 0 : i32
    %scan3A_570 = arith.constant 98 : i32
    %scan3A_571 = arith.addi %scan3A_569, %scan3A_570 : i32
    %scan3A_572 = arith.constant 1 : i32
    scf.for %scan3A_605 = %scan3A_569 to %scan3A_571 step %scan3A_572  : i32 {
      %mul3A_606 = arith.constant 2 : i32
      %mul3A_607 = arith.muli %scan3A_605, %mul3A_606 : i32
      %add3A_608 = arith.constant 0 : i32
      %add3A_609 = arith.addi %mul3A_607, %add3A_608 : i32
      %lt3A_610 = arith.cmpi slt, %add3A_609, %add3A_138 : i32
      %convert_element_type3A_611 = arith.extui %lt3A_610 : i1 to i32
      %cond3A_612 = arith.constant 0 : i32
      %cond3A_613 = arith.cmpi ne, %convert_element_type3A_611, %cond3A_612 : i32
      scf.if %cond3A_613 {
        %dma_wait3A_620 = arith.constant 0 : i32
        %dma_wait3A_621 = arith.constant 0 : i32
        %dma_wait3A_622 = arith.constant 0 : i32
        %dma_wait3A_623 = tpu.memref_slice %arg14[%dma_wait3A_621, %dma_wait3A_622] : memref<256x32xf32, #tpu.memory_space<vmem>> -> memref<128x32xf32, #tpu.memory_space<vmem>>
        %dma_wait3A_624 = arith.constant 0 : i32
        %dma_wait3A_625 = tpu.memref_slice %arg10[%dma_wait3A_620, %dma_wait3A_624] : memref<2x128xi32, #tpu.memory_space<vmem>> -> memref<1x128xi32, #tpu.memory_space<vmem>>
        %dma_wait3A_626 = tpu.memref_squeeze %dma_wait3A_625 : memref<1x128xi32, #tpu.memory_space<vmem>> -> memref<128xi32, #tpu.memory_space<vmem>>
        %dma_wait3A_627 = arith.constant 0 : i32
        %dma_wait3A_628 = arith.constant 0 : i32
        %dma_wait3A_629 = tpu.memref_slice %arg2[%dma_wait3A_627, %dma_wait3A_628] : memref<100000x32xf32, #tpu.memory_space<hbm>> -> memref<100000x32xf32, #tpu.memory_space<hbm>>
        tpu.wait_indirect_dma semaphore(%arg19 : memref<!tpu.dma_semaphore, #tpu.memory_space<semaphore_mem>>) src(%dma_wait3A_629 : memref<100000x32xf32, #tpu.memory_space<hbm>>) dst(%dma_wait3A_623 : memref<128x32xf32, #tpu.memory_space<vmem>>)
        %dma_wait3A_630 = arith.constant 1 : i32
        %dma_wait3A_631 = arith.constant 128 : i32
        %dma_wait3A_632 = arith.constant 0 : i32
        %dma_wait3A_633 = tpu.memref_slice %arg14[%dma_wait3A_631, %dma_wait3A_632] : memref<256x32xf32, #tpu.memory_space<vmem>> -> memref<128x32xf32, #tpu.memory_space<vmem>>
        %dma_wait3A_634 = arith.constant 0 : i32
        %dma_wait3A_635 = tpu.memref_slice %arg10[%dma_wait3A_630, %dma_wait3A_634] : memref<2x128xi32, #tpu.memory_space<vmem>> -> memref<1x128xi32, #tpu.memory_space<vmem>>
        %dma_wait3A_636 = tpu.memref_squeeze %dma_wait3A_635 : memref<1x128xi32, #tpu.memory_space<vmem>> -> memref<128xi32, #tpu.memory_space<vmem>>
        %dma_wait3A_637 = arith.constant 0 : i32
        %dma_wait3A_638 = arith.constant 0 : i32
        %dma_wait3A_639 = tpu.memref_slice %arg2[%dma_wait3A_637, %dma_wait3A_638] : memref<100000x32xf32, #tpu.memory_space<hbm>> -> memref<100000x32xf32, #tpu.memory_space<hbm>>
        tpu.wait_indirect_dma semaphore(%arg19 : memref<!tpu.dma_semaphore, #tpu.memory_space<semaphore_mem>>) src(%dma_wait3A_639 : memref<100000x32xf32, #tpu.memory_space<hbm>>) dst(%dma_wait3A_633 : memref<128x32xf32, #tpu.memory_space<vmem>>)
        %dma_start3A_640 = arith.constant 0 : i32
        %dma_start3A_641 = arith.constant 0 : i32
        %dma_start3A_642 = arith.constant 0 : i32
        %dma_start3A_643 = tpu.memref_slice %arg14[%dma_start3A_641, %dma_start3A_642] : memref<256x32xf32, #tpu.memory_space<vmem>> -> memref<128x32xf32, #tpu.memory_space<vmem>>
        %dma_start3A_644 = arith.constant 0 : i32
        %dma_start3A_645 = tpu.memref_slice %arg12[%dma_start3A_640, %dma_start3A_644] : memref<2x128xi32, #tpu.memory_space<vmem>> -> memref<1x128xi32, #tpu.memory_space<vmem>>
        %dma_start3A_646 = tpu.memref_squeeze %dma_start3A_645 : memref<1x128xi32, #tpu.memory_space<vmem>> -> memref<128xi32, #tpu.memory_space<vmem>>
        %dma_start3A_647 = arith.constant 0 : i32
        %dma_start3A_648 = arith.constant 0 : i32
        %dma_start3A_649 = tpu.memref_slice %arg16[%dma_start3A_647, %dma_start3A_648] : memref<50000x32xf32, #tpu.memory_space<vmem_shared>> -> memref<50000x32xf32, #tpu.memory_space<vmem_shared>>
        tpu.enqueue_indirect_dma source(%dma_start3A_643 : memref<128x32xf32, #tpu.memory_space<vmem>>) target(%dma_start3A_649 : memref<50000x32xf32, #tpu.memory_space<vmem_shared>>) offsets(%dma_start3A_646 : memref<128xi32, #tpu.memory_space<vmem>>) semaphore(%arg21 : memref<!tpu.dma_semaphore, #tpu.memory_space<semaphore_mem>>) {add = true}
        %dma_start3A_650 = arith.constant 1 : i32
        %dma_start3A_651 = arith.constant 128 : i32
        %dma_start3A_652 = arith.constant 0 : i32
        %dma_start3A_653 = tpu.memref_slice %arg14[%dma_start3A_651, %dma_start3A_652] : memref<256x32xf32, #tpu.memory_space<vmem>> -> memref<128x32xf32, #tpu.memory_space<vmem>>
        %dma_start3A_654 = arith.constant 0 : i32
        %dma_start3A_655 = tpu.memref_slice %arg12[%dma_start3A_650, %dma_start3A_654] : memref<2x128xi32, #tpu.memory_space<vmem>> -> memref<1x128xi32, #tpu.memory_space<vmem>>
        %dma_start3A_656 = tpu.memref_squeeze %dma_start3A_655 : memref<1x128xi32, #tpu.memory_space<vmem>> -> memref<128xi32, #tpu.memory_space<vmem>>
        %dma_start3A_657 = arith.constant 0 : i32
        %dma_start3A_658 = arith.constant 0 : i32
        %dma_start3A_659 = tpu.memref_slice %arg16[%dma_start3A_657, %dma_start3A_658] : memref<50000x32xf32, #tpu.memory_space<vmem_shared>> -> memref<50000x32xf32, #tpu.memory_space<vmem_shared>>
        tpu.enqueue_indirect_dma source(%dma_start3A_653 : memref<128x32xf32, #tpu.memory_space<vmem>>) target(%dma_start3A_659 : memref<50000x32xf32, #tpu.memory_space<vmem_shared>>) offsets(%dma_start3A_656 : memref<128xi32, #tpu.memory_space<vmem>>) semaphore(%arg21 : memref<!tpu.dma_semaphore, #tpu.memory_space<semaphore_mem>>) {add = true}
        %add3A_660 = arith.constant 1 : i32
        %add3A_661 = arith.addi %add3A_609, %add3A_660 : i32
        %lt3A_662 = arith.cmpi slt, %add3A_661, %add3A_138 : i32
        %convert_element_type3A_663 = arith.extui %lt3A_662 : i1 to i32
        %cond3A_664 = arith.constant 0 : i32
        %cond3A_665 = arith.cmpi ne, %convert_element_type3A_663, %cond3A_664 : i32
        scf.if %cond3A_665 {
          %ge3A_678 = arith.constant 1 : i32
          %ge3A_679 = arith.cmpi sge, %add3A_609, %ge3A_678 : i32
          %convert_element_type3A_680 = arith.extui %ge3A_679 : i1 to i32
          %cond3A_681 = arith.constant 0 : i32
          %cond3A_682 = arith.cmpi ne, %convert_element_type3A_680, %cond3A_681 : i32
          scf.if %cond3A_682 {
            %dma_wait3A_1086 = arith.constant 0 : i32
            %dma_wait3A_1087 = arith.constant 0 : i32
            %dma_wait3A_1088 = arith.constant 0 : i32
            %dma_wait3A_1089 = tpu.memref_slice %arg15[%dma_wait3A_1087, %dma_wait3A_1088] : memref<256x32xf32, #tpu.memory_space<vmem>> -> memref<128x32xf32, #tpu.memory_space<vmem>>
            %dma_wait3A_1090 = arith.constant 0 : i32
            %dma_wait3A_1091 = tpu.memref_slice %arg13[%dma_wait3A_1086, %dma_wait3A_1090] : memref<2x128xi32, #tpu.memory_space<vmem>> -> memref<1x128xi32, #tpu.memory_space<vmem>>
            %dma_wait3A_1092 = tpu.memref_squeeze %dma_wait3A_1091 : memref<1x128xi32, #tpu.memory_space<vmem>> -> memref<128xi32, #tpu.memory_space<vmem>>
            %dma_wait3A_1093 = arith.constant 0 : i32
            %dma_wait3A_1094 = arith.constant 0 : i32
            %dma_wait3A_1095 = tpu.memref_slice %arg16[%dma_wait3A_1093, %dma_wait3A_1094] : memref<50000x32xf32, #tpu.memory_space<vmem_shared>> -> memref<50000x32xf32, #tpu.memory_space<vmem_shared>>
            tpu.wait_indirect_dma semaphore(%arg22 : memref<!tpu.dma_semaphore, #tpu.memory_space<semaphore_mem>>) src(%dma_wait3A_1089 : memref<128x32xf32, #tpu.memory_space<vmem>>) dst(%dma_wait3A_1095 : memref<50000x32xf32, #tpu.memory_space<vmem_shared>>)
            %dma_wait3A_1096 = arith.constant 1 : i32
            %dma_wait3A_1097 = arith.constant 128 : i32
            %dma_wait3A_1098 = arith.constant 0 : i32
            %dma_wait3A_1099 = tpu.memref_slice %arg15[%dma_wait3A_1097, %dma_wait3A_1098] : memref<256x32xf32, #tpu.memory_space<vmem>> -> memref<128x32xf32, #tpu.memory_space<vmem>>
            %dma_wait3A_1100 = arith.constant 0 : i32
            %dma_wait3A_1101 = tpu.memref_slice %arg13[%dma_wait3A_1096, %dma_wait3A_1100] : memref<2x128xi32, #tpu.memory_space<vmem>> -> memref<1x128xi32, #tpu.memory_space<vmem>>
            %dma_wait3A_1102 = tpu.memref_squeeze %dma_wait3A_1101 : memref<1x128xi32, #tpu.memory_space<vmem>> -> memref<128xi32, #tpu.memory_space<vmem>>
            %dma_wait3A_1103 = arith.constant 0 : i32
            %dma_wait3A_1104 = arith.constant 0 : i32
            %dma_wait3A_1105 = tpu.memref_slice %arg16[%dma_wait3A_1103, %dma_wait3A_1104] : memref<50000x32xf32, #tpu.memory_space<vmem_shared>> -> memref<50000x32xf32, #tpu.memory_space<vmem_shared>>
            tpu.wait_indirect_dma semaphore(%arg22 : memref<!tpu.dma_semaphore, #tpu.memory_space<semaphore_mem>>) src(%dma_wait3A_1099 : memref<128x32xf32, #tpu.memory_space<vmem>>) dst(%dma_wait3A_1105 : memref<50000x32xf32, #tpu.memory_space<vmem_shared>>)
          } else {
          }
          %add3A_683 = arith.constant 1 : i32
          %add3A_684 = arith.addi %add3A_609, %add3A_683 : i32
          %mul3A_685 = arith.constant 256 : i32
          %mul3A_686 = arith.muli %add3A_684, %mul3A_685 : i32
          %add3A_687 = arith.addi %mul3A_145, %mul3A_686 : i32
          %dma_wait3A_688 = arith.constant 0 : i32
          %dma_wait3A_689 = tpu.memref_slice %arg3[%dma_wait3A_688, %add3A_687] : memref<2x800000xi32, #tpu.memory_space<hbm>> -> memref<1x256xi32, #tpu.memory_space<hbm>>
          %dma_wait3A_690 = tpu.memref_squeeze %dma_wait3A_689 : memref<1x256xi32, #tpu.memory_space<hbm>> -> memref<256xi32, #tpu.memory_space<hbm>>
          %dma_wait3A_691 = tpu.memref_slice %arg3[%dma_wait3A_688, %add3A_687] : memref<2x800000xi32, #tpu.memory_space<hbm>> -> memref<1x256xi32, #tpu.memory_space<hbm>>
          %dma_wait3A_692 = tpu.memref_squeeze %dma_wait3A_691 : memref<1x256xi32, #tpu.memory_space<hbm>> -> memref<256xi32, #tpu.memory_space<hbm>>
          tpu.wait_dma2 semaphore(%arg18 : memref<!tpu.dma_semaphore, #tpu.memory_space<semaphore_mem>>) src(%dma_wait3A_692 : memref<256xi32, #tpu.memory_space<hbm>>) dst(%arg7 : memref<256xi32, #tpu.memory_space<vmem>>)
          %dma_wait3A_693 = arith.constant 1 : i32
          %dma_wait3A_694 = tpu.memref_slice %arg3[%dma_wait3A_693, %add3A_687] : memref<2x800000xi32, #tpu.memory_space<hbm>> -> memref<1x256xi32, #tpu.memory_space<hbm>>
          %dma_wait3A_695 = tpu.memref_squeeze %dma_wait3A_694 : memref<1x256xi32, #tpu.memory_space<hbm>> -> memref<256xi32, #tpu.memory_space<hbm>>
          %dma_wait3A_696 = tpu.memref_slice %arg3[%dma_wait3A_693, %add3A_687] : memref<2x800000xi32, #tpu.memory_space<hbm>> -> memref<1x256xi32, #tpu.memory_space<hbm>>
          %dma_wait3A_697 = tpu.memref_squeeze %dma_wait3A_696 : memref<1x256xi32, #tpu.memory_space<hbm>> -> memref<256xi32, #tpu.memory_space<hbm>>
          tpu.wait_dma2 semaphore(%arg18 : memref<!tpu.dma_semaphore, #tpu.memory_space<semaphore_mem>>) src(%dma_wait3A_697 : memref<256xi32, #tpu.memory_space<hbm>>) dst(%arg9 : memref<256xi32, #tpu.memory_space<vmem>>)
          %get3A_698 = arith.constant 0 : index
          %get3A_699 = tpu.vector_load %arg7[%get3A_698] {strides = array<i32>} : memref<256xi32, #tpu.memory_space<vmem>>, vector<16xi32>,
          %get3A_700 = vector.shape_cast %get3A_699 : vector<16xi32> to vector<16xi32>
          %mul3A_701 = arith.constant 2 : i32
          %mul3A_702 = vector.broadcast %mul3A_701 : i32 to vector<16xi32>
          %mul3A_703 = arith.muli %get3A_700, %mul3A_702 : vector<16xi32>
          %add3A_704 = vector.broadcast %arg0 : i32 to vector<16xi32>
          %add3A_705 = arith.addi %mul3A_703, %add3A_704 : vector<16xi32>
          %swap3A_706 = arith.constant 0 : i32
          %swap3A_707 = arith.index_cast %swap3A_706 : i32 to index
          %swap3A_708 = arith.constant 0 : index
          %swap3A_709 = tpu.vector_load %arg11[%swap3A_707, %swap3A_708] {strides = array<i32>} : memref<2x128xi32, #tpu.memory_space<vmem>>, vector<1x16xi32>,
          %swap3A_710 = vector.shape_cast %swap3A_709 : vector<1x16xi32> to vector<16xi32>
          %swap3A_711 = vector.shape_cast %add3A_705 : vector<16xi32> to vector<1x16xi32>
          tpu.vector_store %arg11[%swap3A_707, %swap3A_708], %swap3A_711 {strides = array<i32>} : memref<2x128xi32, #tpu.memory_space<vmem>>, vector<1x16xi32>,
          %get3A_712 = arith.constant 0 : index
          %get3A_713 = tpu.vector_load %arg9[%get3A_712] {strides = array<i32>} : memref<256xi32, #tpu.memory_space<vmem>>, vector<16xi32>,
          %get3A_714 = vector.shape_cast %get3A_713 : vector<16xi32> to vector<16xi32>
          %swap3A_715 = arith.constant 0 : i32
          %swap3A_716 = arith.index_cast %swap3A_715 : i32 to index
          %swap3A_717 = arith.constant 0 : index
          %swap3A_718 = tpu.vector_load %arg13[%swap3A_716, %swap3A_717] {strides = array<i32>} : memref<2x128xi32, #tpu.memory_space<vmem>>, vector<1x16xi32>,
          %swap3A_719 = vector.shape_cast %swap3A_718 : vector<1x16xi32> to vector<16xi32>
          %swap3A_720 = vector.shape_cast %get3A_714 : vector<16xi32> to vector<1x16xi32>
          tpu.vector_store %arg13[%swap3A_716, %swap3A_717], %swap3A_720 {strides = array<i32>} : memref<2x128xi32, #tpu.memory_space<vmem>>, vector<1x16xi32>,
          %get3A_721 = arith.constant 16 : index
          %get3A_722 = tpu.vector_load %arg7[%get3A_721] {strides = array<i32>} : memref<256xi32, #tpu.memory_space<vmem>>, vector<16xi32>,
          %get3A_723 = vector.shape_cast %get3A_722 : vector<16xi32> to vector<16xi32>
          %mul3A_724 = arith.constant 2 : i32
          %mul3A_725 = vector.broadcast %mul3A_724 : i32 to vector<16xi32>
          %mul3A_726 = arith.muli %get3A_723, %mul3A_725 : vector<16xi32>
          %add3A_727 = vector.broadcast %arg0 : i32 to vector<16xi32>
          %add3A_728 = arith.addi %mul3A_726, %add3A_727 : vector<16xi32>
          %swap3A_729 = arith.constant 0 : i32
          %swap3A_730 = arith.index_cast %swap3A_729 : i32 to index
          %swap3A_731 = arith.constant 16 : index
          %swap3A_732 = tpu.vector_load %arg11[%swap3A_730, %swap3A_731] {strides = array<i32>} : memref<2x128xi32, #tpu.memory_space<vmem>>, vector<1x16xi32>,
          %swap3A_733 = vector.shape_cast %swap3A_732 : vector<1x16xi32> to vector<16xi32>
          %swap3A_734 = vector.shape_cast %add3A_728 : vector<16xi32> to vector<1x16xi32>
          tpu.vector_store %arg11[%swap3A_730, %swap3A_731], %swap3A_734 {strides = array<i32>} : memref<2x128xi32, #tpu.memory_space<vmem>>, vector<1x16xi32>,
          %get3A_735 = arith.constant 16 : index
          %get3A_736 = tpu.vector_load %arg9[%get3A_735] {strides = array<i32>} : memref<256xi32, #tpu.memory_space<vmem>>, vector<16xi32>,
          %get3A_737 = vector.shape_cast %get3A_736 : vector<16xi32> to vector<16xi32>
          %swap3A_738 = arith.constant 0 : i32
          %swap3A_739 = arith.index_cast %swap3A_738 : i32 to index
          %swap3A_740 = arith.constant 16 : index
          %swap3A_741 = tpu.vector_load %arg13[%swap3A_739, %swap3A_740] {strides = array<i32>} : memref<2x128xi32, #tpu.memory_space<vmem>>, vector<1x16xi32>,
          %swap3A_742 = vector.shape_cast %swap3A_741 : vector<1x16xi32> to vector<16xi32>
          %swap3A_743 = vector.shape_cast %get3A_737 : vector<16xi32> to vector<1x16xi32>
          tpu.vector_store %arg13[%swap3A_739, %swap3A_740], %swap3A_743 {strides = array<i32>} : memref<2x128xi32, #tpu.memory_space<vmem>>, vector<1x16xi32>,
          %get3A_744 = arith.constant 32 : index
          %get3A_745 = tpu.vector_load %arg7[%get3A_744] {strides = array<i32>} : memref<256xi32, #tpu.memory_space<vmem>>, vector<16xi32>,
          %get3A_746 = vector.shape_cast %get3A_745 : vector<16xi32> to vector<16xi32>
          %mul3A_747 = arith.constant 2 : i32
          %mul3A_748 = vector.broadcast %mul3A_747 : i32 to vector<16xi32>
          %mul3A_749 = arith.muli %get3A_746, %mul3A_748 : vector<16xi32>
          %add3A_750 = vector.broadcast %arg0 : i32 to vector<16xi32>
          %add3A_751 = arith.addi %mul3A_749, %add3A_750 : vector<16xi32>
          %swap3A_752 = arith.constant 0 : i32
          %swap3A_753 = arith.index_cast %swap3A_752 : i32 to index
          %swap3A_754 = arith.constant 32 : index
          %swap3A_755 = tpu.vector_load %arg11[%swap3A_753, %swap3A_754] {strides = array<i32>} : memref<2x128xi32, #tpu.memory_space<vmem>>, vector<1x16xi32>,
          %swap3A_756 = vector.shape_cast %swap3A_755 : vector<1x16xi32> to vector<16xi32>
          %swap3A_757 = vector.shape_cast %add3A_751 : vector<16xi32> to vector<1x16xi32>
          tpu.vector_store %arg11[%swap3A_753, %swap3A_754], %swap3A_757 {strides = array<i32>} : memref<2x128xi32, #tpu.memory_space<vmem>>, vector<1x16xi32>,
          %get3A_758 = arith.constant 32 : index
          %get3A_759 = tpu.vector_load %arg9[%get3A_758] {strides = array<i32>} : memref<256xi32, #tpu.memory_space<vmem>>, vector<16xi32>,
          %get3A_760 = vector.shape_cast %get3A_759 : vector<16xi32> to vector<16xi32>
          %swap3A_761 = arith.constant 0 : i32
          %swap3A_762 = arith.index_cast %swap3A_761 : i32 to index
          %swap3A_763 = arith.constant 32 : index
          %swap3A_764 = tpu.vector_load %arg13[%swap3A_762, %swap3A_763] {strides = array<i32>} : memref<2x128xi32, #tpu.memory_space<vmem>>, vector<1x16xi32>,
          %swap3A_765 = vector.shape_cast %swap3A_764 : vector<1x16xi32> to vector<16xi32>
          %swap3A_766 = vector.shape_cast %get3A_760 : vector<16xi32> to vector<1x16xi32>
          tpu.vector_store %arg13[%swap3A_762, %swap3A_763], %swap3A_766 {strides = array<i32>} : memref<2x128xi32, #tpu.memory_space<vmem>>, vector<1x16xi32>,
          %get3A_767 = arith.constant 48 : index
          %get3A_768 = tpu.vector_load %arg7[%get3A_767] {strides = array<i32>} : memref<256xi32, #tpu.memory_space<vmem>>, vector<16xi32>,
          %get3A_769 = vector.shape_cast %get3A_768 : vector<16xi32> to vector<16xi32>
          %mul3A_770 = arith.constant 2 : i32
          %mul3A_771 = vector.broadcast %mul3A_770 : i32 to vector<16xi32>
          %mul3A_772 = arith.muli %get3A_769, %mul3A_771 : vector<16xi32>
          %add3A_773 = vector.broadcast %arg0 : i32 to vector<16xi32>
          %add3A_774 = arith.addi %mul3A_772, %add3A_773 : vector<16xi32>
          %swap3A_775 = arith.constant 0 : i32
          %swap3A_776 = arith.index_cast %swap3A_775 : i32 to index
          %swap3A_777 = arith.constant 48 : index
          %swap3A_778 = tpu.vector_load %arg11[%swap3A_776, %swap3A_777] {strides = array<i32>} : memref<2x128xi32, #tpu.memory_space<vmem>>, vector<1x16xi32>,
          %swap3A_779 = vector.shape_cast %swap3A_778 : vector<1x16xi32> to vector<16xi32>
          %swap3A_780 = vector.shape_cast %add3A_774 : vector<16xi32> to vector<1x16xi32>
          tpu.vector_store %arg11[%swap3A_776, %swap3A_777], %swap3A_780 {strides = array<i32>} : memref<2x128xi32, #tpu.memory_space<vmem>>, vector<1x16xi32>,
          %get3A_781 = arith.constant 48 : index
          %get3A_782 = tpu.vector_load %arg9[%get3A_781] {strides = array<i32>} : memref<256xi32, #tpu.memory_space<vmem>>, vector<16xi32>,
          %get3A_783 = vector.shape_cast %get3A_782 : vector<16xi32> to vector<16xi32>
          %swap3A_784 = arith.constant 0 : i32
          %swap3A_785 = arith.index_cast %swap3A_784 : i32 to index
          %swap3A_786 = arith.constant 48 : index
          %swap3A_787 = tpu.vector_load %arg13[%swap3A_785, %swap3A_786] {strides = array<i32>} : memref<2x128xi32, #tpu.memory_space<vmem>>, vector<1x16xi32>,
          %swap3A_788 = vector.shape_cast %swap3A_787 : vector<1x16xi32> to vector<16xi32>
          %swap3A_789 = vector.shape_cast %get3A_783 : vector<16xi32> to vector<1x16xi32>
          tpu.vector_store %arg13[%swap3A_785, %swap3A_786], %swap3A_789 {strides = array<i32>} : memref<2x128xi32, #tpu.memory_space<vmem>>, vector<1x16xi32>,
          %get3A_790 = arith.constant 64 : index
          %get3A_791 = tpu.vector_load %arg7[%get3A_790] {strides = array<i32>} : memref<256xi32, #tpu.memory_space<vmem>>, vector<16xi32>,
          %get3A_792 = vector.shape_cast %get3A_791 : vector<16xi32> to vector<16xi32>
          %mul3A_793 = arith.constant 2 : i32
          %mul3A_794 = vector.broadcast %mul3A_793 : i32 to vector<16xi32>
          %mul3A_795 = arith.muli %get3A_792, %mul3A_794 : vector<16xi32>
          %add3A_796 = vector.broadcast %arg0 : i32 to vector<16xi32>
          %add3A_797 = arith.addi %mul3A_795, %add3A_796 : vector<16xi32>
          %swap3A_798 = arith.constant 0 : i32
          %swap3A_799 = arith.index_cast %swap3A_798 : i32 to index
          %swap3A_800 = arith.constant 64 : index
          %swap3A_801 = tpu.vector_load %arg11[%swap3A_799, %swap3A_800] {strides = array<i32>} : memref<2x128xi32, #tpu.memory_space<vmem>>, vector<1x16xi32>,
          %swap3A_802 = vector.shape_cast %swap3A_801 : vector<1x16xi32> to vector<16xi32>
          %swap3A_803 = vector.shape_cast %add3A_797 : vector<16xi32> to vector<1x16xi32>
          tpu.vector_store %arg11[%swap3A_799, %swap3A_800], %swap3A_803 {strides = array<i32>} : memref<2x128xi32, #tpu.memory_space<vmem>>, vector<1x16xi32>,
          %get3A_804 = arith.constant 64 : index
          %get3A_805 = tpu.vector_load %arg9[%get3A_804] {strides = array<i32>} : memref<256xi32, #tpu.memory_space<vmem>>, vector<16xi32>,
          %get3A_806 = vector.shape_cast %get3A_805 : vector<16xi32> to vector<16xi32>
          %swap3A_807 = arith.constant 0 : i32
          %swap3A_808 = arith.index_cast %swap3A_807 : i32 to index
          %swap3A_809 = arith.constant 64 : index
          %swap3A_810 = tpu.vector_load %arg13[%swap3A_808, %swap3A_809] {strides = array<i32>} : memref<2x128xi32, #tpu.memory_space<vmem>>, vector<1x16xi32>,
          %swap3A_811 = vector.shape_cast %swap3A_810 : vector<1x16xi32> to vector<16xi32>
          %swap3A_812 = vector.shape_cast %get3A_806 : vector<16xi32> to vector<1x16xi32>
          tpu.vector_store %arg13[%swap3A_808, %swap3A_809], %swap3A_812 {strides = array<i32>} : memref<2x128xi32, #tpu.memory_space<vmem>>, vector<1x16xi32>,
          %get3A_813 = arith.constant 80 : index
          %get3A_814 = tpu.vector_load %arg7[%get3A_813] {strides = array<i32>} : memref<256xi32, #tpu.memory_space<vmem>>, vector<16xi32>,
          %get3A_815 = vector.shape_cast %get3A_814 : vector<16xi32> to vector<16xi32>
          %mul3A_816 = arith.constant 2 : i32
          %mul3A_817 = vector.broadcast %mul3A_816 : i32 to vector<16xi32>
          %mul3A_818 = arith.muli %get3A_815, %mul3A_817 : vector<16xi32>
          %add3A_819 = vector.broadcast %arg0 : i32 to vector<16xi32>
          %add3A_820 = arith.addi %mul3A_818, %add3A_819 : vector<16xi32>
          %swap3A_821 = arith.constant 0 : i32
          %swap3A_822 = arith.index_cast %swap3A_821 : i32 to index
          %swap3A_823 = arith.constant 80 : index
          %swap3A_824 = tpu.vector_load %arg11[%swap3A_822, %swap3A_823] {strides = array<i32>} : memref<2x128xi32, #tpu.memory_space<vmem>>, vector<1x16xi32>,
          %swap3A_825 = vector.shape_cast %swap3A_824 : vector<1x16xi32> to vector<16xi32>
          %swap3A_826 = vector.shape_cast %add3A_820 : vector<16xi32> to vector<1x16xi32>
          tpu.vector_store %arg11[%swap3A_822, %swap3A_823], %swap3A_826 {strides = array<i32>} : memref<2x128xi32, #tpu.memory_space<vmem>>, vector<1x16xi32>,
          %get3A_827 = arith.constant 80 : index
          %get3A_828 = tpu.vector_load %arg9[%get3A_827] {strides = array<i32>} : memref<256xi32, #tpu.memory_space<vmem>>, vector<16xi32>,
          %get3A_829 = vector.shape_cast %get3A_828 : vector<16xi32> to vector<16xi32>
          %swap3A_830 = arith.constant 0 : i32
          %swap3A_831 = arith.index_cast %swap3A_830 : i32 to index
          %swap3A_832 = arith.constant 80 : index
          %swap3A_833 = tpu.vector_load %arg13[%swap3A_831, %swap3A_832] {strides = array<i32>} : memref<2x128xi32, #tpu.memory_space<vmem>>, vector<1x16xi32>,
          %swap3A_834 = vector.shape_cast %swap3A_833 : vector<1x16xi32> to vector<16xi32>
          %swap3A_835 = vector.shape_cast %get3A_829 : vector<16xi32> to vector<1x16xi32>
          tpu.vector_store %arg13[%swap3A_831, %swap3A_832], %swap3A_835 {strides = array<i32>} : memref<2x128xi32, #tpu.memory_space<vmem>>, vector<1x16xi32>,
          %get3A_836 = arith.constant 96 : index
          %get3A_837 = tpu.vector_load %arg7[%get3A_836] {strides = array<i32>} : memref<256xi32, #tpu.memory_space<vmem>>, vector<16xi32>,
          %get3A_838 = vector.shape_cast %get3A_837 : vector<16xi32> to vector<16xi32>
          %mul3A_839 = arith.constant 2 : i32
          %mul3A_840 = vector.broadcast %mul3A_839 : i32 to vector<16xi32>
          %mul3A_841 = arith.muli %get3A_838, %mul3A_840 : vector<16xi32>
          %add3A_842 = vector.broadcast %arg0 : i32 to vector<16xi32>
          %add3A_843 = arith.addi %mul3A_841, %add3A_842 : vector<16xi32>
          %swap3A_844 = arith.constant 0 : i32
          %swap3A_845 = arith.index_cast %swap3A_844 : i32 to index
          %swap3A_846 = arith.constant 96 : index
          %swap3A_847 = tpu.vector_load %arg11[%swap3A_845, %swap3A_846] {strides = array<i32>} : memref<2x128xi32, #tpu.memory_space<vmem>>, vector<1x16xi32>,
          %swap3A_848 = vector.shape_cast %swap3A_847 : vector<1x16xi32> to vector<16xi32>
          %swap3A_849 = vector.shape_cast %add3A_843 : vector<16xi32> to vector<1x16xi32>
          tpu.vector_store %arg11[%swap3A_845, %swap3A_846], %swap3A_849 {strides = array<i32>} : memref<2x128xi32, #tpu.memory_space<vmem>>, vector<1x16xi32>,
          %get3A_850 = arith.constant 96 : index
          %get3A_851 = tpu.vector_load %arg9[%get3A_850] {strides = array<i32>} : memref<256xi32, #tpu.memory_space<vmem>>, vector<16xi32>,
          %get3A_852 = vector.shape_cast %get3A_851 : vector<16xi32> to vector<16xi32>
          %swap3A_853 = arith.constant 0 : i32
          %swap3A_854 = arith.index_cast %swap3A_853 : i32 to index
          %swap3A_855 = arith.constant 96 : index
          %swap3A_856 = tpu.vector_load %arg13[%swap3A_854, %swap3A_855] {strides = array<i32>} : memref<2x128xi32, #tpu.memory_space<vmem>>, vector<1x16xi32>,
          %swap3A_857 = vector.shape_cast %swap3A_856 : vector<1x16xi32> to vector<16xi32>
          %swap3A_858 = vector.shape_cast %get3A_852 : vector<16xi32> to vector<1x16xi32>
          tpu.vector_store %arg13[%swap3A_854, %swap3A_855], %swap3A_858 {strides = array<i32>} : memref<2x128xi32, #tpu.memory_space<vmem>>, vector<1x16xi32>,
          %get3A_859 = arith.constant 112 : index
          %get3A_860 = tpu.vector_load %arg7[%get3A_859] {strides = array<i32>} : memref<256xi32, #tpu.memory_space<vmem>>, vector<16xi32>,
          %get3A_861 = vector.shape_cast %get3A_860 : vector<16xi32> to vector<16xi32>
          %mul3A_862 = arith.constant 2 : i32
          %mul3A_863 = vector.broadcast %mul3A_862 : i32 to vector<16xi32>
          %mul3A_864 = arith.muli %get3A_861, %mul3A_863 : vector<16xi32>
          %add3A_865 = vector.broadcast %arg0 : i32 to vector<16xi32>
          %add3A_866 = arith.addi %mul3A_864, %add3A_865 : vector<16xi32>
          %swap3A_867 = arith.constant 0 : i32
          %swap3A_868 = arith.index_cast %swap3A_867 : i32 to index
          %swap3A_869 = arith.constant 112 : index
          %swap3A_870 = tpu.vector_load %arg11[%swap3A_868, %swap3A_869] {strides = array<i32>} : memref<2x128xi32, #tpu.memory_space<vmem>>, vector<1x16xi32>,
          %swap3A_871 = vector.shape_cast %swap3A_870 : vector<1x16xi32> to vector<16xi32>
          %swap3A_872 = vector.shape_cast %add3A_866 : vector<16xi32> to vector<1x16xi32>
          tpu.vector_store %arg11[%swap3A_868, %swap3A_869], %swap3A_872 {strides = array<i32>} : memref<2x128xi32, #tpu.memory_space<vmem>>, vector<1x16xi32>,
          %get3A_873 = arith.constant 112 : index
          %get3A_874 = tpu.vector_load %arg9[%get3A_873] {strides = array<i32>} : memref<256xi32, #tpu.memory_space<vmem>>, vector<16xi32>,
          %get3A_875 = vector.shape_cast %get3A_874 : vector<16xi32> to vector<16xi32>
          %swap3A_876 = arith.constant 0 : i32
          %swap3A_877 = arith.index_cast %swap3A_876 : i32 to index
          %swap3A_878 = arith.constant 112 : index
          %swap3A_879 = tpu.vector_load %arg13[%swap3A_877, %swap3A_878] {strides = array<i32>} : memref<2x128xi32, #tpu.memory_space<vmem>>, vector<1x16xi32>,
          %swap3A_880 = vector.shape_cast %swap3A_879 : vector<1x16xi32> to vector<16xi32>
          %swap3A_881 = vector.shape_cast %get3A_875 : vector<16xi32> to vector<1x16xi32>
          tpu.vector_store %arg13[%swap3A_877, %swap3A_878], %swap3A_881 {strides = array<i32>} : memref<2x128xi32, #tpu.memory_space<vmem>>, vector<1x16xi32>,
          %get3A_882 = arith.constant 128 : index
          %get3A_883 = tpu.vector_load %arg7[%get3A_882] {strides = array<i32>} : memref<256xi32, #tpu.memory_space<vmem>>, vector<16xi32>,
          %get3A_884 = vector.shape_cast %get3A_883 : vector<16xi32> to vector<16xi32>
          %mul3A_885 = arith.constant 2 : i32
          %mul3A_886 = vector.broadcast %mul3A_885 : i32 to vector<16xi32>
          %mul3A_887 = arith.muli %get3A_884, %mul3A_886 : vector<16xi32>
          %add3A_888 = vector.broadcast %arg0 : i32 to vector<16xi32>
          %add3A_889 = arith.addi %mul3A_887, %add3A_888 : vector<16xi32>
          %swap3A_890 = arith.constant 1 : i32
          %swap3A_891 = arith.index_cast %swap3A_890 : i32 to index
          %swap3A_892 = arith.constant 0 : index
          %swap3A_893 = tpu.vector_load %arg11[%swap3A_891, %swap3A_892] {strides = array<i32>} : memref<2x128xi32, #tpu.memory_space<vmem>>, vector<1x16xi32>,
          %swap3A_894 = vector.shape_cast %swap3A_893 : vector<1x16xi32> to vector<16xi32>
          %swap3A_895 = vector.shape_cast %add3A_889 : vector<16xi32> to vector<1x16xi32>
          tpu.vector_store %arg11[%swap3A_891, %swap3A_892], %swap3A_895 {strides = array<i32>} : memref<2x128xi32, #tpu.memory_space<vmem>>, vector<1x16xi32>,
          %get3A_896 = arith.constant 128 : index
          %get3A_897 = tpu.vector_load %arg9[%get3A_896] {strides = array<i32>} : memref<256xi32, #tpu.memory_space<vmem>>, vector<16xi32>,
          %get3A_898 = vector.shape_cast %get3A_897 : vector<16xi32> to vector<16xi32>
          %swap3A_899 = arith.constant 1 : i32
          %swap3A_900 = arith.index_cast %swap3A_899 : i32 to index
          %swap3A_901 = arith.constant 0 : index
          %swap3A_902 = tpu.vector_load %arg13[%swap3A_900, %swap3A_901] {strides = array<i32>} : memref<2x128xi32, #tpu.memory_space<vmem>>, vector<1x16xi32>,
          %swap3A_903 = vector.shape_cast %swap3A_902 : vector<1x16xi32> to vector<16xi32>
          %swap3A_904 = vector.shape_cast %get3A_898 : vector<16xi32> to vector<1x16xi32>
          tpu.vector_store %arg13[%swap3A_900, %swap3A_901], %swap3A_904 {strides = array<i32>} : memref<2x128xi32, #tpu.memory_space<vmem>>, vector<1x16xi32>,
          %get3A_905 = arith.constant 144 : index
          %get3A_906 = tpu.vector_load %arg7[%get3A_905] {strides = array<i32>} : memref<256xi32, #tpu.memory_space<vmem>>, vector<16xi32>,
          %get3A_907 = vector.shape_cast %get3A_906 : vector<16xi32> to vector<16xi32>
          %mul3A_908 = arith.constant 2 : i32
          %mul3A_909 = vector.broadcast %mul3A_908 : i32 to vector<16xi32>
          %mul3A_910 = arith.muli %get3A_907, %mul3A_909 : vector<16xi32>
          %add3A_911 = vector.broadcast %arg0 : i32 to vector<16xi32>
          %add3A_912 = arith.addi %mul3A_910, %add3A_911 : vector<16xi32>
          %swap3A_913 = arith.constant 1 : i32
          %swap3A_914 = arith.index_cast %swap3A_913 : i32 to index
          %swap3A_915 = arith.constant 16 : index
          %swap3A_916 = tpu.vector_load %arg11[%swap3A_914, %swap3A_915] {strides = array<i32>} : memref<2x128xi32, #tpu.memory_space<vmem>>, vector<1x16xi32>,
          %swap3A_917 = vector.shape_cast %swap3A_916 : vector<1x16xi32> to vector<16xi32>
          %swap3A_918 = vector.shape_cast %add3A_912 : vector<16xi32> to vector<1x16xi32>
          tpu.vector_store %arg11[%swap3A_914, %swap3A_915], %swap3A_918 {strides = array<i32>} : memref<2x128xi32, #tpu.memory_space<vmem>>, vector<1x16xi32>,
          %get3A_919 = arith.constant 144 : index
          %get3A_920 = tpu.vector_load %arg9[%get3A_919] {strides = array<i32>} : memref<256xi32, #tpu.memory_space<vmem>>, vector<16xi32>,
          %get3A_921 = vector.shape_cast %get3A_920 : vector<16xi32> to vector<16xi32>
          %swap3A_922 = arith.constant 1 : i32
          %swap3A_923 = arith.index_cast %swap3A_922 : i32 to index
          %swap3A_924 = arith.constant 16 : index
          %swap3A_925 = tpu.vector_load %arg13[%swap3A_923, %swap3A_924] {strides = array<i32>} : memref<2x128xi32, #tpu.memory_space<vmem>>, vector<1x16xi32>,
          %swap3A_926 = vector.shape_cast %swap3A_925 : vector<1x16xi32> to vector<16xi32>
          %swap3A_927 = vector.shape_cast %get3A_921 : vector<16xi32> to vector<1x16xi32>
          tpu.vector_store %arg13[%swap3A_923, %swap3A_924], %swap3A_927 {strides = array<i32>} : memref<2x128xi32, #tpu.memory_space<vmem>>, vector<1x16xi32>,
          %get3A_928 = arith.constant 160 : index
          %get3A_929 = tpu.vector_load %arg7[%get3A_928] {strides = array<i32>} : memref<256xi32, #tpu.memory_space<vmem>>, vector<16xi32>,
          %get3A_930 = vector.shape_cast %get3A_929 : vector<16xi32> to vector<16xi32>
          %mul3A_931 = arith.constant 2 : i32
          %mul3A_932 = vector.broadcast %mul3A_931 : i32 to vector<16xi32>
          %mul3A_933 = arith.muli %get3A_930, %mul3A_932 : vector<16xi32>
          %add3A_934 = vector.broadcast %arg0 : i32 to vector<16xi32>
          %add3A_935 = arith.addi %mul3A_933, %add3A_934 : vector<16xi32>
          %swap3A_936 = arith.constant 1 : i32
          %swap3A_937 = arith.index_cast %swap3A_936 : i32 to index
          %swap3A_938 = arith.constant 32 : index
          %swap3A_939 = tpu.vector_load %arg11[%swap3A_937, %swap3A_938] {strides = array<i32>} : memref<2x128xi32, #tpu.memory_space<vmem>>, vector<1x16xi32>,
          %swap3A_940 = vector.shape_cast %swap3A_939 : vector<1x16xi32> to vector<16xi32>
          %swap3A_941 = vector.shape_cast %add3A_935 : vector<16xi32> to vector<1x16xi32>
          tpu.vector_store %arg11[%swap3A_937, %swap3A_938], %swap3A_941 {strides = array<i32>} : memref<2x128xi32, #tpu.memory_space<vmem>>, vector<1x16xi32>,
          %get3A_942 = arith.constant 160 : index
          %get3A_943 = tpu.vector_load %arg9[%get3A_942] {strides = array<i32>} : memref<256xi32, #tpu.memory_space<vmem>>, vector<16xi32>,
          %get3A_944 = vector.shape_cast %get3A_943 : vector<16xi32> to vector<16xi32>
          %swap3A_945 = arith.constant 1 : i32
          %swap3A_946 = arith.index_cast %swap3A_945 : i32 to index
          %swap3A_947 = arith.constant 32 : index
          %swap3A_948 = tpu.vector_load %arg13[%swap3A_946, %swap3A_947] {strides = array<i32>} : memref<2x128xi32, #tpu.memory_space<vmem>>, vector<1x16xi32>,
          %swap3A_949 = vector.shape_cast %swap3A_948 : vector<1x16xi32> to vector<16xi32>
          %swap3A_950 = vector.shape_cast %get3A_944 : vector<16xi32> to vector<1x16xi32>
          tpu.vector_store %arg13[%swap3A_946, %swap3A_947], %swap3A_950 {strides = array<i32>} : memref<2x128xi32, #tpu.memory_space<vmem>>, vector<1x16xi32>,
          %get3A_951 = arith.constant 176 : index
          %get3A_952 = tpu.vector_load %arg7[%get3A_951] {strides = array<i32>} : memref<256xi32, #tpu.memory_space<vmem>>, vector<16xi32>,
          %get3A_953 = vector.shape_cast %get3A_952 : vector<16xi32> to vector<16xi32>
          %mul3A_954 = arith.constant 2 : i32
          %mul3A_955 = vector.broadcast %mul3A_954 : i32 to vector<16xi32>
          %mul3A_956 = arith.muli %get3A_953, %mul3A_955 : vector<16xi32>
          %add3A_957 = vector.broadcast %arg0 : i32 to vector<16xi32>
          %add3A_958 = arith.addi %mul3A_956, %add3A_957 : vector<16xi32>
          %swap3A_959 = arith.constant 1 : i32
          %swap3A_960 = arith.index_cast %swap3A_959 : i32 to index
          %swap3A_961 = arith.constant 48 : index
          %swap3A_962 = tpu.vector_load %arg11[%swap3A_960, %swap3A_961] {strides = array<i32>} : memref<2x128xi32, #tpu.memory_space<vmem>>, vector<1x16xi32>,
          %swap3A_963 = vector.shape_cast %swap3A_962 : vector<1x16xi32> to vector<16xi32>
          %swap3A_964 = vector.shape_cast %add3A_958 : vector<16xi32> to vector<1x16xi32>
          tpu.vector_store %arg11[%swap3A_960, %swap3A_961], %swap3A_964 {strides = array<i32>} : memref<2x128xi32, #tpu.memory_space<vmem>>, vector<1x16xi32>,
          %get3A_965 = arith.constant 176 : index
          %get3A_966 = tpu.vector_load %arg9[%get3A_965] {strides = array<i32>} : memref<256xi32, #tpu.memory_space<vmem>>, vector<16xi32>,
          %get3A_967 = vector.shape_cast %get3A_966 : vector<16xi32> to vector<16xi32>
          %swap3A_968 = arith.constant 1 : i32
          %swap3A_969 = arith.index_cast %swap3A_968 : i32 to index
          %swap3A_970 = arith.constant 48 : index
          %swap3A_971 = tpu.vector_load %arg13[%swap3A_969, %swap3A_970] {strides = array<i32>} : memref<2x128xi32, #tpu.memory_space<vmem>>, vector<1x16xi32>,
          %swap3A_972 = vector.shape_cast %swap3A_971 : vector<1x16xi32> to vector<16xi32>
          %swap3A_973 = vector.shape_cast %get3A_967 : vector<16xi32> to vector<1x16xi32>
          tpu.vector_store %arg13[%swap3A_969, %swap3A_970], %swap3A_973 {strides = array<i32>} : memref<2x128xi32, #tpu.memory_space<vmem>>, vector<1x16xi32>,
          %get3A_974 = arith.constant 192 : index
          %get3A_975 = tpu.vector_load %arg7[%get3A_974] {strides = array<i32>} : memref<256xi32, #tpu.memory_space<vmem>>, vector<16xi32>,
          %get3A_976 = vector.shape_cast %get3A_975 : vector<16xi32> to vector<16xi32>
          %mul3A_977 = arith.constant 2 : i32
          %mul3A_978 = vector.broadcast %mul3A_977 : i32 to vector<16xi32>
          %mul3A_979 = arith.muli %get3A_976, %mul3A_978 : vector<16xi32>
          %add3A_980 = vector.broadcast %arg0 : i32 to vector<16xi32>
          %add3A_981 = arith.addi %mul3A_979, %add3A_980 : vector<16xi32>
          %swap3A_982 = arith.constant 1 : i32
          %swap3A_983 = arith.index_cast %swap3A_982 : i32 to index
          %swap3A_984 = arith.constant 64 : index
          %swap3A_985 = tpu.vector_load %arg11[%swap3A_983, %swap3A_984] {strides = array<i32>} : memref<2x128xi32, #tpu.memory_space<vmem>>, vector<1x16xi32>,
          %swap3A_986 = vector.shape_cast %swap3A_985 : vector<1x16xi32> to vector<16xi32>
          %swap3A_987 = vector.shape_cast %add3A_981 : vector<16xi32> to vector<1x16xi32>
          tpu.vector_store %arg11[%swap3A_983, %swap3A_984], %swap3A_987 {strides = array<i32>} : memref<2x128xi32, #tpu.memory_space<vmem>>, vector<1x16xi32>,
          %get3A_988 = arith.constant 192 : index
          %get3A_989 = tpu.vector_load %arg9[%get3A_988] {strides = array<i32>} : memref<256xi32, #tpu.memory_space<vmem>>, vector<16xi32>,
          %get3A_990 = vector.shape_cast %get3A_989 : vector<16xi32> to vector<16xi32>
          %swap3A_991 = arith.constant 1 : i32
          %swap3A_992 = arith.index_cast %swap3A_991 : i32 to index
          %swap3A_993 = arith.constant 64 : index
          %swap3A_994 = tpu.vector_load %arg13[%swap3A_992, %swap3A_993] {strides = array<i32>} : memref<2x128xi32, #tpu.memory_space<vmem>>, vector<1x16xi32>,
          %swap3A_995 = vector.shape_cast %swap3A_994 : vector<1x16xi32> to vector<16xi32>
          %swap3A_996 = vector.shape_cast %get3A_990 : vector<16xi32> to vector<1x16xi32>
          tpu.vector_store %arg13[%swap3A_992, %swap3A_993], %swap3A_996 {strides = array<i32>} : memref<2x128xi32, #tpu.memory_space<vmem>>, vector<1x16xi32>,
          %get3A_997 = arith.constant 208 : index
          %get3A_998 = tpu.vector_load %arg7[%get3A_997] {strides = array<i32>} : memref<256xi32, #tpu.memory_space<vmem>>, vector<16xi32>,
          %get3A_999 = vector.shape_cast %get3A_998 : vector<16xi32> to vector<16xi32>
          %mul3A_1000 = arith.constant 2 : i32
          %mul3A_1001 = vector.broadcast %mul3A_1000 : i32 to vector<16xi32>
          %mul3A_1002 = arith.muli %get3A_999, %mul3A_1001 : vector<16xi32>
          %add3A_1003 = vector.broadcast %arg0 : i32 to vector<16xi32>
          %add3A_1004 = arith.addi %mul3A_1002, %add3A_1003 : vector<16xi32>
          %swap3A_1005 = arith.constant 1 : i32
          %swap3A_1006 = arith.index_cast %swap3A_1005 : i32 to index
          %swap3A_1007 = arith.constant 80 : index
          %swap3A_1008 = tpu.vector_load %arg11[%swap3A_1006, %swap3A_1007] {strides = array<i32>} : memref<2x128xi32, #tpu.memory_space<vmem>>, vector<1x16xi32>,
          %swap3A_1009 = vector.shape_cast %swap3A_1008 : vector<1x16xi32> to vector<16xi32>
          %swap3A_1010 = vector.shape_cast %add3A_1004 : vector<16xi32> to vector<1x16xi32>
          tpu.vector_store %arg11[%swap3A_1006, %swap3A_1007], %swap3A_1010 {strides = array<i32>} : memref<2x128xi32, #tpu.memory_space<vmem>>, vector<1x16xi32>,
          %get3A_1011 = arith.constant 208 : index
          %get3A_1012 = tpu.vector_load %arg9[%get3A_1011] {strides = array<i32>} : memref<256xi32, #tpu.memory_space<vmem>>, vector<16xi32>,
          %get3A_1013 = vector.shape_cast %get3A_1012 : vector<16xi32> to vector<16xi32>
          %swap3A_1014 = arith.constant 1 : i32
          %swap3A_1015 = arith.index_cast %swap3A_1014 : i32 to index
          %swap3A_1016 = arith.constant 80 : index
          %swap3A_1017 = tpu.vector_load %arg13[%swap3A_1015, %swap3A_1016] {strides = array<i32>} : memref<2x128xi32, #tpu.memory_space<vmem>>, vector<1x16xi32>,
          %swap3A_1018 = vector.shape_cast %swap3A_1017 : vector<1x16xi32> to vector<16xi32>
          %swap3A_1019 = vector.shape_cast %get3A_1013 : vector<16xi32> to vector<1x16xi32>
          tpu.vector_store %arg13[%swap3A_1015, %swap3A_1016], %swap3A_1019 {strides = array<i32>} : memref<2x128xi32, #tpu.memory_space<vmem>>, vector<1x16xi32>,
          %get3A_1020 = arith.constant 224 : index
          %get3A_1021 = tpu.vector_load %arg7[%get3A_1020] {strides = array<i32>} : memref<256xi32, #tpu.memory_space<vmem>>, vector<16xi32>,
          %get3A_1022 = vector.shape_cast %get3A_1021 : vector<16xi32> to vector<16xi32>
          %mul3A_1023 = arith.constant 2 : i32
          %mul3A_1024 = vector.broadcast %mul3A_1023 : i32 to vector<16xi32>
          %mul3A_1025 = arith.muli %get3A_1022, %mul3A_1024 : vector<16xi32>
          %add3A_1026 = vector.broadcast %arg0 : i32 to vector<16xi32>
          %add3A_1027 = arith.addi %mul3A_1025, %add3A_1026 : vector<16xi32>
          %swap3A_1028 = arith.constant 1 : i32
          %swap3A_1029 = arith.index_cast %swap3A_1028 : i32 to index
          %swap3A_1030 = arith.constant 96 : index
          %swap3A_1031 = tpu.vector_load %arg11[%swap3A_1029, %swap3A_1030] {strides = array<i32>} : memref<2x128xi32, #tpu.memory_space<vmem>>, vector<1x16xi32>,
          %swap3A_1032 = vector.shape_cast %swap3A_1031 : vector<1x16xi32> to vector<16xi32>
          %swap3A_1033 = vector.shape_cast %add3A_1027 : vector<16xi32> to vector<1x16xi32>
          tpu.vector_store %arg11[%swap3A_1029, %swap3A_1030], %swap3A_1033 {strides = array<i32>} : memref<2x128xi32, #tpu.memory_space<vmem>>, vector<1x16xi32>,
          %get3A_1034 = arith.constant 224 : index
          %get3A_1035 = tpu.vector_load %arg9[%get3A_1034] {strides = array<i32>} : memref<256xi32, #tpu.memory_space<vmem>>, vector<16xi32>,
          %get3A_1036 = vector.shape_cast %get3A_1035 : vector<16xi32> to vector<16xi32>
          %swap3A_1037 = arith.constant 1 : i32
          %swap3A_1038 = arith.index_cast %swap3A_1037 : i32 to index
          %swap3A_1039 = arith.constant 96 : index
          %swap3A_1040 = tpu.vector_load %arg13[%swap3A_1038, %swap3A_1039] {strides = array<i32>} : memref<2x128xi32, #tpu.memory_space<vmem>>, vector<1x16xi32>,
          %swap3A_1041 = vector.shape_cast %swap3A_1040 : vector<1x16xi32> to vector<16xi32>
          %swap3A_1042 = vector.shape_cast %get3A_1036 : vector<16xi32> to vector<1x16xi32>
          tpu.vector_store %arg13[%swap3A_1038, %swap3A_1039], %swap3A_1042 {strides = array<i32>} : memref<2x128xi32, #tpu.memory_space<vmem>>, vector<1x16xi32>,
          %get3A_1043 = arith.constant 240 : index
          %get3A_1044 = tpu.vector_load %arg7[%get3A_1043] {strides = array<i32>} : memref<256xi32, #tpu.memory_space<vmem>>, vector<16xi32>,
          %get3A_1045 = vector.shape_cast %get3A_1044 : vector<16xi32> to vector<16xi32>
          %mul3A_1046 = arith.constant 2 : i32
          %mul3A_1047 = vector.broadcast %mul3A_1046 : i32 to vector<16xi32>
          %mul3A_1048 = arith.muli %get3A_1045, %mul3A_1047 : vector<16xi32>
          %add3A_1049 = vector.broadcast %arg0 : i32 to vector<16xi32>
          %add3A_1050 = arith.addi %mul3A_1048, %add3A_1049 : vector<16xi32>
          %swap3A_1051 = arith.constant 1 : i32
          %swap3A_1052 = arith.index_cast %swap3A_1051 : i32 to index
          %swap3A_1053 = arith.constant 112 : index
          %swap3A_1054 = tpu.vector_load %arg11[%swap3A_1052, %swap3A_1053] {strides = array<i32>} : memref<2x128xi32, #tpu.memory_space<vmem>>, vector<1x16xi32>,
          %swap3A_1055 = vector.shape_cast %swap3A_1054 : vector<1x16xi32> to vector<16xi32>
          %swap3A_1056 = vector.shape_cast %add3A_1050 : vector<16xi32> to vector<1x16xi32>
          tpu.vector_store %arg11[%swap3A_1052, %swap3A_1053], %swap3A_1056 {strides = array<i32>} : memref<2x128xi32, #tpu.memory_space<vmem>>, vector<1x16xi32>,
          %get3A_1057 = arith.constant 240 : index
          %get3A_1058 = tpu.vector_load %arg9[%get3A_1057] {strides = array<i32>} : memref<256xi32, #tpu.memory_space<vmem>>, vector<16xi32>,
          %get3A_1059 = vector.shape_cast %get3A_1058 : vector<16xi32> to vector<16xi32>
          %swap3A_1060 = arith.constant 1 : i32
          %swap3A_1061 = arith.index_cast %swap3A_1060 : i32 to index
          %swap3A_1062 = arith.constant 112 : index
          %swap3A_1063 = tpu.vector_load %arg13[%swap3A_1061, %swap3A_1062] {strides = array<i32>} : memref<2x128xi32, #tpu.memory_space<vmem>>, vector<1x16xi32>,
          %swap3A_1064 = vector.shape_cast %swap3A_1063 : vector<1x16xi32> to vector<16xi32>
          %swap3A_1065 = vector.shape_cast %get3A_1059 : vector<16xi32> to vector<1x16xi32>
          tpu.vector_store %arg13[%swap3A_1061, %swap3A_1062], %swap3A_1065 {strides = array<i32>} : memref<2x128xi32, #tpu.memory_space<vmem>>, vector<1x16xi32>,
          %dma_start3A_1066 = arith.constant 0 : i32
          %dma_start3A_1067 = arith.constant 0 : i32
          %dma_start3A_1068 = arith.constant 0 : i32
          %dma_start3A_1069 = tpu.memref_slice %arg15[%dma_start3A_1067, %dma_start3A_1068] : memref<256x32xf32, #tpu.memory_space<vmem>> -> memref<128x32xf32, #tpu.memory_space<vmem>>
          %dma_start3A_1070 = arith.constant 0 : i32
          %dma_start3A_1071 = tpu.memref_slice %arg11[%dma_start3A_1066, %dma_start3A_1070] : memref<2x128xi32, #tpu.memory_space<vmem>> -> memref<1x128xi32, #tpu.memory_space<vmem>>
          %dma_start3A_1072 = tpu.memref_squeeze %dma_start3A_1071 : memref<1x128xi32, #tpu.memory_space<vmem>> -> memref<128xi32, #tpu.memory_space<vmem>>
          %dma_start3A_1073 = arith.constant 0 : i32
          %dma_start3A_1074 = arith.constant 0 : i32
          %dma_start3A_1075 = tpu.memref_slice %arg2[%dma_start3A_1073, %dma_start3A_1074] : memref<100000x32xf32, #tpu.memory_space<hbm>> -> memref<100000x32xf32, #tpu.memory_space<hbm>>
          tpu.enqueue_indirect_dma source(%dma_start3A_1075 : memref<100000x32xf32, #tpu.memory_space<hbm>>) target(%dma_start3A_1069 : memref<128x32xf32, #tpu.memory_space<vmem>>) offsets(%dma_start3A_1072 : memref<128xi32, #tpu.memory_space<vmem>>) semaphore(%arg20 : memref<!tpu.dma_semaphore, #tpu.memory_space<semaphore_mem>>)
          %dma_start3A_1076 = arith.constant 1 : i32
          %dma_start3A_1077 = arith.constant 128 : i32
          %dma_start3A_1078 = arith.constant 0 : i32
          %dma_start3A_1079 = tpu.memref_slice %arg15[%dma_start3A_1077, %dma_start3A_1078] : memref<256x32xf32, #tpu.memory_space<vmem>> -> memref<128x32xf32, #tpu.memory_space<vmem>>
          %dma_start3A_1080 = arith.constant 0 : i32
          %dma_start3A_1081 = tpu.memref_slice %arg11[%dma_start3A_1076, %dma_start3A_1080] : memref<2x128xi32, #tpu.memory_space<vmem>> -> memref<1x128xi32, #tpu.memory_space<vmem>>
          %dma_start3A_1082 = tpu.memref_squeeze %dma_start3A_1081 : memref<1x128xi32, #tpu.memory_space<vmem>> -> memref<128xi32, #tpu.memory_space<vmem>>
          %dma_start3A_1083 = arith.constant 0 : i32
          %dma_start3A_1084 = arith.constant 0 : i32
          %dma_start3A_1085 = tpu.memref_slice %arg2[%dma_start3A_1083, %dma_start3A_1084] : memref<100000x32xf32, #tpu.memory_space<hbm>> -> memref<100000x32xf32, #tpu.memory_space<hbm>>
          tpu.enqueue_indirect_dma source(%dma_start3A_1085 : memref<100000x32xf32, #tpu.memory_space<hbm>>) target(%dma_start3A_1079 : memref<128x32xf32, #tpu.memory_space<vmem>>) offsets(%dma_start3A_1082 : memref<128xi32, #tpu.memory_space<vmem>>) semaphore(%arg20 : memref<!tpu.dma_semaphore, #tpu.memory_space<semaphore_mem>>)
        } else {
        }
        %add3A_666 = arith.constant 1 : i32
        %add3A_667 = arith.addi %add3A_609, %add3A_666 : i32
        %ge3A_668 = arith.cmpi sge, %add3A_667, %add3A_138 : i32
        %convert_element_type3A_669 = arith.extui %ge3A_668 : i1 to i32
        %cond3A_670 = arith.constant 0 : i32
        %cond3A_671 = arith.cmpi ne, %convert_element_type3A_669, %cond3A_670 : i32
        scf.if %cond3A_671 {
          %ge3A_678 = arith.constant 1 : i32
          %ge3A_679 = arith.cmpi sge, %add3A_609, %ge3A_678 : i32
          %convert_element_type3A_680 = arith.extui %ge3A_679 : i1 to i32
          %cond3A_681 = arith.constant 0 : i32
          %cond3A_682 = arith.cmpi ne, %convert_element_type3A_680, %cond3A_681 : i32
          scf.if %cond3A_682 {
            %dma_wait3A_703 = arith.constant 0 : i32
            %dma_wait3A_704 = arith.constant 0 : i32
            %dma_wait3A_705 = arith.constant 0 : i32
            %dma_wait3A_706 = tpu.memref_slice %arg15[%dma_wait3A_704, %dma_wait3A_705] : memref<256x32xf32, #tpu.memory_space<vmem>> -> memref<128x32xf32, #tpu.memory_space<vmem>>
            %dma_wait3A_707 = arith.constant 0 : i32
            %dma_wait3A_708 = tpu.memref_slice %arg13[%dma_wait3A_703, %dma_wait3A_707] : memref<2x128xi32, #tpu.memory_space<vmem>> -> memref<1x128xi32, #tpu.memory_space<vmem>>
            %dma_wait3A_709 = tpu.memref_squeeze %dma_wait3A_708 : memref<1x128xi32, #tpu.memory_space<vmem>> -> memref<128xi32, #tpu.memory_space<vmem>>
            %dma_wait3A_710 = arith.constant 0 : i32
            %dma_wait3A_711 = arith.constant 0 : i32
            %dma_wait3A_712 = tpu.memref_slice %arg16[%dma_wait3A_710, %dma_wait3A_711] : memref<50000x32xf32, #tpu.memory_space<vmem_shared>> -> memref<50000x32xf32, #tpu.memory_space<vmem_shared>>
            tpu.wait_indirect_dma semaphore(%arg22 : memref<!tpu.dma_semaphore, #tpu.memory_space<semaphore_mem>>) src(%dma_wait3A_706 : memref<128x32xf32, #tpu.memory_space<vmem>>) dst(%dma_wait3A_712 : memref<50000x32xf32, #tpu.memory_space<vmem_shared>>)
            %dma_wait3A_713 = arith.constant 1 : i32
            %dma_wait3A_714 = arith.constant 128 : i32
            %dma_wait3A_715 = arith.constant 0 : i32
            %dma_wait3A_716 = tpu.memref_slice %arg15[%dma_wait3A_714, %dma_wait3A_715] : memref<256x32xf32, #tpu.memory_space<vmem>> -> memref<128x32xf32, #tpu.memory_space<vmem>>
            %dma_wait3A_717 = arith.constant 0 : i32
            %dma_wait3A_718 = tpu.memref_slice %arg13[%dma_wait3A_713, %dma_wait3A_717] : memref<2x128xi32, #tpu.memory_space<vmem>> -> memref<1x128xi32, #tpu.memory_space<vmem>>
            %dma_wait3A_719 = tpu.memref_squeeze %dma_wait3A_718 : memref<1x128xi32, #tpu.memory_space<vmem>> -> memref<128xi32, #tpu.memory_space<vmem>>
            %dma_wait3A_720 = arith.constant 0 : i32
            %dma_wait3A_721 = arith.constant 0 : i32
            %dma_wait3A_722 = tpu.memref_slice %arg16[%dma_wait3A_720, %dma_wait3A_721] : memref<50000x32xf32, #tpu.memory_space<vmem_shared>> -> memref<50000x32xf32, #tpu.memory_space<vmem_shared>>
            tpu.wait_indirect_dma semaphore(%arg22 : memref<!tpu.dma_semaphore, #tpu.memory_space<semaphore_mem>>) src(%dma_wait3A_716 : memref<128x32xf32, #tpu.memory_space<vmem>>) dst(%dma_wait3A_722 : memref<50000x32xf32, #tpu.memory_space<vmem_shared>>)
          } else {
          }
          %dma_wait3A_683 = arith.constant 0 : i32
          %dma_wait3A_684 = arith.constant 0 : i32
          %dma_wait3A_685 = arith.constant 0 : i32
          %dma_wait3A_686 = tpu.memref_slice %arg14[%dma_wait3A_684, %dma_wait3A_685] : memref<256x32xf32, #tpu.memory_space<vmem>> -> memref<128x32xf32, #tpu.memory_space<vmem>>
          %dma_wait3A_687 = arith.constant 0 : i32
          %dma_wait3A_688 = tpu.memref_slice %arg12[%dma_wait3A_683, %dma_wait3A_687] : memref<2x128xi32, #tpu.memory_space<vmem>> -> memref<1x128xi32, #tpu.memory_space<vmem>>
          %dma_wait3A_689 = tpu.memref_squeeze %dma_wait3A_688 : memref<1x128xi32, #tpu.memory_space<vmem>> -> memref<128xi32, #tpu.memory_space<vmem>>
          %dma_wait3A_690 = arith.constant 0 : i32
          %dma_wait3A_691 = arith.constant 0 : i32
          %dma_wait3A_692 = tpu.memref_slice %arg16[%dma_wait3A_690, %dma_wait3A_691] : memref<50000x32xf32, #tpu.memory_space<vmem_shared>> -> memref<50000x32xf32, #tpu.memory_space<vmem_shared>>
          tpu.wait_indirect_dma semaphore(%arg21 : memref<!tpu.dma_semaphore, #tpu.memory_space<semaphore_mem>>) src(%dma_wait3A_686 : memref<128x32xf32, #tpu.memory_space<vmem>>) dst(%dma_wait3A_692 : memref<50000x32xf32, #tpu.memory_space<vmem_shared>>)
          %dma_wait3A_693 = arith.constant 1 : i32
          %dma_wait3A_694 = arith.constant 128 : i32
          %dma_wait3A_695 = arith.constant 0 : i32
          %dma_wait3A_696 = tpu.memref_slice %arg14[%dma_wait3A_694, %dma_wait3A_695] : memref<256x32xf32, #tpu.memory_space<vmem>> -> memref<128x32xf32, #tpu.memory_space<vmem>>
          %dma_wait3A_697 = arith.constant 0 : i32
          %dma_wait3A_698 = tpu.memref_slice %arg12[%dma_wait3A_693, %dma_wait3A_697] : memref<2x128xi32, #tpu.memory_space<vmem>> -> memref<1x128xi32, #tpu.memory_space<vmem>>
          %dma_wait3A_699 = tpu.memref_squeeze %dma_wait3A_698 : memref<1x128xi32, #tpu.memory_space<vmem>> -> memref<128xi32, #tpu.memory_space<vmem>>
          %dma_wait3A_700 = arith.constant 0 : i32
          %dma_wait3A_701 = arith.constant 0 : i32
          %dma_wait3A_702 = tpu.memref_slice %arg16[%dma_wait3A_700, %dma_wait3A_701] : memref<50000x32xf32, #tpu.memory_space<vmem_shared>> -> memref<50000x32xf32, #tpu.memory_space<vmem_shared>>
          tpu.wait_indirect_dma semaphore(%arg21 : memref<!tpu.dma_semaphore, #tpu.memory_space<semaphore_mem>>) src(%dma_wait3A_696 : memref<128x32xf32, #tpu.memory_space<vmem>>) dst(%dma_wait3A_702 : memref<50000x32xf32, #tpu.memory_space<vmem_shared>>)
        } else {
        }
        %add3A_672 = arith.constant 2 : i32
        %add3A_673 = arith.addi %add3A_609, %add3A_672 : i32
        %lt3A_674 = arith.cmpi slt, %add3A_673, %add3A_138 : i32
        %convert_element_type3A_675 = arith.extui %lt3A_674 : i1 to i32
        %cond3A_676 = arith.constant 0 : i32
        %cond3A_677 = arith.cmpi ne, %convert_element_type3A_675, %cond3A_676 : i32
        scf.if %cond3A_677 {
          %add3A_678 = arith.constant 2 : i32
          %add3A_679 = arith.addi %add3A_609, %add3A_678 : i32
          %mul3A_680 = arith.constant 256 : i32
          %mul3A_681 = arith.muli %add3A_679, %mul3A_680 : i32
          %add3A_682 = arith.addi %mul3A_145, %mul3A_681 : i32
          %dma_start3A_683 = arith.constant 0 : i32
          %dma_start3A_684 = tpu.memref_slice %arg3[%dma_start3A_683, %add3A_682] : memref<2x800000xi32, #tpu.memory_space<hbm>> -> memref<1x256xi32, #tpu.memory_space<hbm>>
          %dma_start3A_685 = tpu.memref_squeeze %dma_start3A_684 : memref<1x256xi32, #tpu.memory_space<hbm>> -> memref<256xi32, #tpu.memory_space<hbm>>
          %dma_start3A_686 = tpu.memref_slice %arg3[%dma_start3A_683, %add3A_682] : memref<2x800000xi32, #tpu.memory_space<hbm>> -> memref<1x256xi32, #tpu.memory_space<hbm>>
          %dma_start3A_687 = tpu.memref_squeeze %dma_start3A_686 : memref<1x256xi32, #tpu.memory_space<hbm>> -> memref<256xi32, #tpu.memory_space<hbm>>
          tpu.enqueue_dma source(%dma_start3A_687 : memref<256xi32, #tpu.memory_space<hbm>>) target(%arg6 : memref<256xi32, #tpu.memory_space<vmem>>) target_semaphore(%arg17 : memref<!tpu.dma_semaphore, #tpu.memory_space<semaphore_mem>>)
          %dma_start3A_688 = arith.constant 1 : i32
          %dma_start3A_689 = tpu.memref_slice %arg3[%dma_start3A_688, %add3A_682] : memref<2x800000xi32, #tpu.memory_space<hbm>> -> memref<1x256xi32, #tpu.memory_space<hbm>>
          %dma_start3A_690 = tpu.memref_squeeze %dma_start3A_689 : memref<1x256xi32, #tpu.memory_space<hbm>> -> memref<256xi32, #tpu.memory_space<hbm>>
          %dma_start3A_691 = tpu.memref_slice %arg3[%dma_start3A_688, %add3A_682] : memref<2x800000xi32, #tpu.memory_space<hbm>> -> memref<1x256xi32, #tpu.memory_space<hbm>>
          %dma_start3A_692 = tpu.memref_squeeze %dma_start3A_691 : memref<1x256xi32, #tpu.memory_space<hbm>> -> memref<256xi32, #tpu.memory_space<hbm>>
          tpu.enqueue_dma source(%dma_start3A_692 : memref<256xi32, #tpu.memory_space<hbm>>) target(%arg8 : memref<256xi32, #tpu.memory_space<vmem>>) target_semaphore(%arg17 : memref<!tpu.dma_semaphore, #tpu.memory_space<semaphore_mem>>)
        } else {
        }
      } else {
      }
      %add3A_614 = arith.constant 1 : i32
      %add3A_615 = arith.addi %mul3A_607, %add3A_614 : i32
      %lt3A_616 = arith.cmpi slt, %add3A_615, %add3A_138 : i32
      %convert_element_type3A_617 = arith.extui %lt3A_616 : i1 to i32
      %cond3A_618 = arith.constant 0 : i32
      %cond3A_619 = arith.cmpi ne, %convert_element_type3A_617, %cond3A_618 : i32
      scf.if %cond3A_619 {
        %dma_wait3A_620 = arith.constant 0 : i32
        %dma_wait3A_621 = arith.constant 0 : i32
        %dma_wait3A_622 = arith.constant 0 : i32
        %dma_wait3A_623 = tpu.memref_slice %arg15[%dma_wait3A_621, %dma_wait3A_622] : memref<256x32xf32, #tpu.memory_space<vmem>> -> memref<128x32xf32, #tpu.memory_space<vmem>>
        %dma_wait3A_624 = arith.constant 0 : i32
        %dma_wait3A_625 = tpu.memref_slice %arg11[%dma_wait3A_620, %dma_wait3A_624] : memref<2x128xi32, #tpu.memory_space<vmem>> -> memref<1x128xi32, #tpu.memory_space<vmem>>
        %dma_wait3A_626 = tpu.memref_squeeze %dma_wait3A_625 : memref<1x128xi32, #tpu.memory_space<vmem>> -> memref<128xi32, #tpu.memory_space<vmem>>
        %dma_wait3A_627 = arith.constant 0 : i32
        %dma_wait3A_628 = arith.constant 0 : i32
        %dma_wait3A_629 = tpu.memref_slice %arg2[%dma_wait3A_627, %dma_wait3A_628] : memref<100000x32xf32, #tpu.memory_space<hbm>> -> memref<100000x32xf32, #tpu.memory_space<hbm>>
        tpu.wait_indirect_dma semaphore(%arg20 : memref<!tpu.dma_semaphore, #tpu.memory_space<semaphore_mem>>) src(%dma_wait3A_629 : memref<100000x32xf32, #tpu.memory_space<hbm>>) dst(%dma_wait3A_623 : memref<128x32xf32, #tpu.memory_space<vmem>>)
        %dma_wait3A_630 = arith.constant 1 : i32
        %dma_wait3A_631 = arith.constant 128 : i32
        %dma_wait3A_632 = arith.constant 0 : i32
        %dma_wait3A_633 = tpu.memref_slice %arg15[%dma_wait3A_631, %dma_wait3A_632] : memref<256x32xf32, #tpu.memory_space<vmem>> -> memref<128x32xf32, #tpu.memory_space<vmem>>
        %dma_wait3A_634 = arith.constant 0 : i32
        %dma_wait3A_635 = tpu.memref_slice %arg11[%dma_wait3A_630, %dma_wait3A_634] : memref<2x128xi32, #tpu.memory_space<vmem>> -> memref<1x128xi32, #tpu.memory_space<vmem>>
        %dma_wait3A_636 = tpu.memref_squeeze %dma_wait3A_635 : memref<1x128xi32, #tpu.memory_space<vmem>> -> memref<128xi32, #tpu.memory_space<vmem>>
        %dma_wait3A_637 = arith.constant 0 : i32
        %dma_wait3A_638 = arith.constant 0 : i32
        %dma_wait3A_639 = tpu.memref_slice %arg2[%dma_wait3A_637, %dma_wait3A_638] : memref<100000x32xf32, #tpu.memory_space<hbm>> -> memref<100000x32xf32, #tpu.memory_space<hbm>>
        tpu.wait_indirect_dma semaphore(%arg20 : memref<!tpu.dma_semaphore, #tpu.memory_space<semaphore_mem>>) src(%dma_wait3A_639 : memref<100000x32xf32, #tpu.memory_space<hbm>>) dst(%dma_wait3A_633 : memref<128x32xf32, #tpu.memory_space<vmem>>)
        %dma_start3A_640 = arith.constant 0 : i32
        %dma_start3A_641 = arith.constant 0 : i32
        %dma_start3A_642 = arith.constant 0 : i32
        %dma_start3A_643 = tpu.memref_slice %arg15[%dma_start3A_641, %dma_start3A_642] : memref<256x32xf32, #tpu.memory_space<vmem>> -> memref<128x32xf32, #tpu.memory_space<vmem>>
        %dma_start3A_644 = arith.constant 0 : i32
        %dma_start3A_645 = tpu.memref_slice %arg13[%dma_start3A_640, %dma_start3A_644] : memref<2x128xi32, #tpu.memory_space<vmem>> -> memref<1x128xi32, #tpu.memory_space<vmem>>
        %dma_start3A_646 = tpu.memref_squeeze %dma_start3A_645 : memref<1x128xi32, #tpu.memory_space<vmem>> -> memref<128xi32, #tpu.memory_space<vmem>>
        %dma_start3A_647 = arith.constant 0 : i32
        %dma_start3A_648 = arith.constant 0 : i32
        %dma_start3A_649 = tpu.memref_slice %arg16[%dma_start3A_647, %dma_start3A_648] : memref<50000x32xf32, #tpu.memory_space<vmem_shared>> -> memref<50000x32xf32, #tpu.memory_space<vmem_shared>>
        tpu.enqueue_indirect_dma source(%dma_start3A_643 : memref<128x32xf32, #tpu.memory_space<vmem>>) target(%dma_start3A_649 : memref<50000x32xf32, #tpu.memory_space<vmem_shared>>) offsets(%dma_start3A_646 : memref<128xi32, #tpu.memory_space<vmem>>) semaphore(%arg22 : memref<!tpu.dma_semaphore, #tpu.memory_space<semaphore_mem>>) {add = true}
        %dma_start3A_650 = arith.constant 1 : i32
        %dma_start3A_651 = arith.constant 128 : i32
        %dma_start3A_652 = arith.constant 0 : i32
        %dma_start3A_653 = tpu.memref_slice %arg15[%dma_start3A_651, %dma_start3A_652] : memref<256x32xf32, #tpu.memory_space<vmem>> -> memref<128x32xf32, #tpu.memory_space<vmem>>
        %dma_start3A_654 = arith.constant 0 : i32
        %dma_start3A_655 = tpu.memref_slice %arg13[%dma_start3A_650, %dma_start3A_654] : memref<2x128xi32, #tpu.memory_space<vmem>> -> memref<1x128xi32, #tpu.memory_space<vmem>>
        %dma_start3A_656 = tpu.memref_squeeze %dma_start3A_655 : memref<1x128xi32, #tpu.memory_space<vmem>> -> memref<128xi32, #tpu.memory_space<vmem>>
        %dma_start3A_657 = arith.constant 0 : i32
        %dma_start3A_658 = arith.constant 0 : i32
        %dma_start3A_659 = tpu.memref_slice %arg16[%dma_start3A_657, %dma_start3A_658] : memref<50000x32xf32, #tpu.memory_space<vmem_shared>> -> memref<50000x32xf32, #tpu.memory_space<vmem_shared>>
        tpu.enqueue_indirect_dma source(%dma_start3A_653 : memref<128x32xf32, #tpu.memory_space<vmem>>) target(%dma_start3A_659 : memref<50000x32xf32, #tpu.memory_space<vmem_shared>>) offsets(%dma_start3A_656 : memref<128xi32, #tpu.memory_space<vmem>>) semaphore(%arg22 : memref<!tpu.dma_semaphore, #tpu.memory_space<semaphore_mem>>) {add = true}
        %add3A_660 = arith.constant 1 : i32
        %add3A_661 = arith.addi %add3A_615, %add3A_660 : i32
        %lt3A_662 = arith.cmpi slt, %add3A_661, %add3A_138 : i32
        %convert_element_type3A_663 = arith.extui %lt3A_662 : i1 to i32
        %cond3A_664 = arith.constant 0 : i32
        %cond3A_665 = arith.cmpi ne, %convert_element_type3A_663, %cond3A_664 : i32
        scf.if %cond3A_665 {
          %ge3A_678 = arith.constant 1 : i32
          %ge3A_679 = arith.cmpi sge, %add3A_615, %ge3A_678 : i32
          %convert_element_type3A_680 = arith.extui %ge3A_679 : i1 to i32
          %cond3A_681 = arith.constant 0 : i32
          %cond3A_682 = arith.cmpi ne, %convert_element_type3A_680, %cond3A_681 : i32
          scf.if %cond3A_682 {
            %dma_wait3A_1086 = arith.constant 0 : i32
            %dma_wait3A_1087 = arith.constant 0 : i32
            %dma_wait3A_1088 = arith.constant 0 : i32
            %dma_wait3A_1089 = tpu.memref_slice %arg14[%dma_wait3A_1087, %dma_wait3A_1088] : memref<256x32xf32, #tpu.memory_space<vmem>> -> memref<128x32xf32, #tpu.memory_space<vmem>>
            %dma_wait3A_1090 = arith.constant 0 : i32
            %dma_wait3A_1091 = tpu.memref_slice %arg12[%dma_wait3A_1086, %dma_wait3A_1090] : memref<2x128xi32, #tpu.memory_space<vmem>> -> memref<1x128xi32, #tpu.memory_space<vmem>>
            %dma_wait3A_1092 = tpu.memref_squeeze %dma_wait3A_1091 : memref<1x128xi32, #tpu.memory_space<vmem>> -> memref<128xi32, #tpu.memory_space<vmem>>
            %dma_wait3A_1093 = arith.constant 0 : i32
            %dma_wait3A_1094 = arith.constant 0 : i32
            %dma_wait3A_1095 = tpu.memref_slice %arg16[%dma_wait3A_1093, %dma_wait3A_1094] : memref<50000x32xf32, #tpu.memory_space<vmem_shared>> -> memref<50000x32xf32, #tpu.memory_space<vmem_shared>>
            tpu.wait_indirect_dma semaphore(%arg21 : memref<!tpu.dma_semaphore, #tpu.memory_space<semaphore_mem>>) src(%dma_wait3A_1089 : memref<128x32xf32, #tpu.memory_space<vmem>>) dst(%dma_wait3A_1095 : memref<50000x32xf32, #tpu.memory_space<vmem_shared>>)
            %dma_wait3A_1096 = arith.constant 1 : i32
            %dma_wait3A_1097 = arith.constant 128 : i32
            %dma_wait3A_1098 = arith.constant 0 : i32
            %dma_wait3A_1099 = tpu.memref_slice %arg14[%dma_wait3A_1097, %dma_wait3A_1098] : memref<256x32xf32, #tpu.memory_space<vmem>> -> memref<128x32xf32, #tpu.memory_space<vmem>>
            %dma_wait3A_1100 = arith.constant 0 : i32
            %dma_wait3A_1101 = tpu.memref_slice %arg12[%dma_wait3A_1096, %dma_wait3A_1100] : memref<2x128xi32, #tpu.memory_space<vmem>> -> memref<1x128xi32, #tpu.memory_space<vmem>>
            %dma_wait3A_1102 = tpu.memref_squeeze %dma_wait3A_1101 : memref<1x128xi32, #tpu.memory_space<vmem>> -> memref<128xi32, #tpu.memory_space<vmem>>
            %dma_wait3A_1103 = arith.constant 0 : i32
            %dma_wait3A_1104 = arith.constant 0 : i32
            %dma_wait3A_1105 = tpu.memref_slice %arg16[%dma_wait3A_1103, %dma_wait3A_1104] : memref<50000x32xf32, #tpu.memory_space<vmem_shared>> -> memref<50000x32xf32, #tpu.memory_space<vmem_shared>>
            tpu.wait_indirect_dma semaphore(%arg21 : memref<!tpu.dma_semaphore, #tpu.memory_space<semaphore_mem>>) src(%dma_wait3A_1099 : memref<128x32xf32, #tpu.memory_space<vmem>>) dst(%dma_wait3A_1105 : memref<50000x32xf32, #tpu.memory_space<vmem_shared>>)
          } else {
          }
          %add3A_683 = arith.constant 1 : i32
          %add3A_684 = arith.addi %add3A_615, %add3A_683 : i32
          %mul3A_685 = arith.constant 256 : i32
          %mul3A_686 = arith.muli %add3A_684, %mul3A_685 : i32
          %add3A_687 = arith.addi %mul3A_145, %mul3A_686 : i32
          %dma_wait3A_688 = arith.constant 0 : i32
          %dma_wait3A_689 = tpu.memref_slice %arg3[%dma_wait3A_688, %add3A_687] : memref<2x800000xi32, #tpu.memory_space<hbm>> -> memref<1x256xi32, #tpu.memory_space<hbm>>
          %dma_wait3A_690 = tpu.memref_squeeze %dma_wait3A_689 : memref<1x256xi32, #tpu.memory_space<hbm>> -> memref<256xi32, #tpu.memory_space<hbm>>
          %dma_wait3A_691 = tpu.memref_slice %arg3[%dma_wait3A_688, %add3A_687] : memref<2x800000xi32, #tpu.memory_space<hbm>> -> memref<1x256xi32, #tpu.memory_space<hbm>>
          %dma_wait3A_692 = tpu.memref_squeeze %dma_wait3A_691 : memref<1x256xi32, #tpu.memory_space<hbm>> -> memref<256xi32, #tpu.memory_space<hbm>>
          tpu.wait_dma2 semaphore(%arg17 : memref<!tpu.dma_semaphore, #tpu.memory_space<semaphore_mem>>) src(%dma_wait3A_692 : memref<256xi32, #tpu.memory_space<hbm>>) dst(%arg6 : memref<256xi32, #tpu.memory_space<vmem>>)
          %dma_wait3A_693 = arith.constant 1 : i32
          %dma_wait3A_694 = tpu.memref_slice %arg3[%dma_wait3A_693, %add3A_687] : memref<2x800000xi32, #tpu.memory_space<hbm>> -> memref<1x256xi32, #tpu.memory_space<hbm>>
          %dma_wait3A_695 = tpu.memref_squeeze %dma_wait3A_694 : memref<1x256xi32, #tpu.memory_space<hbm>> -> memref<256xi32, #tpu.memory_space<hbm>>
          %dma_wait3A_696 = tpu.memref_slice %arg3[%dma_wait3A_693, %add3A_687] : memref<2x800000xi32, #tpu.memory_space<hbm>> -> memref<1x256xi32, #tpu.memory_space<hbm>>
          %dma_wait3A_697 = tpu.memref_squeeze %dma_wait3A_696 : memref<1x256xi32, #tpu.memory_space<hbm>> -> memref<256xi32, #tpu.memory_space<hbm>>
          tpu.wait_dma2 semaphore(%arg17 : memref<!tpu.dma_semaphore, #tpu.memory_space<semaphore_mem>>) src(%dma_wait3A_697 : memref<256xi32, #tpu.memory_space<hbm>>) dst(%arg8 : memref<256xi32, #tpu.memory_space<vmem>>)
          %get3A_698 = arith.constant 0 : index
          %get3A_699 = tpu.vector_load %arg6[%get3A_698] {strides = array<i32>} : memref<256xi32, #tpu.memory_space<vmem>>, vector<16xi32>,
          %get3A_700 = vector.shape_cast %get3A_699 : vector<16xi32> to vector<16xi32>
          %mul3A_701 = arith.constant 2 : i32
          %mul3A_702 = vector.broadcast %mul3A_701 : i32 to vector<16xi32>
          %mul3A_703 = arith.muli %get3A_700, %mul3A_702 : vector<16xi32>
          %add3A_704 = vector.broadcast %arg0 : i32 to vector<16xi32>
          %add3A_705 = arith.addi %mul3A_703, %add3A_704 : vector<16xi32>
          %swap3A_706 = arith.constant 0 : i32
          %swap3A_707 = arith.index_cast %swap3A_706 : i32 to index
          %swap3A_708 = arith.constant 0 : index
          %swap3A_709 = tpu.vector_load %arg10[%swap3A_707, %swap3A_708] {strides = array<i32>} : memref<2x128xi32, #tpu.memory_space<vmem>>, vector<1x16xi32>,
          %swap3A_710 = vector.shape_cast %swap3A_709 : vector<1x16xi32> to vector<16xi32>
          %swap3A_711 = vector.shape_cast %add3A_705 : vector<16xi32> to vector<1x16xi32>
          tpu.vector_store %arg10[%swap3A_707, %swap3A_708], %swap3A_711 {strides = array<i32>} : memref<2x128xi32, #tpu.memory_space<vmem>>, vector<1x16xi32>,
          %get3A_712 = arith.constant 0 : index
          %get3A_713 = tpu.vector_load %arg8[%get3A_712] {strides = array<i32>} : memref<256xi32, #tpu.memory_space<vmem>>, vector<16xi32>,
          %get3A_714 = vector.shape_cast %get3A_713 : vector<16xi32> to vector<16xi32>
          %swap3A_715 = arith.constant 0 : i32
          %swap3A_716 = arith.index_cast %swap3A_715 : i32 to index
          %swap3A_717 = arith.constant 0 : index
          %swap3A_718 = tpu.vector_load %arg12[%swap3A_716, %swap3A_717] {strides = array<i32>} : memref<2x128xi32, #tpu.memory_space<vmem>>, vector<1x16xi32>,
          %swap3A_719 = vector.shape_cast %swap3A_718 : vector<1x16xi32> to vector<16xi32>
          %swap3A_720 = vector.shape_cast %get3A_714 : vector<16xi32> to vector<1x16xi32>
          tpu.vector_store %arg12[%swap3A_716, %swap3A_717], %swap3A_720 {strides = array<i32>} : memref<2x128xi32, #tpu.memory_space<vmem>>, vector<1x16xi32>,
          %get3A_721 = arith.constant 16 : index
          %get3A_722 = tpu.vector_load %arg6[%get3A_721] {strides = array<i32>} : memref<256xi32, #tpu.memory_space<vmem>>, vector<16xi32>,
          %get3A_723 = vector.shape_cast %get3A_722 : vector<16xi32> to vector<16xi32>
          %mul3A_724 = arith.constant 2 : i32
          %mul3A_725 = vector.broadcast %mul3A_724 : i32 to vector<16xi32>
          %mul3A_726 = arith.muli %get3A_723, %mul3A_725 : vector<16xi32>
          %add3A_727 = vector.broadcast %arg0 : i32 to vector<16xi32>
          %add3A_728 = arith.addi %mul3A_726, %add3A_727 : vector<16xi32>
          %swap3A_729 = arith.constant 0 : i32
          %swap3A_730 = arith.index_cast %swap3A_729 : i32 to index
          %swap3A_731 = arith.constant 16 : index
          %swap3A_732 = tpu.vector_load %arg10[%swap3A_730, %swap3A_731] {strides = array<i32>} : memref<2x128xi32, #tpu.memory_space<vmem>>, vector<1x16xi32>,
          %swap3A_733 = vector.shape_cast %swap3A_732 : vector<1x16xi32> to vector<16xi32>
          %swap3A_734 = vector.shape_cast %add3A_728 : vector<16xi32> to vector<1x16xi32>
          tpu.vector_store %arg10[%swap3A_730, %swap3A_731], %swap3A_734 {strides = array<i32>} : memref<2x128xi32, #tpu.memory_space<vmem>>, vector<1x16xi32>,
          %get3A_735 = arith.constant 16 : index
          %get3A_736 = tpu.vector_load %arg8[%get3A_735] {strides = array<i32>} : memref<256xi32, #tpu.memory_space<vmem>>, vector<16xi32>,
          %get3A_737 = vector.shape_cast %get3A_736 : vector<16xi32> to vector<16xi32>
          %swap3A_738 = arith.constant 0 : i32
          %swap3A_739 = arith.index_cast %swap3A_738 : i32 to index
          %swap3A_740 = arith.constant 16 : index
          %swap3A_741 = tpu.vector_load %arg12[%swap3A_739, %swap3A_740] {strides = array<i32>} : memref<2x128xi32, #tpu.memory_space<vmem>>, vector<1x16xi32>,
          %swap3A_742 = vector.shape_cast %swap3A_741 : vector<1x16xi32> to vector<16xi32>
          %swap3A_743 = vector.shape_cast %get3A_737 : vector<16xi32> to vector<1x16xi32>
          tpu.vector_store %arg12[%swap3A_739, %swap3A_740], %swap3A_743 {strides = array<i32>} : memref<2x128xi32, #tpu.memory_space<vmem>>, vector<1x16xi32>,
          %get3A_744 = arith.constant 32 : index
          %get3A_745 = tpu.vector_load %arg6[%get3A_744] {strides = array<i32>} : memref<256xi32, #tpu.memory_space<vmem>>, vector<16xi32>,
          %get3A_746 = vector.shape_cast %get3A_745 : vector<16xi32> to vector<16xi32>
          %mul3A_747 = arith.constant 2 : i32
          %mul3A_748 = vector.broadcast %mul3A_747 : i32 to vector<16xi32>
          %mul3A_749 = arith.muli %get3A_746, %mul3A_748 : vector<16xi32>
          %add3A_750 = vector.broadcast %arg0 : i32 to vector<16xi32>
          %add3A_751 = arith.addi %mul3A_749, %add3A_750 : vector<16xi32>
          %swap3A_752 = arith.constant 0 : i32
          %swap3A_753 = arith.index_cast %swap3A_752 : i32 to index
          %swap3A_754 = arith.constant 32 : index
          %swap3A_755 = tpu.vector_load %arg10[%swap3A_753, %swap3A_754] {strides = array<i32>} : memref<2x128xi32, #tpu.memory_space<vmem>>, vector<1x16xi32>,
          %swap3A_756 = vector.shape_cast %swap3A_755 : vector<1x16xi32> to vector<16xi32>
          %swap3A_757 = vector.shape_cast %add3A_751 : vector<16xi32> to vector<1x16xi32>
          tpu.vector_store %arg10[%swap3A_753, %swap3A_754], %swap3A_757 {strides = array<i32>} : memref<2x128xi32, #tpu.memory_space<vmem>>, vector<1x16xi32>,
          %get3A_758 = arith.constant 32 : index
          %get3A_759 = tpu.vector_load %arg8[%get3A_758] {strides = array<i32>} : memref<256xi32, #tpu.memory_space<vmem>>, vector<16xi32>,
          %get3A_760 = vector.shape_cast %get3A_759 : vector<16xi32> to vector<16xi32>
          %swap3A_761 = arith.constant 0 : i32
          %swap3A_762 = arith.index_cast %swap3A_761 : i32 to index
          %swap3A_763 = arith.constant 32 : index
          %swap3A_764 = tpu.vector_load %arg12[%swap3A_762, %swap3A_763] {strides = array<i32>} : memref<2x128xi32, #tpu.memory_space<vmem>>, vector<1x16xi32>,
          %swap3A_765 = vector.shape_cast %swap3A_764 : vector<1x16xi32> to vector<16xi32>
          %swap3A_766 = vector.shape_cast %get3A_760 : vector<16xi32> to vector<1x16xi32>
          tpu.vector_store %arg12[%swap3A_762, %swap3A_763], %swap3A_766 {strides = array<i32>} : memref<2x128xi32, #tpu.memory_space<vmem>>, vector<1x16xi32>,
          %get3A_767 = arith.constant 48 : index
          %get3A_768 = tpu.vector_load %arg6[%get3A_767] {strides = array<i32>} : memref<256xi32, #tpu.memory_space<vmem>>, vector<16xi32>,
          %get3A_769 = vector.shape_cast %get3A_768 : vector<16xi32> to vector<16xi32>
          %mul3A_770 = arith.constant 2 : i32
          %mul3A_771 = vector.broadcast %mul3A_770 : i32 to vector<16xi32>
          %mul3A_772 = arith.muli %get3A_769, %mul3A_771 : vector<16xi32>
          %add3A_773 = vector.broadcast %arg0 : i32 to vector<16xi32>
          %add3A_774 = arith.addi %mul3A_772, %add3A_773 : vector<16xi32>
          %swap3A_775 = arith.constant 0 : i32
          %swap3A_776 = arith.index_cast %swap3A_775 : i32 to index
          %swap3A_777 = arith.constant 48 : index
          %swap3A_778 = tpu.vector_load %arg10[%swap3A_776, %swap3A_777] {strides = array<i32>} : memref<2x128xi32, #tpu.memory_space<vmem>>, vector<1x16xi32>,
          %swap3A_779 = vector.shape_cast %swap3A_778 : vector<1x16xi32> to vector<16xi32>
          %swap3A_780 = vector.shape_cast %add3A_774 : vector<16xi32> to vector<1x16xi32>
          tpu.vector_store %arg10[%swap3A_776, %swap3A_777], %swap3A_780 {strides = array<i32>} : memref<2x128xi32, #tpu.memory_space<vmem>>, vector<1x16xi32>,
          %get3A_781 = arith.constant 48 : index
          %get3A_782 = tpu.vector_load %arg8[%get3A_781] {strides = array<i32>} : memref<256xi32, #tpu.memory_space<vmem>>, vector<16xi32>,
          %get3A_783 = vector.shape_cast %get3A_782 : vector<16xi32> to vector<16xi32>
          %swap3A_784 = arith.constant 0 : i32
          %swap3A_785 = arith.index_cast %swap3A_784 : i32 to index
          %swap3A_786 = arith.constant 48 : index
          %swap3A_787 = tpu.vector_load %arg12[%swap3A_785, %swap3A_786] {strides = array<i32>} : memref<2x128xi32, #tpu.memory_space<vmem>>, vector<1x16xi32>,
          %swap3A_788 = vector.shape_cast %swap3A_787 : vector<1x16xi32> to vector<16xi32>
          %swap3A_789 = vector.shape_cast %get3A_783 : vector<16xi32> to vector<1x16xi32>
          tpu.vector_store %arg12[%swap3A_785, %swap3A_786], %swap3A_789 {strides = array<i32>} : memref<2x128xi32, #tpu.memory_space<vmem>>, vector<1x16xi32>,
          %get3A_790 = arith.constant 64 : index
          %get3A_791 = tpu.vector_load %arg6[%get3A_790] {strides = array<i32>} : memref<256xi32, #tpu.memory_space<vmem>>, vector<16xi32>,
          %get3A_792 = vector.shape_cast %get3A_791 : vector<16xi32> to vector<16xi32>
          %mul3A_793 = arith.constant 2 : i32
          %mul3A_794 = vector.broadcast %mul3A_793 : i32 to vector<16xi32>
          %mul3A_795 = arith.muli %get3A_792, %mul3A_794 : vector<16xi32>
          %add3A_796 = vector.broadcast %arg0 : i32 to vector<16xi32>
          %add3A_797 = arith.addi %mul3A_795, %add3A_796 : vector<16xi32>
          %swap3A_798 = arith.constant 0 : i32
          %swap3A_799 = arith.index_cast %swap3A_798 : i32 to index
          %swap3A_800 = arith.constant 64 : index
          %swap3A_801 = tpu.vector_load %arg10[%swap3A_799, %swap3A_800] {strides = array<i32>} : memref<2x128xi32, #tpu.memory_space<vmem>>, vector<1x16xi32>,
          %swap3A_802 = vector.shape_cast %swap3A_801 : vector<1x16xi32> to vector<16xi32>
          %swap3A_803 = vector.shape_cast %add3A_797 : vector<16xi32> to vector<1x16xi32>
          tpu.vector_store %arg10[%swap3A_799, %swap3A_800], %swap3A_803 {strides = array<i32>} : memref<2x128xi32, #tpu.memory_space<vmem>>, vector<1x16xi32>,
          %get3A_804 = arith.constant 64 : index
          %get3A_805 = tpu.vector_load %arg8[%get3A_804] {strides = array<i32>} : memref<256xi32, #tpu.memory_space<vmem>>, vector<16xi32>,
          %get3A_806 = vector.shape_cast %get3A_805 : vector<16xi32> to vector<16xi32>
          %swap3A_807 = arith.constant 0 : i32
          %swap3A_808 = arith.index_cast %swap3A_807 : i32 to index
          %swap3A_809 = arith.constant 64 : index
          %swap3A_810 = tpu.vector_load %arg12[%swap3A_808, %swap3A_809] {strides = array<i32>} : memref<2x128xi32, #tpu.memory_space<vmem>>, vector<1x16xi32>,
          %swap3A_811 = vector.shape_cast %swap3A_810 : vector<1x16xi32> to vector<16xi32>
          %swap3A_812 = vector.shape_cast %get3A_806 : vector<16xi32> to vector<1x16xi32>
          tpu.vector_store %arg12[%swap3A_808, %swap3A_809], %swap3A_812 {strides = array<i32>} : memref<2x128xi32, #tpu.memory_space<vmem>>, vector<1x16xi32>,
          %get3A_813 = arith.constant 80 : index
          %get3A_814 = tpu.vector_load %arg6[%get3A_813] {strides = array<i32>} : memref<256xi32, #tpu.memory_space<vmem>>, vector<16xi32>,
          %get3A_815 = vector.shape_cast %get3A_814 : vector<16xi32> to vector<16xi32>
          %mul3A_816 = arith.constant 2 : i32
          %mul3A_817 = vector.broadcast %mul3A_816 : i32 to vector<16xi32>
          %mul3A_818 = arith.muli %get3A_815, %mul3A_817 : vector<16xi32>
          %add3A_819 = vector.broadcast %arg0 : i32 to vector<16xi32>
          %add3A_820 = arith.addi %mul3A_818, %add3A_819 : vector<16xi32>
          %swap3A_821 = arith.constant 0 : i32
          %swap3A_822 = arith.index_cast %swap3A_821 : i32 to index
          %swap3A_823 = arith.constant 80 : index
          %swap3A_824 = tpu.vector_load %arg10[%swap3A_822, %swap3A_823] {strides = array<i32>} : memref<2x128xi32, #tpu.memory_space<vmem>>, vector<1x16xi32>,
          %swap3A_825 = vector.shape_cast %swap3A_824 : vector<1x16xi32> to vector<16xi32>
          %swap3A_826 = vector.shape_cast %add3A_820 : vector<16xi32> to vector<1x16xi32>
          tpu.vector_store %arg10[%swap3A_822, %swap3A_823], %swap3A_826 {strides = array<i32>} : memref<2x128xi32, #tpu.memory_space<vmem>>, vector<1x16xi32>,
          %get3A_827 = arith.constant 80 : index
          %get3A_828 = tpu.vector_load %arg8[%get3A_827] {strides = array<i32>} : memref<256xi32, #tpu.memory_space<vmem>>, vector<16xi32>,
          %get3A_829 = vector.shape_cast %get3A_828 : vector<16xi32> to vector<16xi32>
          %swap3A_830 = arith.constant 0 : i32
          %swap3A_831 = arith.index_cast %swap3A_830 : i32 to index
          %swap3A_832 = arith.constant 80 : index
          %swap3A_833 = tpu.vector_load %arg12[%swap3A_831, %swap3A_832] {strides = array<i32>} : memref<2x128xi32, #tpu.memory_space<vmem>>, vector<1x16xi32>,
          %swap3A_834 = vector.shape_cast %swap3A_833 : vector<1x16xi32> to vector<16xi32>
          %swap3A_835 = vector.shape_cast %get3A_829 : vector<16xi32> to vector<1x16xi32>
          tpu.vector_store %arg12[%swap3A_831, %swap3A_832], %swap3A_835 {strides = array<i32>} : memref<2x128xi32, #tpu.memory_space<vmem>>, vector<1x16xi32>,
          %get3A_836 = arith.constant 96 : index
          %get3A_837 = tpu.vector_load %arg6[%get3A_836] {strides = array<i32>} : memref<256xi32, #tpu.memory_space<vmem>>, vector<16xi32>,
          %get3A_838 = vector.shape_cast %get3A_837 : vector<16xi32> to vector<16xi32>
          %mul3A_839 = arith.constant 2 : i32
          %mul3A_840 = vector.broadcast %mul3A_839 : i32 to vector<16xi32>
          %mul3A_841 = arith.muli %get3A_838, %mul3A_840 : vector<16xi32>
          %add3A_842 = vector.broadcast %arg0 : i32 to vector<16xi32>
          %add3A_843 = arith.addi %mul3A_841, %add3A_842 : vector<16xi32>
          %swap3A_844 = arith.constant 0 : i32
          %swap3A_845 = arith.index_cast %swap3A_844 : i32 to index
          %swap3A_846 = arith.constant 96 : index
          %swap3A_847 = tpu.vector_load %arg10[%swap3A_845, %swap3A_846] {strides = array<i32>} : memref<2x128xi32, #tpu.memory_space<vmem>>, vector<1x16xi32>,
          %swap3A_848 = vector.shape_cast %swap3A_847 : vector<1x16xi32> to vector<16xi32>
          %swap3A_849 = vector.shape_cast %add3A_843 : vector<16xi32> to vector<1x16xi32>
          tpu.vector_store %arg10[%swap3A_845, %swap3A_846], %swap3A_849 {strides = array<i32>} : memref<2x128xi32, #tpu.memory_space<vmem>>, vector<1x16xi32>,
          %get3A_850 = arith.constant 96 : index
          %get3A_851 = tpu.vector_load %arg8[%get3A_850] {strides = array<i32>} : memref<256xi32, #tpu.memory_space<vmem>>, vector<16xi32>,
          %get3A_852 = vector.shape_cast %get3A_851 : vector<16xi32> to vector<16xi32>
          %swap3A_853 = arith.constant 0 : i32
          %swap3A_854 = arith.index_cast %swap3A_853 : i32 to index
          %swap3A_855 = arith.constant 96 : index
          %swap3A_856 = tpu.vector_load %arg12[%swap3A_854, %swap3A_855] {strides = array<i32>} : memref<2x128xi32, #tpu.memory_space<vmem>>, vector<1x16xi32>,
          %swap3A_857 = vector.shape_cast %swap3A_856 : vector<1x16xi32> to vector<16xi32>
          %swap3A_858 = vector.shape_cast %get3A_852 : vector<16xi32> to vector<1x16xi32>
          tpu.vector_store %arg12[%swap3A_854, %swap3A_855], %swap3A_858 {strides = array<i32>} : memref<2x128xi32, #tpu.memory_space<vmem>>, vector<1x16xi32>,
          %get3A_859 = arith.constant 112 : index
          %get3A_860 = tpu.vector_load %arg6[%get3A_859] {strides = array<i32>} : memref<256xi32, #tpu.memory_space<vmem>>, vector<16xi32>,
          %get3A_861 = vector.shape_cast %get3A_860 : vector<16xi32> to vector<16xi32>
          %mul3A_862 = arith.constant 2 : i32
          %mul3A_863 = vector.broadcast %mul3A_862 : i32 to vector<16xi32>
          %mul3A_864 = arith.muli %get3A_861, %mul3A_863 : vector<16xi32>
          %add3A_865 = vector.broadcast %arg0 : i32 to vector<16xi32>
          %add3A_866 = arith.addi %mul3A_864, %add3A_865 : vector<16xi32>
          %swap3A_867 = arith.constant 0 : i32
          %swap3A_868 = arith.index_cast %swap3A_867 : i32 to index
          %swap3A_869 = arith.constant 112 : index
          %swap3A_870 = tpu.vector_load %arg10[%swap3A_868, %swap3A_869] {strides = array<i32>} : memref<2x128xi32, #tpu.memory_space<vmem>>, vector<1x16xi32>,
          %swap3A_871 = vector.shape_cast %swap3A_870 : vector<1x16xi32> to vector<16xi32>
          %swap3A_872 = vector.shape_cast %add3A_866 : vector<16xi32> to vector<1x16xi32>
          tpu.vector_store %arg10[%swap3A_868, %swap3A_869], %swap3A_872 {strides = array<i32>} : memref<2x128xi32, #tpu.memory_space<vmem>>, vector<1x16xi32>,
          %get3A_873 = arith.constant 112 : index
          %get3A_874 = tpu.vector_load %arg8[%get3A_873] {strides = array<i32>} : memref<256xi32, #tpu.memory_space<vmem>>, vector<16xi32>,
          %get3A_875 = vector.shape_cast %get3A_874 : vector<16xi32> to vector<16xi32>
          %swap3A_876 = arith.constant 0 : i32
          %swap3A_877 = arith.index_cast %swap3A_876 : i32 to index
          %swap3A_878 = arith.constant 112 : index
          %swap3A_879 = tpu.vector_load %arg12[%swap3A_877, %swap3A_878] {strides = array<i32>} : memref<2x128xi32, #tpu.memory_space<vmem>>, vector<1x16xi32>,
          %swap3A_880 = vector.shape_cast %swap3A_879 : vector<1x16xi32> to vector<16xi32>
          %swap3A_881 = vector.shape_cast %get3A_875 : vector<16xi32> to vector<1x16xi32>
          tpu.vector_store %arg12[%swap3A_877, %swap3A_878], %swap3A_881 {strides = array<i32>} : memref<2x128xi32, #tpu.memory_space<vmem>>, vector<1x16xi32>,
          %get3A_882 = arith.constant 128 : index
          %get3A_883 = tpu.vector_load %arg6[%get3A_882] {strides = array<i32>} : memref<256xi32, #tpu.memory_space<vmem>>, vector<16xi32>,
          %get3A_884 = vector.shape_cast %get3A_883 : vector<16xi32> to vector<16xi32>
          %mul3A_885 = arith.constant 2 : i32
          %mul3A_886 = vector.broadcast %mul3A_885 : i32 to vector<16xi32>
          %mul3A_887 = arith.muli %get3A_884, %mul3A_886 : vector<16xi32>
          %add3A_888 = vector.broadcast %arg0 : i32 to vector<16xi32>
          %add3A_889 = arith.addi %mul3A_887, %add3A_888 : vector<16xi32>
          %swap3A_890 = arith.constant 1 : i32
          %swap3A_891 = arith.index_cast %swap3A_890 : i32 to index
          %swap3A_892 = arith.constant 0 : index
          %swap3A_893 = tpu.vector_load %arg10[%swap3A_891, %swap3A_892] {strides = array<i32>} : memref<2x128xi32, #tpu.memory_space<vmem>>, vector<1x16xi32>,
          %swap3A_894 = vector.shape_cast %swap3A_893 : vector<1x16xi32> to vector<16xi32>
          %swap3A_895 = vector.shape_cast %add3A_889 : vector<16xi32> to vector<1x16xi32>
          tpu.vector_store %arg10[%swap3A_891, %swap3A_892], %swap3A_895 {strides = array<i32>} : memref<2x128xi32, #tpu.memory_space<vmem>>, vector<1x16xi32>,
          %get3A_896 = arith.constant 128 : index
          %get3A_897 = tpu.vector_load %arg8[%get3A_896] {strides = array<i32>} : memref<256xi32, #tpu.memory_space<vmem>>, vector<16xi32>,
          %get3A_898 = vector.shape_cast %get3A_897 : vector<16xi32> to vector<16xi32>
          %swap3A_899 = arith.constant 1 : i32
          %swap3A_900 = arith.index_cast %swap3A_899 : i32 to index
          %swap3A_901 = arith.constant 0 : index
          %swap3A_902 = tpu.vector_load %arg12[%swap3A_900, %swap3A_901] {strides = array<i32>} : memref<2x128xi32, #tpu.memory_space<vmem>>, vector<1x16xi32>,
          %swap3A_903 = vector.shape_cast %swap3A_902 : vector<1x16xi32> to vector<16xi32>
          %swap3A_904 = vector.shape_cast %get3A_898 : vector<16xi32> to vector<1x16xi32>
          tpu.vector_store %arg12[%swap3A_900, %swap3A_901], %swap3A_904 {strides = array<i32>} : memref<2x128xi32, #tpu.memory_space<vmem>>, vector<1x16xi32>,
          %get3A_905 = arith.constant 144 : index
          %get3A_906 = tpu.vector_load %arg6[%get3A_905] {strides = array<i32>} : memref<256xi32, #tpu.memory_space<vmem>>, vector<16xi32>,
          %get3A_907 = vector.shape_cast %get3A_906 : vector<16xi32> to vector<16xi32>
          %mul3A_908 = arith.constant 2 : i32
          %mul3A_909 = vector.broadcast %mul3A_908 : i32 to vector<16xi32>
          %mul3A_910 = arith.muli %get3A_907, %mul3A_909 : vector<16xi32>
          %add3A_911 = vector.broadcast %arg0 : i32 to vector<16xi32>
          %add3A_912 = arith.addi %mul3A_910, %add3A_911 : vector<16xi32>
          %swap3A_913 = arith.constant 1 : i32
          %swap3A_914 = arith.index_cast %swap3A_913 : i32 to index
          %swap3A_915 = arith.constant 16 : index
          %swap3A_916 = tpu.vector_load %arg10[%swap3A_914, %swap3A_915] {strides = array<i32>} : memref<2x128xi32, #tpu.memory_space<vmem>>, vector<1x16xi32>,
          %swap3A_917 = vector.shape_cast %swap3A_916 : vector<1x16xi32> to vector<16xi32>
          %swap3A_918 = vector.shape_cast %add3A_912 : vector<16xi32> to vector<1x16xi32>
          tpu.vector_store %arg10[%swap3A_914, %swap3A_915], %swap3A_918 {strides = array<i32>} : memref<2x128xi32, #tpu.memory_space<vmem>>, vector<1x16xi32>,
          %get3A_919 = arith.constant 144 : index
          %get3A_920 = tpu.vector_load %arg8[%get3A_919] {strides = array<i32>} : memref<256xi32, #tpu.memory_space<vmem>>, vector<16xi32>,
          %get3A_921 = vector.shape_cast %get3A_920 : vector<16xi32> to vector<16xi32>
          %swap3A_922 = arith.constant 1 : i32
          %swap3A_923 = arith.index_cast %swap3A_922 : i32 to index
          %swap3A_924 = arith.constant 16 : index
          %swap3A_925 = tpu.vector_load %arg12[%swap3A_923, %swap3A_924] {strides = array<i32>} : memref<2x128xi32, #tpu.memory_space<vmem>>, vector<1x16xi32>,
          %swap3A_926 = vector.shape_cast %swap3A_925 : vector<1x16xi32> to vector<16xi32>
          %swap3A_927 = vector.shape_cast %get3A_921 : vector<16xi32> to vector<1x16xi32>
          tpu.vector_store %arg12[%swap3A_923, %swap3A_924], %swap3A_927 {strides = array<i32>} : memref<2x128xi32, #tpu.memory_space<vmem>>, vector<1x16xi32>,
          %get3A_928 = arith.constant 160 : index
          %get3A_929 = tpu.vector_load %arg6[%get3A_928] {strides = array<i32>} : memref<256xi32, #tpu.memory_space<vmem>>, vector<16xi32>,
          %get3A_930 = vector.shape_cast %get3A_929 : vector<16xi32> to vector<16xi32>
          %mul3A_931 = arith.constant 2 : i32
          %mul3A_932 = vector.broadcast %mul3A_931 : i32 to vector<16xi32>
          %mul3A_933 = arith.muli %get3A_930, %mul3A_932 : vector<16xi32>
          %add3A_934 = vector.broadcast %arg0 : i32 to vector<16xi32>
          %add3A_935 = arith.addi %mul3A_933, %add3A_934 : vector<16xi32>
          %swap3A_936 = arith.constant 1 : i32
          %swap3A_937 = arith.index_cast %swap3A_936 : i32 to index
          %swap3A_938 = arith.constant 32 : index
          %swap3A_939 = tpu.vector_load %arg10[%swap3A_937, %swap3A_938] {strides = array<i32>} : memref<2x128xi32, #tpu.memory_space<vmem>>, vector<1x16xi32>,
          %swap3A_940 = vector.shape_cast %swap3A_939 : vector<1x16xi32> to vector<16xi32>
          %swap3A_941 = vector.shape_cast %add3A_935 : vector<16xi32> to vector<1x16xi32>
          tpu.vector_store %arg10[%swap3A_937, %swap3A_938], %swap3A_941 {strides = array<i32>} : memref<2x128xi32, #tpu.memory_space<vmem>>, vector<1x16xi32>,
          %get3A_942 = arith.constant 160 : index
          %get3A_943 = tpu.vector_load %arg8[%get3A_942] {strides = array<i32>} : memref<256xi32, #tpu.memory_space<vmem>>, vector<16xi32>,
          %get3A_944 = vector.shape_cast %get3A_943 : vector<16xi32> to vector<16xi32>
          %swap3A_945 = arith.constant 1 : i32
          %swap3A_946 = arith.index_cast %swap3A_945 : i32 to index
          %swap3A_947 = arith.constant 32 : index
          %swap3A_948 = tpu.vector_load %arg12[%swap3A_946, %swap3A_947] {strides = array<i32>} : memref<2x128xi32, #tpu.memory_space<vmem>>, vector<1x16xi32>,
          %swap3A_949 = vector.shape_cast %swap3A_948 : vector<1x16xi32> to vector<16xi32>
          %swap3A_950 = vector.shape_cast %get3A_944 : vector<16xi32> to vector<1x16xi32>
          tpu.vector_store %arg12[%swap3A_946, %swap3A_947], %swap3A_950 {strides = array<i32>} : memref<2x128xi32, #tpu.memory_space<vmem>>, vector<1x16xi32>,
          %get3A_951 = arith.constant 176 : index
          %get3A_952 = tpu.vector_load %arg6[%get3A_951] {strides = array<i32>} : memref<256xi32, #tpu.memory_space<vmem>>, vector<16xi32>,
          %get3A_953 = vector.shape_cast %get3A_952 : vector<16xi32> to vector<16xi32>
          %mul3A_954 = arith.constant 2 : i32
          %mul3A_955 = vector.broadcast %mul3A_954 : i32 to vector<16xi32>
          %mul3A_956 = arith.muli %get3A_953, %mul3A_955 : vector<16xi32>
          %add3A_957 = vector.broadcast %arg0 : i32 to vector<16xi32>
          %add3A_958 = arith.addi %mul3A_956, %add3A_957 : vector<16xi32>
          %swap3A_959 = arith.constant 1 : i32
          %swap3A_960 = arith.index_cast %swap3A_959 : i32 to index
          %swap3A_961 = arith.constant 48 : index
          %swap3A_962 = tpu.vector_load %arg10[%swap3A_960, %swap3A_961] {strides = array<i32>} : memref<2x128xi32, #tpu.memory_space<vmem>>, vector<1x16xi32>,
          %swap3A_963 = vector.shape_cast %swap3A_962 : vector<1x16xi32> to vector<16xi32>
          %swap3A_964 = vector.shape_cast %add3A_958 : vector<16xi32> to vector<1x16xi32>
          tpu.vector_store %arg10[%swap3A_960, %swap3A_961], %swap3A_964 {strides = array<i32>} : memref<2x128xi32, #tpu.memory_space<vmem>>, vector<1x16xi32>,
          %get3A_965 = arith.constant 176 : index
          %get3A_966 = tpu.vector_load %arg8[%get3A_965] {strides = array<i32>} : memref<256xi32, #tpu.memory_space<vmem>>, vector<16xi32>,
          %get3A_967 = vector.shape_cast %get3A_966 : vector<16xi32> to vector<16xi32>
          %swap3A_968 = arith.constant 1 : i32
          %swap3A_969 = arith.index_cast %swap3A_968 : i32 to index
          %swap3A_970 = arith.constant 48 : index
          %swap3A_971 = tpu.vector_load %arg12[%swap3A_969, %swap3A_970] {strides = array<i32>} : memref<2x128xi32, #tpu.memory_space<vmem>>, vector<1x16xi32>,
          %swap3A_972 = vector.shape_cast %swap3A_971 : vector<1x16xi32> to vector<16xi32>
          %swap3A_973 = vector.shape_cast %get3A_967 : vector<16xi32> to vector<1x16xi32>
          tpu.vector_store %arg12[%swap3A_969, %swap3A_970], %swap3A_973 {strides = array<i32>} : memref<2x128xi32, #tpu.memory_space<vmem>>, vector<1x16xi32>,
          %get3A_974 = arith.constant 192 : index
          %get3A_975 = tpu.vector_load %arg6[%get3A_974] {strides = array<i32>} : memref<256xi32, #tpu.memory_space<vmem>>, vector<16xi32>,
          %get3A_976 = vector.shape_cast %get3A_975 : vector<16xi32> to vector<16xi32>
          %mul3A_977 = arith.constant 2 : i32
          %mul3A_978 = vector.broadcast %mul3A_977 : i32 to vector<16xi32>
          %mul3A_979 = arith.muli %get3A_976, %mul3A_978 : vector<16xi32>
          %add3A_980 = vector.broadcast %arg0 : i32 to vector<16xi32>
          %add3A_981 = arith.addi %mul3A_979, %add3A_980 : vector<16xi32>
          %swap3A_982 = arith.constant 1 : i32
          %swap3A_983 = arith.index_cast %swap3A_982 : i32 to index
          %swap3A_984 = arith.constant 64 : index
          %swap3A_985 = tpu.vector_load %arg10[%swap3A_983, %swap3A_984] {strides = array<i32>} : memref<2x128xi32, #tpu.memory_space<vmem>>, vector<1x16xi32>,
          %swap3A_986 = vector.shape_cast %swap3A_985 : vector<1x16xi32> to vector<16xi32>
          %swap3A_987 = vector.shape_cast %add3A_981 : vector<16xi32> to vector<1x16xi32>
          tpu.vector_store %arg10[%swap3A_983, %swap3A_984], %swap3A_987 {strides = array<i32>} : memref<2x128xi32, #tpu.memory_space<vmem>>, vector<1x16xi32>,
          %get3A_988 = arith.constant 192 : index
          %get3A_989 = tpu.vector_load %arg8[%get3A_988] {strides = array<i32>} : memref<256xi32, #tpu.memory_space<vmem>>, vector<16xi32>,
          %get3A_990 = vector.shape_cast %get3A_989 : vector<16xi32> to vector<16xi32>
          %swap3A_991 = arith.constant 1 : i32
          %swap3A_992 = arith.index_cast %swap3A_991 : i32 to index
          %swap3A_993 = arith.constant 64 : index
          %swap3A_994 = tpu.vector_load %arg12[%swap3A_992, %swap3A_993] {strides = array<i32>} : memref<2x128xi32, #tpu.memory_space<vmem>>, vector<1x16xi32>,
          %swap3A_995 = vector.shape_cast %swap3A_994 : vector<1x16xi32> to vector<16xi32>
          %swap3A_996 = vector.shape_cast %get3A_990 : vector<16xi32> to vector<1x16xi32>
          tpu.vector_store %arg12[%swap3A_992, %swap3A_993], %swap3A_996 {strides = array<i32>} : memref<2x128xi32, #tpu.memory_space<vmem>>, vector<1x16xi32>,
          %get3A_997 = arith.constant 208 : index
          %get3A_998 = tpu.vector_load %arg6[%get3A_997] {strides = array<i32>} : memref<256xi32, #tpu.memory_space<vmem>>, vector<16xi32>,
          %get3A_999 = vector.shape_cast %get3A_998 : vector<16xi32> to vector<16xi32>
          %mul3A_1000 = arith.constant 2 : i32
          %mul3A_1001 = vector.broadcast %mul3A_1000 : i32 to vector<16xi32>
          %mul3A_1002 = arith.muli %get3A_999, %mul3A_1001 : vector<16xi32>
          %add3A_1003 = vector.broadcast %arg0 : i32 to vector<16xi32>
          %add3A_1004 = arith.addi %mul3A_1002, %add3A_1003 : vector<16xi32>
          %swap3A_1005 = arith.constant 1 : i32
          %swap3A_1006 = arith.index_cast %swap3A_1005 : i32 to index
          %swap3A_1007 = arith.constant 80 : index
          %swap3A_1008 = tpu.vector_load %arg10[%swap3A_1006, %swap3A_1007] {strides = array<i32>} : memref<2x128xi32, #tpu.memory_space<vmem>>, vector<1x16xi32>,
          %swap3A_1009 = vector.shape_cast %swap3A_1008 : vector<1x16xi32> to vector<16xi32>
          %swap3A_1010 = vector.shape_cast %add3A_1004 : vector<16xi32> to vector<1x16xi32>
          tpu.vector_store %arg10[%swap3A_1006, %swap3A_1007], %swap3A_1010 {strides = array<i32>} : memref<2x128xi32, #tpu.memory_space<vmem>>, vector<1x16xi32>,
          %get3A_1011 = arith.constant 208 : index
          %get3A_1012 = tpu.vector_load %arg8[%get3A_1011] {strides = array<i32>} : memref<256xi32, #tpu.memory_space<vmem>>, vector<16xi32>,
          %get3A_1013 = vector.shape_cast %get3A_1012 : vector<16xi32> to vector<16xi32>
          %swap3A_1014 = arith.constant 1 : i32
          %swap3A_1015 = arith.index_cast %swap3A_1014 : i32 to index
          %swap3A_1016 = arith.constant 80 : index
          %swap3A_1017 = tpu.vector_load %arg12[%swap3A_1015, %swap3A_1016] {strides = array<i32>} : memref<2x128xi32, #tpu.memory_space<vmem>>, vector<1x16xi32>,
          %swap3A_1018 = vector.shape_cast %swap3A_1017 : vector<1x16xi32> to vector<16xi32>
          %swap3A_1019 = vector.shape_cast %get3A_1013 : vector<16xi32> to vector<1x16xi32>
          tpu.vector_store %arg12[%swap3A_1015, %swap3A_1016], %swap3A_1019 {strides = array<i32>} : memref<2x128xi32, #tpu.memory_space<vmem>>, vector<1x16xi32>,
          %get3A_1020 = arith.constant 224 : index
          %get3A_1021 = tpu.vector_load %arg6[%get3A_1020] {strides = array<i32>} : memref<256xi32, #tpu.memory_space<vmem>>, vector<16xi32>,
          %get3A_1022 = vector.shape_cast %get3A_1021 : vector<16xi32> to vector<16xi32>
          %mul3A_1023 = arith.constant 2 : i32
          %mul3A_1024 = vector.broadcast %mul3A_1023 : i32 to vector<16xi32>
          %mul3A_1025 = arith.muli %get3A_1022, %mul3A_1024 : vector<16xi32>
          %add3A_1026 = vector.broadcast %arg0 : i32 to vector<16xi32>
          %add3A_1027 = arith.addi %mul3A_1025, %add3A_1026 : vector<16xi32>
          %swap3A_1028 = arith.constant 1 : i32
          %swap3A_1029 = arith.index_cast %swap3A_1028 : i32 to index
          %swap3A_1030 = arith.constant 96 : index
          %swap3A_1031 = tpu.vector_load %arg10[%swap3A_1029, %swap3A_1030] {strides = array<i32>} : memref<2x128xi32, #tpu.memory_space<vmem>>, vector<1x16xi32>,
          %swap3A_1032 = vector.shape_cast %swap3A_1031 : vector<1x16xi32> to vector<16xi32>
          %swap3A_1033 = vector.shape_cast %add3A_1027 : vector<16xi32> to vector<1x16xi32>
          tpu.vector_store %arg10[%swap3A_1029, %swap3A_1030], %swap3A_1033 {strides = array<i32>} : memref<2x128xi32, #tpu.memory_space<vmem>>, vector<1x16xi32>,
          %get3A_1034 = arith.constant 224 : index
          %get3A_1035 = tpu.vector_load %arg8[%get3A_1034] {strides = array<i32>} : memref<256xi32, #tpu.memory_space<vmem>>, vector<16xi32>,
          %get3A_1036 = vector.shape_cast %get3A_1035 : vector<16xi32> to vector<16xi32>
          %swap3A_1037 = arith.constant 1 : i32
          %swap3A_1038 = arith.index_cast %swap3A_1037 : i32 to index
          %swap3A_1039 = arith.constant 96 : index
          %swap3A_1040 = tpu.vector_load %arg12[%swap3A_1038, %swap3A_1039] {strides = array<i32>} : memref<2x128xi32, #tpu.memory_space<vmem>>, vector<1x16xi32>,
          %swap3A_1041 = vector.shape_cast %swap3A_1040 : vector<1x16xi32> to vector<16xi32>
          %swap3A_1042 = vector.shape_cast %get3A_1036 : vector<16xi32> to vector<1x16xi32>
          tpu.vector_store %arg12[%swap3A_1038, %swap3A_1039], %swap3A_1042 {strides = array<i32>} : memref<2x128xi32, #tpu.memory_space<vmem>>, vector<1x16xi32>,
          %get3A_1043 = arith.constant 240 : index
          %get3A_1044 = tpu.vector_load %arg6[%get3A_1043] {strides = array<i32>} : memref<256xi32, #tpu.memory_space<vmem>>, vector<16xi32>,
          %get3A_1045 = vector.shape_cast %get3A_1044 : vector<16xi32> to vector<16xi32>
          %mul3A_1046 = arith.constant 2 : i32
          %mul3A_1047 = vector.broadcast %mul3A_1046 : i32 to vector<16xi32>
          %mul3A_1048 = arith.muli %get3A_1045, %mul3A_1047 : vector<16xi32>
          %add3A_1049 = vector.broadcast %arg0 : i32 to vector<16xi32>
          %add3A_1050 = arith.addi %mul3A_1048, %add3A_1049 : vector<16xi32>
          %swap3A_1051 = arith.constant 1 : i32
          %swap3A_1052 = arith.index_cast %swap3A_1051 : i32 to index
          %swap3A_1053 = arith.constant 112 : index
          %swap3A_1054 = tpu.vector_load %arg10[%swap3A_1052, %swap3A_1053] {strides = array<i32>} : memref<2x128xi32, #tpu.memory_space<vmem>>, vector<1x16xi32>,
          %swap3A_1055 = vector.shape_cast %swap3A_1054 : vector<1x16xi32> to vector<16xi32>
          %swap3A_1056 = vector.shape_cast %add3A_1050 : vector<16xi32> to vector<1x16xi32>
          tpu.vector_store %arg10[%swap3A_1052, %swap3A_1053], %swap3A_1056 {strides = array<i32>} : memref<2x128xi32, #tpu.memory_space<vmem>>, vector<1x16xi32>,
          %get3A_1057 = arith.constant 240 : index
          %get3A_1058 = tpu.vector_load %arg8[%get3A_1057] {strides = array<i32>} : memref<256xi32, #tpu.memory_space<vmem>>, vector<16xi32>,
          %get3A_1059 = vector.shape_cast %get3A_1058 : vector<16xi32> to vector<16xi32>
          %swap3A_1060 = arith.constant 1 : i32
          %swap3A_1061 = arith.index_cast %swap3A_1060 : i32 to index
          %swap3A_1062 = arith.constant 112 : index
          %swap3A_1063 = tpu.vector_load %arg12[%swap3A_1061, %swap3A_1062] {strides = array<i32>} : memref<2x128xi32, #tpu.memory_space<vmem>>, vector<1x16xi32>,
          %swap3A_1064 = vector.shape_cast %swap3A_1063 : vector<1x16xi32> to vector<16xi32>
          %swap3A_1065 = vector.shape_cast %get3A_1059 : vector<16xi32> to vector<1x16xi32>
          tpu.vector_store %arg12[%swap3A_1061, %swap3A_1062], %swap3A_1065 {strides = array<i32>} : memref<2x128xi32, #tpu.memory_space<vmem>>, vector<1x16xi32>,
          %dma_start3A_1066 = arith.constant 0 : i32
          %dma_start3A_1067 = arith.constant 0 : i32
          %dma_start3A_1068 = arith.constant 0 : i32
          %dma_start3A_1069 = tpu.memref_slice %arg14[%dma_start3A_1067, %dma_start3A_1068] : memref<256x32xf32, #tpu.memory_space<vmem>> -> memref<128x32xf32, #tpu.memory_space<vmem>>
          %dma_start3A_1070 = arith.constant 0 : i32
          %dma_start3A_1071 = tpu.memref_slice %arg10[%dma_start3A_1066, %dma_start3A_1070] : memref<2x128xi32, #tpu.memory_space<vmem>> -> memref<1x128xi32, #tpu.memory_space<vmem>>
          %dma_start3A_1072 = tpu.memref_squeeze %dma_start3A_1071 : memref<1x128xi32, #tpu.memory_space<vmem>> -> memref<128xi32, #tpu.memory_space<vmem>>
          %dma_start3A_1073 = arith.constant 0 : i32
          %dma_start3A_1074 = arith.constant 0 : i32
          %dma_start3A_1075 = tpu.memref_slice %arg2[%dma_start3A_1073, %dma_start3A_1074] : memref<100000x32xf32, #tpu.memory_space<hbm>> -> memref<100000x32xf32, #tpu.memory_space<hbm>>
          tpu.enqueue_indirect_dma source(%dma_start3A_1075 : memref<100000x32xf32, #tpu.memory_space<hbm>>) target(%dma_start3A_1069 : memref<128x32xf32, #tpu.memory_space<vmem>>) offsets(%dma_start3A_1072 : memref<128xi32, #tpu.memory_space<vmem>>) semaphore(%arg19 : memref<!tpu.dma_semaphore, #tpu.memory_space<semaphore_mem>>)
          %dma_start3A_1076 = arith.constant 1 : i32
          %dma_start3A_1077 = arith.constant 128 : i32
          %dma_start3A_1078 = arith.constant 0 : i32
          %dma_start3A_1079 = tpu.memref_slice %arg14[%dma_start3A_1077, %dma_start3A_1078] : memref<256x32xf32, #tpu.memory_space<vmem>> -> memref<128x32xf32, #tpu.memory_space<vmem>>
          %dma_start3A_1080 = arith.constant 0 : i32
          %dma_start3A_1081 = tpu.memref_slice %arg10[%dma_start3A_1076, %dma_start3A_1080] : memref<2x128xi32, #tpu.memory_space<vmem>> -> memref<1x128xi32, #tpu.memory_space<vmem>>
          %dma_start3A_1082 = tpu.memref_squeeze %dma_start3A_1081 : memref<1x128xi32, #tpu.memory_space<vmem>> -> memref<128xi32, #tpu.memory_space<vmem>>
          %dma_start3A_1083 = arith.constant 0 : i32
          %dma_start3A_1084 = arith.constant 0 : i32
          %dma_start3A_1085 = tpu.memref_slice %arg2[%dma_start3A_1083, %dma_start3A_1084] : memref<100000x32xf32, #tpu.memory_space<hbm>> -> memref<100000x32xf32, #tpu.memory_space<hbm>>
          tpu.enqueue_indirect_dma source(%dma_start3A_1085 : memref<100000x32xf32, #tpu.memory_space<hbm>>) target(%dma_start3A_1079 : memref<128x32xf32, #tpu.memory_space<vmem>>) offsets(%dma_start3A_1082 : memref<128xi32, #tpu.memory_space<vmem>>) semaphore(%arg19 : memref<!tpu.dma_semaphore, #tpu.memory_space<semaphore_mem>>)
        } else {
        }
        %add3A_666 = arith.constant 1 : i32
        %add3A_667 = arith.addi %add3A_615, %add3A_666 : i32
        %ge3A_668 = arith.cmpi sge, %add3A_667, %add3A_138 : i32
        %convert_element_type3A_669 = arith.extui %ge3A_668 : i1 to i32
        %cond3A_670 = arith.constant 0 : i32
        %cond3A_671 = arith.cmpi ne, %convert_element_type3A_669, %cond3A_670 : i32
        scf.if %cond3A_671 {
          %ge3A_678 = arith.constant 1 : i32
          %ge3A_679 = arith.cmpi sge, %add3A_615, %ge3A_678 : i32
          %convert_element_type3A_680 = arith.extui %ge3A_679 : i1 to i32
          %cond3A_681 = arith.constant 0 : i32
          %cond3A_682 = arith.cmpi ne, %convert_element_type3A_680, %cond3A_681 : i32
          scf.if %cond3A_682 {
            %dma_wait3A_703 = arith.constant 0 : i32
            %dma_wait3A_704 = arith.constant 0 : i32
            %dma_wait3A_705 = arith.constant 0 : i32
            %dma_wait3A_706 = tpu.memref_slice %arg14[%dma_wait3A_704, %dma_wait3A_705] : memref<256x32xf32, #tpu.memory_space<vmem>> -> memref<128x32xf32, #tpu.memory_space<vmem>>
            %dma_wait3A_707 = arith.constant 0 : i32
            %dma_wait3A_708 = tpu.memref_slice %arg12[%dma_wait3A_703, %dma_wait3A_707] : memref<2x128xi32, #tpu.memory_space<vmem>> -> memref<1x128xi32, #tpu.memory_space<vmem>>
            %dma_wait3A_709 = tpu.memref_squeeze %dma_wait3A_708 : memref<1x128xi32, #tpu.memory_space<vmem>> -> memref<128xi32, #tpu.memory_space<vmem>>
            %dma_wait3A_710 = arith.constant 0 : i32
            %dma_wait3A_711 = arith.constant 0 : i32
            %dma_wait3A_712 = tpu.memref_slice %arg16[%dma_wait3A_710, %dma_wait3A_711] : memref<50000x32xf32, #tpu.memory_space<vmem_shared>> -> memref<50000x32xf32, #tpu.memory_space<vmem_shared>>
            tpu.wait_indirect_dma semaphore(%arg21 : memref<!tpu.dma_semaphore, #tpu.memory_space<semaphore_mem>>) src(%dma_wait3A_706 : memref<128x32xf32, #tpu.memory_space<vmem>>) dst(%dma_wait3A_712 : memref<50000x32xf32, #tpu.memory_space<vmem_shared>>)
            %dma_wait3A_713 = arith.constant 1 : i32
            %dma_wait3A_714 = arith.constant 128 : i32
            %dma_wait3A_715 = arith.constant 0 : i32
            %dma_wait3A_716 = tpu.memref_slice %arg14[%dma_wait3A_714, %dma_wait3A_715] : memref<256x32xf32, #tpu.memory_space<vmem>> -> memref<128x32xf32, #tpu.memory_space<vmem>>
            %dma_wait3A_717 = arith.constant 0 : i32
            %dma_wait3A_718 = tpu.memref_slice %arg12[%dma_wait3A_713, %dma_wait3A_717] : memref<2x128xi32, #tpu.memory_space<vmem>> -> memref<1x128xi32, #tpu.memory_space<vmem>>
            %dma_wait3A_719 = tpu.memref_squeeze %dma_wait3A_718 : memref<1x128xi32, #tpu.memory_space<vmem>> -> memref<128xi32, #tpu.memory_space<vmem>>
            %dma_wait3A_720 = arith.constant 0 : i32
            %dma_wait3A_721 = arith.constant 0 : i32
            %dma_wait3A_722 = tpu.memref_slice %arg16[%dma_wait3A_720, %dma_wait3A_721] : memref<50000x32xf32, #tpu.memory_space<vmem_shared>> -> memref<50000x32xf32, #tpu.memory_space<vmem_shared>>
            tpu.wait_indirect_dma semaphore(%arg21 : memref<!tpu.dma_semaphore, #tpu.memory_space<semaphore_mem>>) src(%dma_wait3A_716 : memref<128x32xf32, #tpu.memory_space<vmem>>) dst(%dma_wait3A_722 : memref<50000x32xf32, #tpu.memory_space<vmem_shared>>)
          } else {
          }
          %dma_wait3A_683 = arith.constant 0 : i32
          %dma_wait3A_684 = arith.constant 0 : i32
          %dma_wait3A_685 = arith.constant 0 : i32
          %dma_wait3A_686 = tpu.memref_slice %arg15[%dma_wait3A_684, %dma_wait3A_685] : memref<256x32xf32, #tpu.memory_space<vmem>> -> memref<128x32xf32, #tpu.memory_space<vmem>>
          %dma_wait3A_687 = arith.constant 0 : i32
          %dma_wait3A_688 = tpu.memref_slice %arg13[%dma_wait3A_683, %dma_wait3A_687] : memref<2x128xi32, #tpu.memory_space<vmem>> -> memref<1x128xi32, #tpu.memory_space<vmem>>
          %dma_wait3A_689 = tpu.memref_squeeze %dma_wait3A_688 : memref<1x128xi32, #tpu.memory_space<vmem>> -> memref<128xi32, #tpu.memory_space<vmem>>
          %dma_wait3A_690 = arith.constant 0 : i32
          %dma_wait3A_691 = arith.constant 0 : i32
          %dma_wait3A_692 = tpu.memref_slice %arg16[%dma_wait3A_690, %dma_wait3A_691] : memref<50000x32xf32, #tpu.memory_space<vmem_shared>> -> memref<50000x32xf32, #tpu.memory_space<vmem_shared>>
          tpu.wait_indirect_dma semaphore(%arg22 : memref<!tpu.dma_semaphore, #tpu.memory_space<semaphore_mem>>) src(%dma_wait3A_686 : memref<128x32xf32, #tpu.memory_space<vmem>>) dst(%dma_wait3A_692 : memref<50000x32xf32, #tpu.memory_space<vmem_shared>>)
          %dma_wait3A_693 = arith.constant 1 : i32
          %dma_wait3A_694 = arith.constant 128 : i32
          %dma_wait3A_695 = arith.constant 0 : i32
          %dma_wait3A_696 = tpu.memref_slice %arg15[%dma_wait3A_694, %dma_wait3A_695] : memref<256x32xf32, #tpu.memory_space<vmem>> -> memref<128x32xf32, #tpu.memory_space<vmem>>
          %dma_wait3A_697 = arith.constant 0 : i32
          %dma_wait3A_698 = tpu.memref_slice %arg13[%dma_wait3A_693, %dma_wait3A_697] : memref<2x128xi32, #tpu.memory_space<vmem>> -> memref<1x128xi32, #tpu.memory_space<vmem>>
          %dma_wait3A_699 = tpu.memref_squeeze %dma_wait3A_698 : memref<1x128xi32, #tpu.memory_space<vmem>> -> memref<128xi32, #tpu.memory_space<vmem>>
          %dma_wait3A_700 = arith.constant 0 : i32
          %dma_wait3A_701 = arith.constant 0 : i32
          %dma_wait3A_702 = tpu.memref_slice %arg16[%dma_wait3A_700, %dma_wait3A_701] : memref<50000x32xf32, #tpu.memory_space<vmem_shared>> -> memref<50000x32xf32, #tpu.memory_space<vmem_shared>>
          tpu.wait_indirect_dma semaphore(%arg22 : memref<!tpu.dma_semaphore, #tpu.memory_space<semaphore_mem>>) src(%dma_wait3A_696 : memref<128x32xf32, #tpu.memory_space<vmem>>) dst(%dma_wait3A_702 : memref<50000x32xf32, #tpu.memory_space<vmem_shared>>)
        } else {
        }
        %add3A_672 = arith.constant 2 : i32
        %add3A_673 = arith.addi %add3A_615, %add3A_672 : i32
        %lt3A_674 = arith.cmpi slt, %add3A_673, %add3A_138 : i32
        %convert_element_type3A_675 = arith.extui %lt3A_674 : i1 to i32
        %cond3A_676 = arith.constant 0 : i32
        %cond3A_677 = arith.cmpi ne, %convert_element_type3A_675, %cond3A_676 : i32
        scf.if %cond3A_677 {
          %add3A_678 = arith.constant 2 : i32
          %add3A_679 = arith.addi %add3A_615, %add3A_678 : i32
          %mul3A_680 = arith.constant 256 : i32
          %mul3A_681 = arith.muli %add3A_679, %mul3A_680 : i32
          %add3A_682 = arith.addi %mul3A_145, %mul3A_681 : i32
          %dma_start3A_683 = arith.constant 0 : i32
          %dma_start3A_684 = tpu.memref_slice %arg3[%dma_start3A_683, %add3A_682] : memref<2x800000xi32, #tpu.memory_space<hbm>> -> memref<1x256xi32, #tpu.memory_space<hbm>>
          %dma_start3A_685 = tpu.memref_squeeze %dma_start3A_684 : memref<1x256xi32, #tpu.memory_space<hbm>> -> memref<256xi32, #tpu.memory_space<hbm>>
          %dma_start3A_686 = tpu.memref_slice %arg3[%dma_start3A_683, %add3A_682] : memref<2x800000xi32, #tpu.memory_space<hbm>> -> memref<1x256xi32, #tpu.memory_space<hbm>>
          %dma_start3A_687 = tpu.memref_squeeze %dma_start3A_686 : memref<1x256xi32, #tpu.memory_space<hbm>> -> memref<256xi32, #tpu.memory_space<hbm>>
          tpu.enqueue_dma source(%dma_start3A_687 : memref<256xi32, #tpu.memory_space<hbm>>) target(%arg7 : memref<256xi32, #tpu.memory_space<vmem>>) target_semaphore(%arg18 : memref<!tpu.dma_semaphore, #tpu.memory_space<semaphore_mem>>)
          %dma_start3A_688 = arith.constant 1 : i32
          %dma_start3A_689 = tpu.memref_slice %arg3[%dma_start3A_688, %add3A_682] : memref<2x800000xi32, #tpu.memory_space<hbm>> -> memref<1x256xi32, #tpu.memory_space<hbm>>
          %dma_start3A_690 = tpu.memref_squeeze %dma_start3A_689 : memref<1x256xi32, #tpu.memory_space<hbm>> -> memref<256xi32, #tpu.memory_space<hbm>>
          %dma_start3A_691 = tpu.memref_slice %arg3[%dma_start3A_688, %add3A_682] : memref<2x800000xi32, #tpu.memory_space<hbm>> -> memref<1x256xi32, #tpu.memory_space<hbm>>
          %dma_start3A_692 = tpu.memref_squeeze %dma_start3A_691 : memref<1x256xi32, #tpu.memory_space<hbm>> -> memref<256xi32, #tpu.memory_space<hbm>>
          tpu.enqueue_dma source(%dma_start3A_692 : memref<256xi32, #tpu.memory_space<hbm>>) target(%arg9 : memref<256xi32, #tpu.memory_space<vmem>>) target_semaphore(%arg18 : memref<!tpu.dma_semaphore, #tpu.memory_space<semaphore_mem>>)
        } else {
        }
      } else {
      }
    }
    %scan3A_573 = arith.constant 98 : i32
    %barrier3A_574 = arith.constant 0 : index
    tpu.barrier barrier_id(%barrier3A_574)
    %eq3A = arith.constant 0 : i32
    %eq3A_575 = arith.cmpi eq, %arg0, %eq3A : i32
    %lt3A_576 = arith.constant 10 : i32
    %lt3A_577 = arith.cmpi slt, %arg1, %lt3A_576 : i32
    %and3A = arith.andi %eq3A_575, %lt3A_577 : i1
    %convert_element_type3A_578 = arith.extui %and3A : i1 to i32
    %cond3A_579 = arith.constant 0 : i32
    %cond3A_580 = arith.cmpi ne, %convert_element_type3A_578, %cond3A_579 : i32
    scf.if %cond3A_580 {
      "tpu.region"() ({
        %run_scoped3A = tpu.sem_alloc : memref<!tpu.dma_semaphore, #tpu.memory_space<semaphore_mem>>
        %dma_start3A_605 = arith.constant 0 : i32
        %dma_start3A_606 = tpu.memref_slice %arg4[%add3A, %dma_start3A_605] : memref<50000x32xf32, #tpu.memory_space<hbm>> -> memref<3128x32xf32, #tpu.memory_space<hbm>>
        %dma_start3A_607 = arith.constant 0 : i32
        %dma_start3A_608 = tpu.memref_slice %arg16[%add3A, %dma_start3A_607] : memref<50000x32xf32, #tpu.memory_space<vmem_shared>> -> memref<3128x32xf32, #tpu.memory_space<vmem_shared>>
        tpu.enqueue_dma source(%dma_start3A_608 : memref<3128x32xf32, #tpu.memory_space<vmem_shared>>) target(%dma_start3A_606 : memref<3128x32xf32, #tpu.memory_space<hbm>>) target_semaphore(%run_scoped3A : memref<!tpu.dma_semaphore, #tpu.memory_space<semaphore_mem>>)
        %dma_wait3A_609 = arith.constant 0 : i32
        %dma_wait3A_610 = tpu.memref_slice %arg4[%add3A, %dma_wait3A_609] : memref<50000x32xf32, #tpu.memory_space<hbm>> -> memref<3128x32xf32, #tpu.memory_space<hbm>>
        %dma_wait3A_611 = arith.constant 0 : i32
        %dma_wait3A_612 = tpu.memref_slice %arg16[%add3A, %dma_wait3A_611] : memref<50000x32xf32, #tpu.memory_space<vmem_shared>> -> memref<3128x32xf32, #tpu.memory_space<vmem_shared>>
        tpu.wait_dma2 semaphore(%run_scoped3A : memref<!tpu.dma_semaphore, #tpu.memory_space<semaphore_mem>>) src(%dma_wait3A_612 : memref<3128x32xf32, #tpu.memory_space<vmem_shared>>) dst(%dma_wait3A_610 : memref<3128x32xf32, #tpu.memory_space<hbm>>)
        tpu.yield
      }) : () -> ()
    } else {
    }
    %eq3A_581 = arith.constant 0 : i32
    %eq3A_582 = arith.cmpi eq, %arg0, %eq3A_581 : i32
    %ge3A_583 = arith.constant 10 : i32
    %ge3A_584 = arith.cmpi sge, %arg1, %ge3A_583 : i32
    %and3A_585 = arith.andi %eq3A_582, %ge3A_584 : i1
    %convert_element_type3A_586 = arith.extui %and3A_585 : i1 to i32
    %cond3A_587 = arith.constant 0 : i32
    %cond3A_588 = arith.cmpi ne, %convert_element_type3A_586, %cond3A_587 : i32
    scf.if %cond3A_588 {
      "tpu.region"() ({
        %run_scoped3A = tpu.sem_alloc : memref<!tpu.dma_semaphore, #tpu.memory_space<semaphore_mem>>
        %dma_start3A_605 = arith.constant 0 : i32
        %dma_start3A_606 = tpu.memref_slice %arg4[%add3A, %dma_start3A_605] : memref<50000x32xf32, #tpu.memory_space<hbm>> -> memref<3120x32xf32, #tpu.memory_space<hbm>>
        %dma_start3A_607 = arith.constant 0 : i32
        %dma_start3A_608 = tpu.memref_slice %arg16[%add3A, %dma_start3A_607] : memref<50000x32xf32, #tpu.memory_space<vmem_shared>> -> memref<3120x32xf32, #tpu.memory_space<vmem_shared>>
        tpu.enqueue_dma source(%dma_start3A_608 : memref<3120x32xf32, #tpu.memory_space<vmem_shared>>) target(%dma_start3A_606 : memref<3120x32xf32, #tpu.memory_space<hbm>>) target_semaphore(%run_scoped3A : memref<!tpu.dma_semaphore, #tpu.memory_space<semaphore_mem>>)
        %dma_wait3A_609 = arith.constant 0 : i32
        %dma_wait3A_610 = tpu.memref_slice %arg4[%add3A, %dma_wait3A_609] : memref<50000x32xf32, #tpu.memory_space<hbm>> -> memref<3120x32xf32, #tpu.memory_space<hbm>>
        %dma_wait3A_611 = arith.constant 0 : i32
        %dma_wait3A_612 = tpu.memref_slice %arg16[%add3A, %dma_wait3A_611] : memref<50000x32xf32, #tpu.memory_space<vmem_shared>> -> memref<3120x32xf32, #tpu.memory_space<vmem_shared>>
        tpu.wait_dma2 semaphore(%run_scoped3A : memref<!tpu.dma_semaphore, #tpu.memory_space<semaphore_mem>>) src(%dma_wait3A_612 : memref<3120x32xf32, #tpu.memory_space<vmem_shared>>) dst(%dma_wait3A_610 : memref<3120x32xf32, #tpu.memory_space<hbm>>)
        tpu.yield
      }) : () -> ()
    } else {
    }
    %eq3A_589 = arith.constant 1 : i32
    %eq3A_590 = arith.cmpi eq, %arg0, %eq3A_589 : i32
    %lt3A_591 = arith.constant 10 : i32
    %lt3A_592 = arith.cmpi slt, %arg1, %lt3A_591 : i32
    %and3A_593 = arith.andi %eq3A_590, %lt3A_592 : i1
    %convert_element_type3A_594 = arith.extui %and3A_593 : i1 to i32
    %cond3A_595 = arith.constant 0 : i32
    %cond3A_596 = arith.cmpi ne, %convert_element_type3A_594, %cond3A_595 : i32
    scf.if %cond3A_596 {
      "tpu.region"() ({
        %run_scoped3A = tpu.sem_alloc : memref<!tpu.dma_semaphore, #tpu.memory_space<semaphore_mem>>
        %dma_start3A_605 = arith.constant 0 : i32
        %dma_start3A_606 = tpu.memref_slice %arg5[%add3A, %dma_start3A_605] : memref<50000x32xf32, #tpu.memory_space<hbm>> -> memref<3128x32xf32, #tpu.memory_space<hbm>>
        %dma_start3A_607 = arith.constant 0 : i32
        %dma_start3A_608 = tpu.memref_slice %arg16[%add3A, %dma_start3A_607] : memref<50000x32xf32, #tpu.memory_space<vmem_shared>> -> memref<3128x32xf32, #tpu.memory_space<vmem_shared>>
        tpu.enqueue_dma source(%dma_start3A_608 : memref<3128x32xf32, #tpu.memory_space<vmem_shared>>) target(%dma_start3A_606 : memref<3128x32xf32, #tpu.memory_space<hbm>>) target_semaphore(%run_scoped3A : memref<!tpu.dma_semaphore, #tpu.memory_space<semaphore_mem>>)
        %dma_wait3A_609 = arith.constant 0 : i32
        %dma_wait3A_610 = tpu.memref_slice %arg5[%add3A, %dma_wait3A_609] : memref<50000x32xf32, #tpu.memory_space<hbm>> -> memref<3128x32xf32, #tpu.memory_space<hbm>>
        %dma_wait3A_611 = arith.constant 0 : i32
        %dma_wait3A_612 = tpu.memref_slice %arg16[%add3A, %dma_wait3A_611] : memref<50000x32xf32, #tpu.memory_space<vmem_shared>> -> memref<3128x32xf32, #tpu.memory_space<vmem_shared>>
        tpu.wait_dma2 semaphore(%run_scoped3A : memref<!tpu.dma_semaphore, #tpu.memory_space<semaphore_mem>>) src(%dma_wait3A_612 : memref<3128x32xf32, #tpu.memory_space<vmem_shared>>) dst(%dma_wait3A_610 : memref<3128x32xf32, #tpu.memory_space<hbm>>)
        tpu.yield
      }) : () -> ()
    } else {
    }
    %eq3A_597 = arith.constant 1 : i32
    %eq3A_598 = arith.cmpi eq, %arg0, %eq3A_597 : i32
    %ge3A_599 = arith.constant 10 : i32
    %ge3A_600 = arith.cmpi sge, %arg1, %ge3A_599 : i32
    %and3A_601 = arith.andi %eq3A_598, %ge3A_600 : i1
    %convert_element_type3A_602 = arith.extui %and3A_601 : i1 to i32
    %cond3A_603 = arith.constant 0 : i32
    %cond3A_604 = arith.cmpi ne, %convert_element_type3A_602, %cond3A_603 : i32
    scf.if %cond3A_604 {
      "tpu.region"() ({
        %run_scoped3A = tpu.sem_alloc : memref<!tpu.dma_semaphore, #tpu.memory_space<semaphore_mem>>
        %dma_start3A_605 = arith.constant 0 : i32
        %dma_start3A_606 = tpu.memref_slice %arg5[%add3A, %dma_start3A_605] : memref<50000x32xf32, #tpu.memory_space<hbm>> -> memref<3120x32xf32, #tpu.memory_space<hbm>>
        %dma_start3A_607 = arith.constant 0 : i32
        %dma_start3A_608 = tpu.memref_slice %arg16[%add3A, %dma_start3A_607] : memref<50000x32xf32, #tpu.memory_space<vmem_shared>> -> memref<3120x32xf32, #tpu.memory_space<vmem_shared>>
        tpu.enqueue_dma source(%dma_start3A_608 : memref<3120x32xf32, #tpu.memory_space<vmem_shared>>) target(%dma_start3A_606 : memref<3120x32xf32, #tpu.memory_space<hbm>>) target_semaphore(%run_scoped3A : memref<!tpu.dma_semaphore, #tpu.memory_space<semaphore_mem>>)
        %dma_wait3A_609 = arith.constant 0 : i32
        %dma_wait3A_610 = tpu.memref_slice %arg5[%add3A, %dma_wait3A_609] : memref<50000x32xf32, #tpu.memory_space<hbm>> -> memref<3120x32xf32, #tpu.memory_space<hbm>>
        %dma_wait3A_611 = arith.constant 0 : i32
        %dma_wait3A_612 = tpu.memref_slice %arg16[%add3A, %dma_wait3A_611] : memref<50000x32xf32, #tpu.memory_space<vmem_shared>> -> memref<3120x32xf32, #tpu.memory_space<vmem_shared>>
        tpu.wait_dma2 semaphore(%run_scoped3A : memref<!tpu.dma_semaphore, #tpu.memory_space<semaphore_mem>>) src(%dma_wait3A_612 : memref<3120x32xf32, #tpu.memory_space<vmem_shared>>) dst(%dma_wait3A_610 : memref<3120x32xf32, #tpu.memory_space<hbm>>)
        tpu.yield
      }) : () -> ()
    } else {
    }
    return
  }
}

module attributes {stable_mosaic.version = 14 : i64} {
  func.func @_mlp_body(%arg0: i32, %arg1: memref<5000x64xf32, #tpu.memory_space<vmem>>, %arg2: memref<5000x32xf32, #tpu.memory_space<vmem>>, %arg3: memref<5000x32xf32, #tpu.memory_space<vmem>>, %arg4: memref<64x64xf32, #tpu.memory_space<vmem>>, %arg5: memref<128x32xf32, #tpu.memory_space<vmem>>, %arg6: memref<1x32xf32, #tpu.memory_space<vmem>>, %arg7: memref<32x32xf32, #tpu.memory_space<vmem>>, %arg8: memref<1x32xf32, #tpu.memory_space<vmem>>, %arg9: memref<32x64xf32, #tpu.memory_space<vmem>>, %arg10: memref<1x64xf32, #tpu.memory_space<vmem>>, %arg11: memref<5000x64xf32, #tpu.memory_space<vmem>>) attributes {dimension_semantics = [#tpu.dimension_semantics<arbitrary>], iteration_bounds = array<i64: 10>, scalar_prefetch = 0 : i64, scratch_operands = 0 : i64, tpu.core_type = #tpu.core_type<tc>, window_params = [{transform_indices = @transform_0, window_bounds = array<i64: 5000, 64>}, {transform_indices = @transform_1, window_bounds = array<i64: 5000, 32>}, {transform_indices = @transform_2, window_bounds = array<i64: 5000, 32>}, {pipeline_mode = #tpu.pipeline_mode<synchronous>, transform_indices = @transform_3, window_bounds = array<i64: 64, 64>}, {pipeline_mode = #tpu.pipeline_mode<synchronous>, transform_indices = @transform_4, window_bounds = array<i64: 128, 32>}, {pipeline_mode = #tpu.pipeline_mode<synchronous>, transform_indices = @transform_5, window_bounds = array<i64: 1, 32>}, {pipeline_mode = #tpu.pipeline_mode<synchronous>, transform_indices = @transform_6, window_bounds = array<i64: 32, 32>}, {pipeline_mode = #tpu.pipeline_mode<synchronous>, transform_indices = @transform_7, window_bounds = array<i64: 1, 32>}, {pipeline_mode = #tpu.pipeline_mode<synchronous>, transform_indices = @transform_8, window_bounds = array<i64: 32, 64>}, {pipeline_mode = #tpu.pipeline_mode<synchronous>, transform_indices = @transform_9, window_bounds = array<i64: 1, 64>}, {transform_indices = @transform_10, window_bounds = array<i64: 5000, 64>}]} {
    %get3A = arith.constant 0 : index
    %get3A_0 = arith.constant 0 : index
    %get3A_1 = vector.load %arg2[%get3A, %get3A_0] : memref<5000x32xf32, #tpu.memory_space<vmem>>, vector<5000x32xf32>
    %get3A_2 = arith.constant 0 : index
    %get3A_3 = arith.constant 0 : index
    %get3A_4 = vector.load %arg3[%get3A_2, %get3A_3] : memref<5000x32xf32, #tpu.memory_space<vmem>>, vector<5000x32xf32>
    %concatenate3A = tpu.concatenate %get3A_1, %get3A_4 in 1 : vector<5000x32xf32>, vector<5000x32xf32> -> vector<5000x64xf32>
    %get3A_5 = arith.constant 0 : index
    %get3A_6 = arith.constant 0 : index
    %get3A_7 = vector.load %arg4[%get3A_5, %get3A_6] : memref<64x64xf32, #tpu.memory_space<vmem>>, vector<64x64xf32>
    %dot_general3A = arith.constant dense<0.000000e+00> : vector<5000x64xf32>
    %dot_general3A_8 = tpu.matmul %concatenate3A, %get3A_7, %dot_general3A {dimension_numbers = #tpu.dot_dimension_numbers<[1], [0], [0], [1], [0, 0, 1, 1], [], []>, transpose_lhs_hint = false} : vector<5000x64xf32>, vector<64x64xf32>, vector<5000x64xf32> -> vector<5000x64xf32>
    %get3A_9 = arith.constant 0 : index
    %get3A_10 = arith.constant 0 : index
    %get3A_11 = vector.load %arg1[%get3A_9, %get3A_10] : memref<5000x64xf32, #tpu.memory_space<vmem>>, vector<5000x64xf32>
    %concatenate3A_12 = tpu.concatenate %get3A_11, %dot_general3A_8 in 1 : vector<5000x64xf32>, vector<5000x64xf32> -> vector<5000x128xf32>
    %get3A_13 = arith.constant 0 : index
    %get3A_14 = arith.constant 0 : index
    %get3A_15 = vector.load %arg5[%get3A_13, %get3A_14] : memref<128x32xf32, #tpu.memory_space<vmem>>, vector<128x32xf32>
    %dot_general3A_16 = arith.constant dense<0.000000e+00> : vector<5000x32xf32>
    %dot_general3A_17 = tpu.matmul %concatenate3A_12, %get3A_15, %dot_general3A_16 {dimension_numbers = #tpu.dot_dimension_numbers<[1], [0], [0], [1], [0, 0, 1, 1], [], []>, transpose_lhs_hint = false} : vector<5000x128xf32>, vector<128x32xf32>, vector<5000x32xf32> -> vector<5000x32xf32>
    %get3A_18 = arith.constant 0 : index
    %get3A_19 = arith.constant 0 : index
    %get3A_20 = vector.load %arg6[%get3A_18, %get3A_19] : memref<1x32xf32, #tpu.memory_space<vmem>>, vector<1x32xf32>
    %add3A = vector.broadcast %get3A_20 : vector<1x32xf32> to vector<5000x32xf32>
    %add3A_21 = arith.addf %dot_general3A_17, %add3A : vector<5000x32xf32>
    %max3A = arith.constant 0.000000e+00 : f32
    %max3A_22 = vector.broadcast %max3A : f32 to vector<5000x32xf32>
    %max3A_23 = arith.maximumf %add3A_21, %max3A_22 : vector<5000x32xf32>
    %get3A_24 = arith.constant 0 : index
    %get3A_25 = arith.constant 0 : index
    %get3A_26 = vector.load %arg7[%get3A_24, %get3A_25] : memref<32x32xf32, #tpu.memory_space<vmem>>, vector<32x32xf32>
    %dot_general3A_27 = arith.constant dense<0.000000e+00> : vector<5000x32xf32>
    %dot_general3A_28 = tpu.matmul %max3A_23, %get3A_26, %dot_general3A_27 {dimension_numbers = #tpu.dot_dimension_numbers<[1], [0], [0], [1], [0, 0, 1, 1], [], []>, transpose_lhs_hint = false} : vector<5000x32xf32>, vector<32x32xf32>, vector<5000x32xf32> -> vector<5000x32xf32>
    %get3A_29 = arith.constant 0 : index
    %get3A_30 = arith.constant 0 : index
    %get3A_31 = vector.load %arg8[%get3A_29, %get3A_30] : memref<1x32xf32, #tpu.memory_space<vmem>>, vector<1x32xf32>
    %add3A_32 = vector.broadcast %get3A_31 : vector<1x32xf32> to vector<5000x32xf32>
    %add3A_33 = arith.addf %dot_general3A_28, %add3A_32 : vector<5000x32xf32>
    %max3A_34 = arith.constant 0.000000e+00 : f32
    %max3A_35 = vector.broadcast %max3A_34 : f32 to vector<5000x32xf32>
    %max3A_36 = arith.maximumf %add3A_33, %max3A_35 : vector<5000x32xf32>
    %get3A_37 = arith.constant 0 : index
    %get3A_38 = arith.constant 0 : index
    %get3A_39 = vector.load %arg9[%get3A_37, %get3A_38] : memref<32x64xf32, #tpu.memory_space<vmem>>, vector<32x64xf32>
    %dot_general3A_40 = arith.constant dense<0.000000e+00> : vector<5000x64xf32>
    %dot_general3A_41 = tpu.matmul %max3A_36, %get3A_39, %dot_general3A_40 {dimension_numbers = #tpu.dot_dimension_numbers<[1], [0], [0], [1], [0, 0, 1, 1], [], []>, transpose_lhs_hint = false} : vector<5000x32xf32>, vector<32x64xf32>, vector<5000x64xf32> -> vector<5000x64xf32>
    %get3A_42 = arith.constant 0 : index
    %get3A_43 = arith.constant 0 : index
    %get3A_44 = vector.load %arg10[%get3A_42, %get3A_43] : memref<1x64xf32, #tpu.memory_space<vmem>>, vector<1x64xf32>
    %add3A_45 = vector.broadcast %get3A_44 : vector<1x64xf32> to vector<5000x64xf32>
    %add3A_46 = arith.addf %dot_general3A_41, %add3A_45 : vector<5000x64xf32>
    %swap3A = arith.constant 0 : index
    %swap3A_47 = arith.constant 0 : index
    %swap3A_48 = vector.load %arg11[%swap3A, %swap3A_47] : memref<5000x64xf32, #tpu.memory_space<vmem>>, vector<5000x64xf32>
    tpu.vector_store %arg11[%swap3A, %swap3A_47], %add3A_46 {strides = array<i32>} : memref<5000x64xf32, #tpu.memory_space<vmem>>, vector<5000x64xf32>,
    return
  }
  func.func @transform_0(%arg0: i32) -> (i32, i32) {
    %c0_i32 = arith.constant 0 : i32
    %c0_i32_0 = arith.constant 0 : i32
    return %arg0, %c0_i32 : i32, i32
  }
  func.func @transform_1(%arg0: i32) -> (i32, i32) {
    %c0_i32 = arith.constant 0 : i32
    %c0_i32_0 = arith.constant 0 : i32
    return %arg0, %c0_i32 : i32, i32
  }
  func.func @transform_2(%arg0: i32) -> (i32, i32) {
    %c0_i32 = arith.constant 0 : i32
    %c0_i32_0 = arith.constant 0 : i32
    return %arg0, %c0_i32 : i32, i32
  }
  func.func @transform_3(%arg0: i32) -> (i32, i32) {
    %c0_i32 = arith.constant 0 : i32
    %c0_i32_0 = arith.constant 0 : i32
    %c0_i32_1 = arith.constant 0 : i32
    return %c0_i32, %c0_i32_0 : i32, i32
  }
  func.func @transform_4(%arg0: i32) -> (i32, i32) {
    %c0_i32 = arith.constant 0 : i32
    %c0_i32_0 = arith.constant 0 : i32
    %c0_i32_1 = arith.constant 0 : i32
    return %c0_i32, %c0_i32_0 : i32, i32
  }
  func.func @transform_5(%arg0: i32) -> (i32, i32) {
    %c0_i32 = arith.constant 0 : i32
    %c0_i32_0 = arith.constant 0 : i32
    %c0_i32_1 = arith.constant 0 : i32
    return %c0_i32, %c0_i32_0 : i32, i32
  }
  func.func @transform_6(%arg0: i32) -> (i32, i32) {
    %c0_i32 = arith.constant 0 : i32
    %c0_i32_0 = arith.constant 0 : i32
    %c0_i32_1 = arith.constant 0 : i32
    return %c0_i32, %c0_i32_0 : i32, i32
  }
  func.func @transform_7(%arg0: i32) -> (i32, i32) {
    %c0_i32 = arith.constant 0 : i32
    %c0_i32_0 = arith.constant 0 : i32
    %c0_i32_1 = arith.constant 0 : i32
    return %c0_i32, %c0_i32_0 : i32, i32
  }
  func.func @transform_8(%arg0: i32) -> (i32, i32) {
    %c0_i32 = arith.constant 0 : i32
    %c0_i32_0 = arith.constant 0 : i32
    %c0_i32_1 = arith.constant 0 : i32
    return %c0_i32, %c0_i32_0 : i32, i32
  }
  func.func @transform_9(%arg0: i32) -> (i32, i32) {
    %c0_i32 = arith.constant 0 : i32
    %c0_i32_0 = arith.constant 0 : i32
    %c0_i32_1 = arith.constant 0 : i32
    return %c0_i32, %c0_i32_0 : i32, i32
  }
  func.func @transform_10(%arg0: i32) -> (i32, i32) {
    %c0_i32 = arith.constant 0 : i32
    %c0_i32_0 = arith.constant 0 : i32
    return %arg0, %c0_i32 : i32, i32
  }
}

</mosaic_0001>

<sc_bundles>
// kernel: kernel.4.cloned.1.call-start
scs
__scs_entry_jumppad:
0x0: {  	(pc) =	sbr.rel $0x88, $3  }
0x1: {  	(tag) =	ssettag $0x0;
	lr =	simm.s32 $0x1  }
0x2: {  	[smem:$0x3F98] =	sst lr;
	_ =	strace $0xD0000000  }
0x3: {  	_ = 	snop  }
0x4: {  	_ = 	snop  }
0x5: {  	_ = 	snop  }
0x6: {  	_ = 	snop  }
0x7: {  	_ = 	snop  }
__scs_overlays_trampoline_lowered:
0x8: {  	[smem:$0x3FA7] =	sst s0  }
0x9: {  	[smem:$0x3FA8] =	sst s1  }
0xa: {  	[smem:$0x3FA9] =	sst s2  }
0xb: {  	[smem:$0x3FAA] =	sst s3  }
0xc: {  	[smem:$0x3FAB] =	sst s4  }
0xd: {  	[smem:$0x3FAC] =	sst s5  }
0xe: {  	[smem:$0x3FAD] =	sst s6  }
0xf: {  	[smem:$0x3FAE] =	sst s7  }
0x10: {  	[smem:$0x3FAF] =	sst s8  }
0x11: {  	[smem:$0x3FB0] =	sst s9;
	s0 =	simm.s32 @!p0 $0x0  }
0x12: {  	s1 =	sld [smem:$0x3F96];
	s0 =	simm.s32 @p0 $0x1  }
0x13: {  	[smem:$0x3FB1] =	sst s0;
	s0 =	simm.s32 @!p1 $0x0  }
0x14: {  	s2 =	sld [smem:$0x3F95];
	s0 =	simm.s32 @p1 $0x1  }
0x15: {  	[smem:$0x3FB2] =	sst s0;
	s0 =	simm.s32 @!p2 $0x0  }
0x16: {  	s3 =	sld [smem:$0x3FDB];
	s0 =	simm.s32 @p2 $0x1  }
0x17: {  	s4 =	simm.s32 $0x1BF5;
	[smem:$0x3FB4] =	sst s0  }
0x18: {  	s0 =	sld [smem:$0x3F97];
	_ =	swait.ge [sflag:s4], $0x0  }
0x19: {  	s7 =	sld [smem:$0x3F98]  }
0x1a: {  	s8 =	sadd.s32 $0xFFFFE003, lr  }
0x1b: {  	s9 =	sadd.s32 $0xFFFFFEF7, lr;
	s5 =	simm.s32 $0xFFFFFFFF;
	p2 =	slt.u32 s8, $0xFFFFF086  }
0x1c: {  	p1 =	slt.u32 s9, $0xF7A;
	s5 =	simm.s32 @!p2 $0x0  }
0x1d: {  	s5 =	simm.s32 @p1 $0x1;
	p0 =	seq.s32 s7, s2  }
0x1e: {  	s7 =	smul.u32 @!p0 $0xF7A, s2;
	p2 =	seq.s32 @!p0 s5, $0x0  }
0x1f: {  	s9 =	smul.u32 $0xF7A, s1;
	s8 =	simm.s32 @!p0 $0x1BF5;
	p2 =	por !p2, p0  }
0x20: {  	[sflag:s8] =	ssyncset.s32 @!p0 $0xFFFFF086;
	s6 =	sadd.s32 @!p0 s3, s7;
	s7 =	simm.s32 @!p0 $0x108  }
0x21: {  	s3 =	sadd.s32 s3, s9;
	s6 =	sadd.s32 @!p0 $0x88, s6;
	s7 =	simm.s32 @p2 $0x1082  }
0x22: {  	[simem:s7], [sflag:s8] =	dma.local @!p0 [hbm:s6], $0xF7A  }
0x23: {  	s9 =	sor.u32 $0xD0000000, s2;
	s6 =	simm.s32 $0x108;
	_ =	swait.ge @!p0 [sflag:s8], $0x0  }
0x24: {  	s3 =	sadd.s32 $0x88, s3;
	s6 =	simm.s32 @!p1 $0x1082;
	[sflag:s4] =	ssyncset.s32 $0xFFFFF086  }
0x25: {  	[simem:s6], [sflag:s4] =	dma.local [hbm:s3], $0xF7A  }
0x26: {  	[smem:$0x3F98] =	sst s1;
	(tag) =	ssettag s2;
	_ =	strace s9  }
0x27: {  	s1 =	sld [smem:$0x3FA8]  }
0x28: {  	s2 =	sld [smem:$0x3FA9]  }
0x29: {  	s4 =	sld [smem:$0x3FAB]  }
0x2a: {  	p0 =	seq.s32 s5, $0x0;
	s5 =	sld [smem:$0x3FAC]  }
0x2b: {  	s6 =	sld [smem:$0x3FAD]  }
0x2c: {  	s7 =	sld [smem:$0x3FAE]  }
0x2d: {  	s3 =	simm.s32 $0x108;
	s8 =	sld [smem:$0x3FAF]  }
0x2e: {  	s3 =	simm.s32 @!p0 $0x1082;
	s9 =	sld [smem:$0x3FB0]  }
0x2f: {  	lr =	sadd.s32 s0, s3;
	s0 =	sld [smem:$0x3FA7]  }
0x30: {  	s3 =	sld [smem:$0x3FAA]  }
0x31: {  	[smem:$0x3FB3] =	sst s10  }
0x32: {  	s10 =	sld [smem:$0x3FB1];
	_ =	sdelay $0x3  }
0x33: {  	p0 =	seq.s32 s10, $0x1;
	s10 =	sld [smem:$0x3FB3];
	_ =	sdelay $0x3  }
0x34: {  	[smem:$0x3FB3] =	sst s10  }
0x35: {  	s10 =	sld [smem:$0x3FB2];
	_ =	sdelay $0x3  }
0x36: {  	p1 =	seq.s32 s10, $0x1;
	s10 =	sld [smem:$0x3FB3];
	_ =	sdelay $0x3  }
0x37: {  	[smem:$0x3FB3] =	sst s10  }
0x38: {  	s10 =	sld [smem:$0x3FB4]  }
0x39: {  	_ = 	snop;
	(pc) =	sbr.ind lr, $3  }
0x3a: {  	_ = 	snop  }
0x3b: {  	_ = 	snop  }
0x3c: {  	p2 =	seq.s32 s10, $0x1;
	s10 =	sld [smem:$0x3FB3]  }
0x3d: {  	_ =	shalt  }
0x3e: {  	_ =	shalt  }
0x3f: {  	_ =	shalt  }
0x40: {  	_ =	shalt  }
0x41: {  	_ =	shalt  }
0x42: {  	_ =	shalt  }
0x43: {  	_ =	shalt  }
0x44: {  	_ =	shalt  }
0x45: {  	_ =	shalt  }
0x46: {  	_ =	shalt  }
0x47: {  	_ =	shalt  }
0x48: {  	_ =	shalt  }
0x49: {  	_ =	shalt  }
0x4a: {  	_ =	shalt  }
0x4b: {  	_ =	shalt  }
0x4c: {  	_ =	shalt  }
0x4d: {  	_ =	shalt  }
0x4e: {  	_ =	shalt  }
0x4f: {  	_ =	shalt  }
0x50: {  	_ =	shalt  }
0x51: {  	_ =	shalt  }
0x52: {  	_ =	shalt  }
0x53: {  	_ =	shalt  }
0x54: {  	_ =	shalt  }
0x55: {  	_ =	shalt  }
0x56: {  	_ =	shalt  }
0x57: {  	_ =	shalt  }
0x58: {  	_ =	shalt  }
0x59: {  	_ =	shalt  }
0x5a: {  	_ =	shalt  }
0x5b: {  	_ =	shalt  }
0x5c: {  	_ =	shalt  }
0x5d: {  	_ =	shalt  }
0x5e: {  	_ =	shalt  }
0x5f: {  	_ =	shalt  }
0x60: {  	_ =	shalt  }
0x61: {  	_ =	shalt  }
0x62: {  	_ =	shalt  }
0x63: {  	_ =	shalt  }
0x64: {  	_ =	shalt  }
0x65: {  	_ =	shalt  }
0x66: {  	_ =	shalt  }
0x67: {  	_ =	shalt  }
0x68: {  	_ =	shalt  }
0x69: {  	_ =	shalt  }
0x6a: {  	_ =	shalt  }
0x6b: {  	_ =	shalt  }
0x6c: {  	_ =	shalt  }
0x6d: {  	_ =	shalt  }
0x6e: {  	_ =	shalt  }
0x6f: {  	_ =	shalt  }
0x70: {  	_ =	shalt  }
0x71: {  	_ =	shalt  }
0x72: {  	_ =	shalt  }
0x73: {  	_ =	shalt  }
0x74: {  	_ =	shalt  }
0x75: {  	_ =	shalt  }
0x76: {  	_ =	shalt  }
0x77: {  	_ =	shalt  }
0x78: {  	_ =	shalt  }
0x79: {  	_ =	shalt  }
0x7a: {  	_ =	shalt  }
0x7b: {  	_ =	shalt  }
0x7c: {  	_ =	shalt  }
0x7d: {  	_ =	shalt  }
0x7e: {  	_ =	shalt  }
0x7f: {  	_ =	shalt  }
0x80: {  	_ =	shalt  }
0x81: {  	_ =	shalt  }
0x82: {  	_ =	shalt  }
0x83: {  	_ =	shalt  }
0x84: {  	_ =	shalt  }
0x85: {  	_ =	shalt  }
0x86: {  	_ =	shalt  }
0x87: {  	_ =	shalt  }
.Lfunc_end0:
.L_simem_size_0:
called_computation_lowered:
.L_overlay_start_0:
0x88: {  	s2 =	sld [smem:$0x3FD9]  }
0x89: {  	s3 =	sld [smem:$0x3FFE];
	_ =	sdelay $0x1  }
0x8a: {  	s1 =	srdreg.scid  }
0x8b: {  	s0 =	sand.u32 $0x1, s1  }
0x8c: {  	s17 =	sshll.u32 s0, $0xA;
	s2 =	sadd.s32 s3, s2  }
0x8d: {  	s2 =	sadd.s32 s2, s17  }
0x8e: {  	[smem:$0x3FBF] =	sst s2  }
0x8f: {  	_ = 	snop  }
0x90: {  	s2 =	sld [smem:$0x3FD0];
	(tm) =	ssettm $0x1  }
0x91: {  	s18 =	sld [smem:$0x3FFB];
	_ =	sdelay $0x3  }
0x92: {  	_ =	strace s18  }
0x93: {  	s3 =	sld [smem:$0x3FFC];
	_ =	sdelay $0x3  }
0x94: {  	_ =	strace s3  }
0x95: {  	s3 =	sld [smem:$0x3FFD];
	_ =	sdelay $0x3  }
0x96: {  	_ =	strace s3  }
0x97: {  	_ =	strace $0x8FFFFFFF  }
0x98: {  	s19 =	sld [smem:$0x3FDB];
	_ =	sdelay $0x1  }
0x99: {  	s4 =	simm.s32 $_scs_section_size  }
0x9a: {  	s5 =	simm.s32 $_size__tile_overlayer_lowered;
	s6 =	simm.s32 $_tile_overlayer_lowered  }
0x9b: {  	s22 =	simm.s32 $0x1BFF;
	s21 =	sshll.u32 s6, $0x1;
	s3 =	sadd.s32 s4, s19  }
0x9c: {  	s7 =	simm.s32 $0x0;
	s20 =	sshll.u32 s5, $0x1;
	s5 =	sadd.s32 s21, s3  }
0x9d: {  	[timem:s7], [sflag:s22] =	dma.local [hbm:s5], s20  }
0x9e: {  	_ =	swait.ge [sflag:s22], s20  }
0x9f: {  	s4 =	ssub.s32 $0x0, s20;
	[sflag:s22] =	ssyncset.done $0x0  }
0xa0: {  	[sflag:s22] =	ssyncadd.s32 s4;
	_ =	sdelay $0x1  }
0xa1: {  	s23 =	simm.s32 $0x1B8B  }
0xa2: {  	_ =	swait.ge [sflag:s23], $0x1  }
0xa3: {  	[sflag:s23] =	ssyncset.done $0x0  }
0xa4: {  	s25 =	simm.s32 $0x1B8E;
	s24 =	sld [smem:$0x3FFE];
	[sflag:s23] =	ssyncadd.s32 $0xFFFFFFFF  }
0xa5: {  	s26 =	simm.s32 $execute0_lowered;
	[smem:$0x3FD2] =	sst s25  }
0xa6: {  	s5 =	sshll.u32 s26, $0x1;
	_ =	strace $0x80000046;
	[dreg:$0x1] =	wrdreg $0xFFFFFFFF  }
0xa7: {  	s28 =	simm.s32 $_size_execute0_lowered;
	s3 =	sadd.s32 s3, s5;
	[dreg:$0x0] =	wrdreg $0x0  }
0xa8: {  	s5 =	sshll.u32 s28, $0x1;
	[dreg:$0x2] =	wrdreg s3  }
0xa9: {  	[dreg:$0x3] =	wrdreg s5  }
0xaa: {  	[dreg:$0x4] =	wrdreg $0xC0  }
0xab: {  	_ =	task [dreg:s7], $0x5FFFF  }
0xac: {  	[dreg:$0x1] =	wrdreg $0xFFFFFFFF  }
0xad: {  	[dreg:$0x0] =	wrdreg $0x60  }
0xae: {  	[dreg:$0x2] =	wrdreg s2  }
0xaf: {  	[dreg:$0x3] =	wrdreg s24  }
0xb0: {  	[dreg:$0x4] =	wrdreg $0x48000  }
0xb1: {  	[dreg:$0x5] =	wrdreg $0x9  }
0xb2: {  	_ =	task.clear_ibuf [dreg:s7], $0x6FFFF;
	_ =	strace $0x90000046  }
0xb3: {  	s29 =	simm.s32 $0x9;
	_ =	strace $0x80000048  }
0xb4: {  	_ =	swait.ge [sflag:s29], $0x1  }
0xb5: {  	[sflag:s29] =	ssyncadd.s32 $0xFFFFFFFF  }
0xb6: {  	_ =	strace $0x90000048  }
0xb7: {  	_ =	sfence  }
0xb8: {  	s30 =	sld [smem:$0x0];
	_ =	sdelay $0x2  }
0xb9: {  	s31 =	sshll.u32 s1, $0xD;
	s1 =	sshrl.u32 s1, $0x2  }
0xba: {  	s3 =	sand.u32 $0x4000, s31;
	s1 =	sadd.s32 s1, s30  }
0xbb: {  	s0 =	sor.u32 s3, s0;
	s1 =	sshll.u32 s1, $0x11  }
0xbc: {  	s0 =	sor.u32 s1, s0  }
0xbd: {  	s0 =	sadd.s32 $0x8F2B, s0  }
0xbe: {  	[sflag:s0] =	ssyncadd.remote.s32 $0x1  }
0xbf: {  	_ =	sfence.sel $0xFFFF  }
0xc0: {  	[dreg:$0x0] =	wrdreg $0xFFFFFFFF;
	(pc) =	sbr.abs _section_cstart, $3  }
0xc1: {  	[dreg:$0x1] =	wrdreg $0xFFFFFFFF  }
0xc2: {  	_ =	task.clear_ibuf [dreg:s7], $0x2FFFF;
	_ =	strace $0x9FFFFFFF  }
0xc3: {  	(tm) =	ssettm $0x7FFFFFFF  }
tec
execute0_lowered:
.L_overlay_start_1:
0x0: {  	(tag) =	ssettag $0x1  }
0x1: {  	s1 =	rddreg [dreg:$0x0]  }
0x2: {  	s0 =	rddreg [dreg:$0x1]  }
0x3: {  	s3 =	rddreg [dreg:$0x2]  }
0x4: {  	s4 =	simm.s32 $0x0;
	s10 =	stileid.u32;
	s6 =	srdreg.scid  }
0x5: {  	s30 =	simm.s32 $0x800;
	s31 =	simm.s32 $0x1;
	[smem:$0x7FF] =	sst s4  }
0x6: {  	s5 =	smul.u32 $0xC30, s10;
	s2 =	smin.u32 s10, $0xA;
	s22 =	sadd.s32 $0x1A00, s0  }
0x7: {  	s18 =	smul.u32 $0xC3, s10;
	p0 =	sgt.u32 s10, $0x9;
	p3 =	slt.u32 s10, $0xA  }
0x8: {  	s19 =	smin.u32 s10, $0x5;
	p1 =	slt.u32 s10, $0x5;
	s10 =	smul.u32 $0x1860, s10  }
0x9: {  	_ =	strace $0x80000047;
	s7 =	sshll.u32 s2, $0x3;
	s2 =	sand.u32 $0x1, s6  }
0xa: {  	s21 =	sshll.u32 s19, $0x5;
	s5 =	sadd.s32 s5, s7;
	s23 =	ssub.s32 $0x2, s2  }
0xb: {  	p2 =	seq.s32 s2, $0x0;
	s6 =	sadd.s32 s10, s22;
	p4 =	seq.s32 s2, $0x1  }
0xc: {  	s10 =	simm.s32 $0x600;
	s8 =	sshll.u32 s5, $0x2;
	s9 =	sshrl.u32 s23, $0x1  }
0xd: {  	s5 =	sshll.u32 s5, $0x5;
	p6 =	por !p2, !p3;
	s21 =	sadd.s32 s21, s6  }
0xe: {  	p2 =	por !p2, !p0;
	p3 =	por !p3, !p4;
	s5 =	sadd.s32 s5, s3  }
0xf: {  	p4 =	por !p4, !p0;
	s6 =	simm.s32 $0x400;
	s24 =	sadd.s32 $0x2000, s5  }
0x10: {  	s0 =	sadd.s32 s8, s0;
	s25 =	sadd.s32 $0x4000, s5;
	[dreg:$0x4] =	wrdreg s24  }
0x11: {  	s7 =	ssub.s32 s23, s9;
	s26 =	sadd.s32 $0x6000, s5;
	[dreg:$0x5] =	wrdreg s25  }
0x12: {  	s8 =	sadd.s32 s19, s18;
	s9 =	sadd.s32 $0x8000, s5;
	[dreg:$0x6] =	wrdreg s26  }
0x13: {  	s18 =	simm.s32 $0xC4;
	s11 =	sadd.s32 $0xA000, s5;
	[dreg:$0x7] =	wrdreg s9  }
0x14: {  	p2 =	por !p2, !p2;
	s12 =	sadd.s32 $0xC000, s5;
	[dreg:$0x8] =	wrdreg s11  }
0x15: {  	p3 =	por !p3, !p3;
	s13 =	sadd.s32 $0xE000, s5;
	[dreg:$0x9] =	wrdreg s12  }
0x16: {  	p4 =	por !p4, !p4;
	s14 =	sadd.s32 $0x10000, s5;
	[dreg:$0xa] =	wrdreg s13  }
0x17: {  	s19 =	simm.s32 $0x6;
	s15 =	sadd.s32 $0x12000, s5;
	[dreg:$0xb] =	wrdreg s14  }
0x18: {  	s16 =	sadd.s32 $0x14000, s5;
	s17 =	sadd.s32 $0x16000, s5;
	[dreg:$0xc] =	wrdreg s15  }
0x19: {  	s8 =	sshll.u32 s8, $0x5;
	s18 =	simm.s32 @!p1 $0xC3;
	[dreg:$0xd] =	wrdreg s16  }
0x1a: {  	p1 =	por !p6, !p6;
	s23 =	sadd.s32 $0x126C00, s0;
	[dreg:$0xe] =	wrdreg s17  }
0x1b: {  	s0 =	sadd.s32 $0xF5E00, s0;
	s11 =	sadd.s32 $0x18000, s5;
	[dreg:$0x12] =	wrdreg s23  }
0x1c: {  	s20 =	sadd.s32 s22, s8;
	[dreg:$0x13] =	wrdreg s0;
	s24 =	smax.u32 s7, $0x1  }
0x1d: {  	s28 =	sadd.s32 $0xFFFFFFFF, s18;
	s29 =	sadd.s32 $0xFFFFFFFE, s18;
	s0 =	simm.s32 $0x80  }
0x1e: {  	s7 =	simm.s32 $0x480;
	s8 =	simm.s32 $0x1800;
	s9 =	simm.s32 $0x3  }
0x1f: {  	s12 =	simm.s32 $0x2;
	s14 =	simm.s32 $0x2800;
	[dreg:$0xf] =	wrdreg s11  }
.Ltmp0:
0x20: {  	s16 =	simm.s32 $0x3800;
	[dreg:$0x14] =	wrdreg s24;
	(pc) =	sbr.rel .LBB2_1-.Ltmp0, $4  }
0x21: {  	s22 =	sadd.s32 $0x186A0, s20;
	s25 =	sadd.s32 $0x20, s20;
	[dreg:$0x10] =	wrdreg s20  }
0x22: {  	s26 =	sadd.s32 $0x186C0, s20;
	s11 =	simm.s32 $0x680;
	[dreg:$0x11] =	wrdreg s22  }
0x23: {  	s20 =	simm.s32 $0x5;
	s24 =	simm.s32 $0x4;
	[dreg:$0x15] =	wrdreg s25  }
0x24: {  	v1 =	vimm.f32 $0.0e+00;
	v0 =	vmov s2;
	[dreg:$0x16] =	wrdreg s26;
	s25 =	simm.s32 $0x700;
	s26 =	simm.s32 $0x780  }
.LBB2_15:
0x25: {  	s17 =	stileid.u32  }
0x26: {  	[bflag:$0x0] =	sbarrier.arrive $0xFFFF;
	s2 =	sshll.u32 @p1 s17, $0x6  }
0x27: {  	s13 =	sshrl.u32 @p1 s5, $0x3;
	s15 =	rddreg [dreg:$0x12];
	s2 =	sor.u32 @p1 $0x1C07, s2  }
0x28: {  	[hbm:s15], [sflag:s2] =	dma.local @p1 [spmem:s13], $0x30E0  }
0x29: {  	s2 =	simm.s32 @p1 $0x7  }
0x2a: {  	_ =	swait.ge @p1 [sflag:s2], $0x30E0  }
0x2b: {  	s13 =	sshll.u32 @p2 s17, $0x6;
	[sflag:s2] =	ssyncset.done @p1 $0x0  }
0x2c: {  	[sflag:s2] =	ssyncadd.s32 @p1 $0xFFFFCF20;
	s2 =	sor.u32 @p2 $0x1C07, s13;
	s13 =	sshrl.u32 @p2 s5, $0x3  }
0x2d: {  	[hbm:s15], [sflag:s2] =	dma.local @p2 [spmem:s13], $0x30C0  }
0x2e: {  	s2 =	simm.s32 @p2 $0x7  }
0x2f: {  	_ =	swait.ge @p2 [sflag:s2], $0x30C0  }
0x30: {  	s13 =	sshll.u32 @p3 s17, $0x6;
	[sflag:s2] =	ssyncset.done @p2 $0x0;
	s22 =	rddreg [dreg:$0x13]  }
0x31: {  	[sflag:s2] =	ssyncadd.s32 @p2 $0xFFFFCF40;
	s2 =	sor.u32 @p3 $0x1C07, s13;
	s13 =	sshrl.u32 @p3 s5, $0x3  }
0x32: {  	[hbm:s22], [sflag:s2] =	dma.local @p3 [spmem:s13], $0x30E0  }
0x33: {  	s2 =	simm.s32 @p3 $0x7  }
0x34: {  	_ =	swait.ge @p3 [sflag:s2], $0x30E0  }
0x35: {  	s13 =	sshll.u32 @p4 s17, $0x6;
	[sflag:s2] =	ssyncset.done @p3 $0x0  }
0x36: {  	[sflag:s2] =	ssyncadd.s32 @p3 $0xFFFFCF20;
	s2 =	sor.u32 @p4 $0x1C07, s13;
	s13 =	sshrl.u32 @p4 s5, $0x3  }
0x37: {  	[hbm:s22], [sflag:s2] =	dma.local @p4 [spmem:s13], $0x30C0  }
0x38: {  	s2 =	simm.s32 @p4 $0x7  }
0x39: {  	_ =	swait.ge @p4 [sflag:s2], $0x30C0  }
0x3a: {  	s4 =	sadd.s32 $0x1, s4;
	s23 =	rddreg [dreg:$0x14]  }
0x3b: {  	p5 =	sne.s32 s4, s23  }
.Ltmp1:
0x3c: {  	_ = 	snop;
	(pc) =	sbr.rel @!p5 .LBB2_16-.Ltmp1, $3  }
0x3d: {  	_ =	sdelay $0x1  }
0x3e: {  	[sflag:s2] =	ssyncset.done @p4 $0x0  }
0x3f: {  	s15 =	stileid.u32;
	[sflag:s2] =	ssyncadd.s32 @p4 $0xFFFFCF40  }
.LBB2_1:
0x40: {  	s2 =	simm.s32 $0x80;
	s17 =	simm.s32 $0x0  }
.LBB2_2:
0x41: {  	p5 =	sne.s32 s2, $0x7F80;
	[tilespmem:s17+$0x800] =	vst v1;
	s22 =	smov.u32 s2;
	s2 =	sadd.s32 $0x80, s2  }
.Ltmp2:
0x42: {  	[tilespmem:s17+$0x810] =	vst v1;
	(pc) =	sbr.rel @p5 .LBB2_2-.Ltmp2, $2  }
0x43: {  	_ =	sdelay $0x2  }
0x44: {  	s17 =	sshra.s32 s22, $0x2  }
0x45: {  	[tilespmem:s17+$0x800] =	vst v1  }
0x46: {  	[tilespmem:s17+$0x810] =	vst v1  }
0x47: {  	[spmem:s5] =	stream.linear.scatter [tilespmem:s30], [sflag:$0x1], $0x2000, $0x38;
	[tilespmem:$0x1CEA0] =	vst v63  }
0x48: {  	s2 =	rddreg [dreg:$0x4]  }
0x49: {  	[spmem:s2] =	stream.linear.scatter [tilespmem:s30], [sflag:$0x1], $0x2000, $0x38;
	[tilespmem:$0x1CEA0] =	vst v63  }
0x4a: {  	s15 =	rddreg [dreg:$0x5]  }
0x4b: {  	[spmem:s15] =	stream.linear.scatter [tilespmem:s30], [sflag:$0x1], $0x2000, $0x38;
	[tilespmem:$0x1CEA0] =	vst v63  }
0x4c: {  	s17 =	rddreg [dreg:$0x6]  }
0x4d: {  	[spmem:s17] =	stream.linear.scatter [tilespmem:s30], [sflag:$0x1], $0x2000, $0x38;
	[tilespmem:$0x1CEA0] =	vst v63  }
0x4e: {  	s22 =	rddreg [dreg:$0x7]  }
0x4f: {  	[spmem:s22] =	stream.linear.scatter [tilespmem:s30], [sflag:$0x1], $0x2000, $0x38;
	[tilespmem:$0x1CEA0] =	vst v63  }
0x50: {  	s23 =	rddreg [dreg:$0x8]  }
0x51: {  	[spmem:s23] =	stream.linear.scatter [tilespmem:s30], [sflag:$0x1], $0x2000, $0x38;
	[tilespmem:$0x1CEA0] =	vst v63  }
0x52: {  	s13 =	rddreg [dreg:$0x9]  }
0x53: {  	[spmem:s13] =	stream.linear.scatter [tilespmem:s30], [sflag:$0x1], $0x2000, $0x38;
	[tilespmem:$0x1CEA0] =	vst v63  }
0x54: {  	s15 =	rddreg [dreg:$0xa]  }
0x55: {  	[spmem:s15] =	stream.linear.scatter [tilespmem:s30], [sflag:$0x1], $0x2000, $0x38;
	[tilespmem:$0x1CEA0] =	vst v63  }
0x56: {  	s17 =	rddreg [dreg:$0xb]  }
0x57: {  	[spmem:s17] =	stream.linear.scatter [tilespmem:s30], [sflag:$0x1], $0x2000, $0x38;
	[tilespmem:$0x1CEA0] =	vst v63  }
0x58: {  	s22 =	rddreg [dreg:$0xc]  }
0x59: {  	[spmem:s22] =	stream.linear.scatter [tilespmem:s30], [sflag:$0x1], $0x2000, $0x38;
	[tilespmem:$0x1CEA0] =	vst v63  }
0x5a: {  	s23 =	rddreg [dreg:$0xd]  }
0x5b: {  	[spmem:s23] =	stream.linear.scatter [tilespmem:s30], [sflag:$0x1], $0x2000, $0x38;
	[tilespmem:$0x1CEA0] =	vst v63  }
0x5c: {  	s13 =	rddreg [dreg:$0xe]  }
0x5d: {  	[spmem:s13] =	stream.linear.scatter [tilespmem:s30], [sflag:$0x1], $0x2000, $0x38;
	[tilespmem:$0x1CEA0] =	vst v63  }
0x5e: {  	s2 =	simm.s32 @p0 $0x800;
	s13 =	rddreg [dreg:$0xf]  }
0x5f: {  	[spmem:s13] =	stream.linear.scatter @p0 [tilespmem:s2], [sflag:$0x7], $0x600, $0x38;
	[tilespmem:$0x1CEA0] =	vst v63  }
0x60: {  	s2 =	simm.s32 @p0 $0x7  }
0x61: {  	_ =	swait.ge @p0 [sflag:s2], $0x600  }
0x62: {  	[sflag:s2] =	ssyncset.done @p0 $0x0  }
0x63: {  	[sflag:s2] =	ssyncadd.s32 @p0 $0xFFFFFA00;
	s2 =	simm.s32 @!p0 $0x800  }
0x64: {  	[spmem:s13] =	stream.linear.scatter @!p0 [tilespmem:s2], [sflag:$0x7], $0x700, $0x38;
	[tilespmem:$0x1CEA0] =	vst v63  }
0x65: {  	s2 =	simm.s32 @!p0 $0x7  }
0x66: {  	_ =	swait.ge @!p0 [sflag:s2], $0x700  }
0x67: {  	[sflag:s2] =	ssyncset.done @!p0 $0x0  }
0x68: {  	[sflag:s2] =	ssyncadd.s32 @!p0 $0xFFFFF900  }
0x69: {  	_ =	swait.ge [sflag:s31], $0x2000  }
0x6a: {  	[sflag:s31] =	ssyncset.done $0x0  }
0x6b: {  	[sflag:s31] =	ssyncadd.s32 $0xFFFFE000  }
0x6c: {  	_ =	swait.ge [sflag:s31], $0x2000  }
0x6d: {  	[sflag:s31] =	ssyncset.done $0x0  }
0x6e: {  	[sflag:s31] =	ssyncadd.s32 $0xFFFFE000  }
0x6f: {  	_ =	swait.ge [sflag:s31], $0x2000  }
0x70: {  	[sflag:s31] =	ssyncset.done $0x0  }
0x71: {  	[sflag:s31] =	ssyncadd.s32 $0xFFFFE000  }
0x72: {  	_ =	swait.ge [sflag:s31], $0x2000  }
0x73: {  	[sflag:s31] =	ssyncset.done $0x0  }
0x74: {  	[sflag:s31] =	ssyncadd.s32 $0xFFFFE000  }
0x75: {  	_ =	swait.ge [sflag:s31], $0x2000  }
0x76: {  	[sflag:s31] =	ssyncset.done $0x0  }
0x77: {  	[sflag:s31] =	ssyncadd.s32 $0xFFFFE000  }
0x78: {  	_ =	swait.ge [sflag:s31], $0x2000  }
0x79: {  	[sflag:s31] =	ssyncset.done $0x0  }
0x7a: {  	[sflag:s31] =	ssyncadd.s32 $0xFFFFE000  }
0x7b: {  	_ =	swait.ge [sflag:s31], $0x2000  }
0x7c: {  	[sflag:s31] =	ssyncset.done $0x0  }
0x7d: {  	[sflag:s31] =	ssyncadd.s32 $0xFFFFE000  }
0x7e: {  	_ =	swait.ge [sflag:s31], $0x2000  }
0x7f: {  	[sflag:s31] =	ssyncset.done $0x0  }
0x80: {  	[sflag:s31] =	ssyncadd.s32 $0xFFFFE000  }
0x81: {  	_ =	swait.ge [sflag:s31], $0x2000  }
0x82: {  	[sflag:s31] =	ssyncset.done $0x0  }
0x83: {  	[sflag:s31] =	ssyncadd.s32 $0xFFFFE000  }
0x84: {  	_ =	swait.ge [sflag:s31], $0x2000  }
0x85: {  	[sflag:s31] =	ssyncset.done $0x0  }
0x86: {  	[sflag:s31] =	ssyncadd.s32 $0xFFFFE000  }
0x87: {  	_ =	swait.ge [sflag:s31], $0x2000  }
0x88: {  	[sflag:s31] =	ssyncset.done $0x0  }
0x89: {  	[sflag:s31] =	ssyncadd.s32 $0xFFFFE000  }
0x8a: {  	_ =	swait.ge [sflag:s31], $0x2000  }
0x8b: {  	[sflag:s31] =	ssyncset.done $0x0  }
0x8c: {  	[sflag:s31] =	ssyncadd.s32 $0xFFFFE000  }
0x8d: {  	[bflag:$0x0] =	sbarrier.arrive $0xFFFF  }
0x8e: {  	s17 =	simm.s32 $0x0;
	s15 =	rddreg [dreg:$0x10]  }
0x8f: {  	[tilespmem:s17], [sflag:$0x1] =	stream.linear.gather [hbm4b:s15+s17], $0x100, $0x38;
	[tilespmem:$0x1CEA0] =	vst v63  }
0x90: {  	s23 =	simm.s32 $0x200;
	s22 =	rddreg [dreg:$0x11]  }
0x91: {  	[tilespmem:s23], [sflag:$0x1] =	stream.linear.gather [hbm4b:s22+s17], $0x100, $0x38;
	[tilespmem:$0x1CEA0] =	vst v63  }
0x92: {  	s13 =	rddreg [dreg:$0x15];
	s15 =	simm.s32 $0x100  }
0x93: {  	[tilespmem:s15], [sflag:$0x2] =	stream.linear.gather [hbm4b:s13+s17], $0x100, $0x38;
	[tilespmem:$0x1CEA0] =	vst v63  }
0x94: {  	s22 =	rddreg [dreg:$0x16];
	s23 =	simm.s32 $0x300  }
0x95: {  	[tilespmem:s23], [sflag:$0x2] =	stream.linear.gather [hbm4b:s22+s17], $0x100, $0x38;
	[tilespmem:$0x1CEA0] =	vst v63  }
0x96: {  	_ =	swait.ge [sflag:s31], $0x100  }
0x97: {  	[sflag:s31] =	ssyncset.done $0x0  }
0x98: {  	[sflag:s31] =	ssyncadd.s32 $0xFFFFFF00  }
0x99: {  	_ =	swait.ge [sflag:s31], $0x100  }
0x9a: {  	[sflag:s31] =	ssyncset.done $0x0  }
0x9b: {  	[sflag:s31] =	ssyncadd.s32 $0xFFFFFF00  }
0x9c: {  	v2 =	vld [tilespmem:$0x0];
	_ =	sdelay $0x1  }
0x9d: {  	v3 =	vld [tilespmem:$0x10]  }
0x9e: {  	v4 =	vld [tilespmem:$0x200]  }
0x9f: {  	v5 =	vld [tilespmem:$0x20]  }
0xa0: {  	v6 =	vld [tilespmem:$0x210];
	v2 =	vshll.u32 v2, $0x1  }
0xa1: {  	v7 =	vld [tilespmem:$0x30];
	v2 =	vor.u32 v0, v2  }
0xa2: {  	[tilespmem:$0x400] =	vst v2;
	v2 =	vshll.u32 v3, $0x1;
	v3 =	vld [tilespmem:$0x220]  }
0xa3: {  	v44 =	vld [tilespmem:$0x40];
	[tilespmem:$0x600] =	vst v4;
	v2 =	vor.u32 v0, v2  }
0xa4: {  	v45 =	vld [tilespmem:$0x230];
	[tilespmem:$0x410] =	vst v2;
	v2 =	vshll.u32 v5, $0x1  }
0xa5: {  	v46 =	vld [tilespmem:$0x50];
	[tilespmem:$0x610] =	vst v6;
	v2 =	vor.u32 v0, v2  }
0xa6: {  	v47 =	vld [tilespmem:$0x240];
	[tilespmem:$0x420] =	vst v2;
	v2 =	vshll.u32 v7, $0x1  }
0xa7: {  	[tilespmem:$0x620] =	vst v3;
	v2 =	vor.u32 v0, v2;
	v3 =	vld [tilespmem:$0x60]  }
0xa8: {  	v48 =	vld [tilespmem:$0x250];
	[tilespmem:$0x430] =	vst v2;
	v2 =	vshll.u32 v44, $0x1  }
0xa9: {  	v49 =	vld [tilespmem:$0x70];
	[tilespmem:$0x630] =	vst v45;
	v2 =	vor.u32 v0, v2  }
0xaa: {  	v50 =	vld [tilespmem:$0x260];
	[tilespmem:$0x440] =	vst v2;
	v2 =	vshll.u32 v46, $0x1  }
0xab: {  	v51 =	vld [tilespmem:$0x80];
	[tilespmem:$0x640] =	vst v47;
	v2 =	vor.u32 v0, v2  }
0xac: {  	[tilespmem:$0x450] =	vst v2;
	v2 =	vshll.u32 v3, $0x1;
	v3 =	vld [tilespmem:$0x270]  }
0xad: {  	v52 =	vld [tilespmem:$0x90];
	[tilespmem:$0x650] =	vst v48;
	v2 =	vor.u32 v0, v2  }
0xae: {  	v53 =	vld [tilespmem:$0x280];
	[tilespmem:$0x460] =	vst v2;
	v2 =	vshll.u32 v49, $0x1  }
0xaf: {  	v54 =	vld [tilespmem:$0xA0];
	[tilespmem:$0x660] =	vst v50;
	v2 =	vor.u32 v0, v2  }
0xb0: {  	v55 =	vld [tilespmem:$0x290];
	[tilespmem:$0x470] =	vst v2;
	v2 =	vshll.u32 v51, $0x1  }
0xb1: {  	[tilespmem:$0x670] =	vst v3;
	v2 =	vor.u32 v0, v2;
	v3 =	vld [tilespmem:$0xB0]  }
0xb2: {  	v56 =	vld [tilespmem:$0x2A0];
	[tilespmem:$0x480] =	vst v2;
	v2 =	vshll.u32 v52, $0x1  }
0xb3: {  	v57 =	vld [tilespmem:$0xC0];
	[tilespmem:$0x680] =	vst v53;
	v2 =	vor.u32 v0, v2  }
0xb4: {  	v58 =	vld [tilespmem:$0x2B0];
	[tilespmem:$0x490] =	vst v2;
	v2 =	vshll.u32 v54, $0x1  }
0xb5: {  	v59 =	vld [tilespmem:$0xD0];
	[tilespmem:$0x690] =	vst v55;
	v2 =	vor.u32 v0, v2  }
0xb6: {  	[tilespmem:$0x4A0] =	vst v2;
	v2 =	vshll.u32 v3, $0x1;
	v3 =	vld [tilespmem:$0x2C0]  }
0xb7: {  	v60 =	vld [tilespmem:$0xE0];
	[tilespmem:$0x6A0] =	vst v56;
	v2 =	vor.u32 v0, v2  }
0xb8: {  	v61 =	vld [tilespmem:$0x2D0];
	[tilespmem:$0x4B0] =	vst v2;
	v2 =	vshll.u32 v57, $0x1  }
0xb9: {  	v62 =	vld [tilespmem:$0xF0];
	[tilespmem:$0x6B0] =	vst v58;
	v2 =	vor.u32 v0, v2  }
0xba: {  	v63 =	vld [tilespmem:$0x2E0];
	[tilespmem:$0x4C0] =	vst v2;
	v2 =	vshll.u32 v59, $0x1  }
0xbb: {  	[tilespmem:$0x6C0] =	vst v3;
	v2 =	vor.u32 v0, v2  }
0xbc: {  	v3 =	vld [tilespmem:$0x2F0];
	[tilespmem:$0x4D0] =	vst v2;
	v2 =	vshll.u32 v60, $0x1  }
0xbd: {  	[tilespmem:$0x6D0] =	vst v61;
	v2 =	vor.u32 v0, v2  }
0xbe: {  	[tilespmem:$0x4E0] =	vst v2;
	v2 =	vshll.u32 v62, $0x1  }
0xbf: {  	[tilespmem:$0x6E0] =	vst v63;
	v2 =	vor.u32 v0, v2  }
.Ltmp3:
0xc0: {  	[tilespmem:$0x4F0] =	vst v2;
	(pc) =	sbr.rel .LBB2_4-.Ltmp3, $4  }
0xc1: {  	[tilespmem:$0x6F0] =	vst v3  }
0xc2: {  	[tilespmem:s30], [sflag:$0x3] =	stream.indirect.gather [hbm4b:s1+s0], $0x20, s6, s0, $0xb8;
	[tilespmem:$0x1CEA0] =	vst v63  }
0xc3: {  	s2 =	simm.s32 $0x0  }
0xc4: {  	[tilespmem:s8], [sflag:$0x3] =	stream.indirect.gather [hbm4b:s1+s0], $0x20, s7, s0, $0xb8;
	[tilespmem:$0x1CEA0] =	vst v63  }
.LBB2_12:
0xc5: {  	_ =	swait.ge [sflag:s19], $0x1000  }
0xc6: {  	[sflag:s19] =	ssyncset.done $0x0  }
0xc7: {  	[sflag:s19] =	ssyncadd.s32 $0xFFFFF000  }
0xc8: {  	_ =	swait.ge [sflag:s19], $0x1000  }
0xc9: {  	[sflag:s19] =	ssyncset.done $0x0  }
0xca: {  	[sflag:s19] =	ssyncadd.s32 $0xFFFFF000  }
.LBB2_13:
0xcb: {  	s13 =	sadd.s32 $0x3, s17  }
0xcc: {  	p5 =	sge.u32 s13, s18  }
0xcd: {  	s13 =	sadd.s32 @!p5 s2, s21  }
0xce: {  	s23 =	simm.s32 @!p5 $0x0;
	s15 =	simm.s32 @!p5 $0x100;
	s22 =	sadd.s32 @!p5 $0x60, s13  }
0xcf: {  	[tilespmem:s15], [sflag:$0x2] =	stream.linear.gather @!p5 [hbm4b:s22+s23], $0x100, $0x38;
	[tilespmem:$0x1CEA0] =	vst v63  }
0xd0: {  	s13 =	sadd.s32 @!p5 $0x18700, s13;
	s15 =	simm.s32 @!p5 $0x300  }
0xd1: {  	[tilespmem:s15], [sflag:$0x2] =	stream.linear.gather @!p5 [hbm4b:s13+s23], $0x100, $0x38;
	[tilespmem:$0x1CEA0] =	vst v63  }
.LBB2_14:
0xd2: {  	s2 =	sadd.s32 $0x40, s2  }
0xd3: {  	p5 =	sne.s32 s2, $0x1880  }
.Ltmp4:
0xd4: {  	_ = 	snop;
	(pc) =	sbr.rel @!p5 .LBB2_15-.Ltmp4, $2  }
0xd5: {  	_ =	sdelay $0x2  }
0xd6: {  	s17 =	sadd.s32 $0x2, s17  }
.LBB2_4:
0xd7: {  	p5 =	sge.u32 s17, s18  }
.Ltmp5:
0xd8: {  	_ = 	snop;
	(pc) =	sbr.rel @p5 .LBB2_9-.Ltmp5, $1  }
0xd9: {  	_ =	sdelay $0x3  }
0xda: {  	_ =	swait.ge [sflag:s9], $0x1000  }
0xdb: {  	[sflag:s9] =	ssyncset.done $0x0  }
0xdc: {  	[sflag:s9] =	ssyncadd.s32 $0xFFFFF000  }
0xdd: {  	p6 =	sge.u32 s17, s28;
	_ =	swait.ge [sflag:s9], $0x1000  }
.Ltmp6:
0xde: {  	[sflag:s9] =	ssyncset.done $0x0;
	(pc) =	sbr.rel @p6 .LBB2_7-.Ltmp6, $4  }
0xdf: {  	[sflag:s9] =	ssyncadd.s32 $0xFFFFF000  }
0xe0: {  	[spmem:s3] =	stream.indirect.scatter.add.f32 [tilespmem:s30], [sflag:$0x5], $0x20, s10, s0, $0xb8;
	[tilespmem:$0x1CEA0] =	vst v63  }
0xe1: {  	p5 =	seq.s32 s2, $0x0  }
0xe2: {  	[spmem:s3] =	stream.indirect.scatter.add.f32 [tilespmem:s8], [sflag:$0x5], $0x20, s11, s0, $0xb8;
	[tilespmem:$0x1CEA0] =	vst v63  }
0xe3: {  	s22 =	simm.s32 @!p5 $0x6  }
0xe4: {  	_ =	swait.ge @!p5 [sflag:s22], $0x1000  }
0xe5: {  	[sflag:s22] =	ssyncset.done @!p5 $0x0  }
0xe6: {  	[sflag:s22] =	ssyncadd.s32 @!p5 $0xFFFFF000  }
0xe7: {  	_ =	swait.ge @!p5 [sflag:s22], $0x1000  }
0xe8: {  	[sflag:s22] =	ssyncset.done @!p5 $0x0  }
0xe9: {  	[sflag:s22] =	ssyncadd.s32 @!p5 $0xFFFFF000  }
0xea: {  	_ =	swait.ge [sflag:s12], $0x100  }
0xeb: {  	[sflag:s12] =	ssyncset.done $0x0  }
0xec: {  	[sflag:s12] =	ssyncadd.s32 $0xFFFFFF00  }
0xed: {  	_ =	swait.ge [sflag:s12], $0x100  }
0xee: {  	[sflag:s12] =	ssyncset.done $0x0  }
0xef: {  	[sflag:s12] =	ssyncadd.s32 $0xFFFFFF00  }
0xf0: {  	v2 =	vld [tilespmem:$0x100];
	_ =	sdelay $0x1  }
0xf1: {  	v3 =	vld [tilespmem:$0x110]  }
0xf2: {  	v4 =	vld [tilespmem:$0x300]  }
0xf3: {  	v5 =	vld [tilespmem:$0x120]  }
0xf4: {  	v6 =	vld [tilespmem:$0x310];
	v2 =	vshll.u32 v2, $0x1  }
0xf5: {  	v7 =	vld [tilespmem:$0x130];
	v2 =	vor.u32 v0, v2  }
0xf6: {  	[tilespmem:$0x500] =	vst v2;
	v2 =	vshll.u32 v3, $0x1;
	v3 =	vld [tilespmem:$0x320]  }
0xf7: {  	v44 =	vld [tilespmem:$0x140];
	[tilespmem:$0x700] =	vst v4;
	v2 =	vor.u32 v0, v2  }
0xf8: {  	v45 =	vld [tilespmem:$0x330];
	[tilespmem:$0x510] =	vst v2;
	v2 =	vshll.u32 v5, $0x1  }
0xf9: {  	v46 =	vld [tilespmem:$0x150];
	[tilespmem:$0x710] =	vst v6;
	v2 =	vor.u32 v0, v2  }
0xfa: {  	v47 =	vld [tilespmem:$0x340];
	[tilespmem:$0x520] =	vst v2;
	v2 =	vshll.u32 v7, $0x1  }
0xfb: {  	[tilespmem:$0x720] =	vst v3;
	v2 =	vor.u32 v0, v2;
	v3 =	vld [tilespmem:$0x160]  }
0xfc: {  	v48 =	vld [tilespmem:$0x350];
	[tilespmem:$0x530] =	vst v2;
	v2 =	vshll.u32 v44, $0x1  }
0xfd: {  	v49 =	vld [tilespmem:$0x170];
	[tilespmem:$0x730] =	vst v45;
	v2 =	vor.u32 v0, v2  }
0xfe: {  	v50 =	vld [tilespmem:$0x360];
	[tilespmem:$0x540] =	vst v2;
	v2 =	vshll.u32 v46, $0x1  }
0xff: {  	v51 =	vld [tilespmem:$0x180];
	[tilespmem:$0x740] =	vst v47;
	v2 =	vor.u32 v0, v2  }
0x100: {  	[tilespmem:$0x550] =	vst v2;
	v2 =	vshll.u32 v3, $0x1;
	v3 =	vld [tilespmem:$0x370]  }
0x101: {  	v52 =	vld [tilespmem:$0x190];
	[tilespmem:$0x750] =	vst v48;
	v2 =	vor.u32 v0, v2  }
0x102: {  	v53 =	vld [tilespmem:$0x380];
	[tilespmem:$0x560] =	vst v2;
	v2 =	vshll.u32 v49, $0x1  }
0x103: {  	v54 =	vld [tilespmem:$0x1A0];
	[tilespmem:$0x760] =	vst v50;
	v2 =	vor.u32 v0, v2  }
0x104: {  	v55 =	vld [tilespmem:$0x390];
	[tilespmem:$0x570] =	vst v2;
	v2 =	vshll.u32 v51, $0x1  }
0x105: {  	[tilespmem:$0x770] =	vst v3;
	v2 =	vor.u32 v0, v2;
	v3 =	vld [tilespmem:$0x1B0]  }
0x106: {  	v56 =	vld [tilespmem:$0x3A0];
	[tilespmem:$0x580] =	vst v2;
	v2 =	vshll.u32 v52, $0x1  }
0x107: {  	v57 =	vld [tilespmem:$0x1C0];
	[tilespmem:$0x780] =	vst v53;
	v2 =	vor.u32 v0, v2  }
0x108: {  	v58 =	vld [tilespmem:$0x3B0];
	[tilespmem:$0x590] =	vst v2;
	v2 =	vshll.u32 v54, $0x1  }
0x109: {  	v59 =	vld [tilespmem:$0x1D0];
	[tilespmem:$0x790] =	vst v55;
	v2 =	vor.u32 v0, v2  }
0x10a: {  	[tilespmem:$0x5A0] =	vst v2;
	v2 =	vshll.u32 v3, $0x1;
	v3 =	vld [tilespmem:$0x3C0]  }
0x10b: {  	v60 =	vld [tilespmem:$0x1E0];
	[tilespmem:$0x7A0] =	vst v56;
	v2 =	vor.u32 v0, v2  }
0x10c: {  	v61 =	vld [tilespmem:$0x3D0];
	[tilespmem:$0x5B0] =	vst v2;
	v2 =	vshll.u32 v57, $0x1  }
0x10d: {  	v62 =	vld [tilespmem:$0x1F0];
	[tilespmem:$0x7B0] =	vst v58;
	v2 =	vor.u32 v0, v2  }
0x10e: {  	v63 =	vld [tilespmem:$0x3E0];
	[tilespmem:$0x5C0] =	vst v2;
	v2 =	vshll.u32 v59, $0x1  }
0x10f: {  	[tilespmem:$0x7C0] =	vst v3;
	v2 =	vor.u32 v0, v2  }
0x110: {  	v3 =	vld [tilespmem:$0x3F0];
	[tilespmem:$0x5D0] =	vst v2;
	v2 =	vshll.u32 v60, $0x1  }
0x111: {  	[tilespmem:$0x7D0] =	vst v61;
	v2 =	vor.u32 v0, v2  }
0x112: {  	[tilespmem:$0x5E0] =	vst v2;
	v2 =	vshll.u32 v62, $0x1  }
0x113: {  	[tilespmem:$0x7E0] =	vst v63;
	v2 =	vor.u32 v0, v2  }
.Ltmp7:
0x114: {  	[tilespmem:$0x5F0] =	vst v2;
	(pc) =	sbr.rel .LBB2_8-.Ltmp7, $4  }
0x115: {  	s13 =	simm.s32 $0x500;
	[tilespmem:$0x7F0] =	vst v3  }
0x116: {  	[tilespmem:s14], [sflag:$0x4] =	stream.indirect.gather [hbm4b:s1+s0], $0x20, s13, s0, $0xb8;
	[tilespmem:$0x1CEA0] =	vst v63  }
0x117: {  	s23 =	simm.s32 $0x580  }
0x118: {  	[tilespmem:s16], [sflag:$0x4] =	stream.indirect.gather [hbm4b:s1+s0], $0x20, s23, s0, $0xb8;
	[tilespmem:$0x1CEA0] =	vst v63  }
.LBB2_7:
0x119: {  	s22 =	simm.s32 @!p5 $0x6  }
0x11a: {  	_ =	swait.ge @!p5 [sflag:s22], $0x1000  }
0x11b: {  	[sflag:s22] =	ssyncset.done @!p5 $0x0  }
0x11c: {  	[sflag:s22] =	ssyncadd.s32 @!p5 $0xFFFFF000  }
0x11d: {  	_ =	swait.ge @!p5 [sflag:s22], $0x1000  }
0x11e: {  	[sflag:s22] =	ssyncset.done @!p5 $0x0  }
0x11f: {  	[sflag:s22] =	ssyncadd.s32 @!p5 $0xFFFFF000  }
0x120: {  	_ =	swait.ge [sflag:s20], $0x1000  }
0x121: {  	[sflag:s20] =	ssyncset.done $0x0  }
0x122: {  	[sflag:s20] =	ssyncadd.s32 $0xFFFFF000  }
0x123: {  	_ =	swait.ge [sflag:s20], $0x1000  }
0x124: {  	[sflag:s20] =	ssyncset.done $0x0  }
0x125: {  	[sflag:s20] =	ssyncadd.s32 $0xFFFFF000  }
.LBB2_8:
0x126: {  	s22 =	sadd.s32 $0x2, s17  }
0x127: {  	p5 =	sge.u32 s22, s18  }
0x128: {  	s22 =	sadd.s32 @!p5 s2, s21  }
0x129: {  	s13 =	simm.s32 @!p5 $0x0;
	s23 =	sadd.s32 @!p5 $0x40, s22  }
0x12a: {  	[tilespmem:s13], [sflag:$0x1] =	stream.linear.gather @!p5 [hbm4b:s23+s13], $0x100, $0x38;
	[tilespmem:$0x1CEA0] =	vst v63  }
0x12b: {  	s22 =	sadd.s32 @!p5 $0x186E0, s22;
	s23 =	simm.s32 @!p5 $0x200  }
0x12c: {  	[tilespmem:s23], [sflag:$0x1] =	stream.linear.gather @!p5 [hbm4b:s22+s13], $0x100, $0x38;
	[tilespmem:$0x1CEA0] =	vst v63  }
.LBB2_9:
0x12d: {  	p5 =	sge.u32 s17, s28  }
.Ltmp8:
0x12e: {  	_ = 	snop;
	(pc) =	sbr.rel @p5 .LBB2_14-.Ltmp8, $1  }
0x12f: {  	_ =	sdelay $0x3  }
0x130: {  	_ =	swait.ge [sflag:s24], $0x1000  }
0x131: {  	[sflag:s24] =	ssyncset.done $0x0  }
0x132: {  	[sflag:s24] =	ssyncadd.s32 $0xFFFFF000  }
0x133: {  	_ =	swait.ge [sflag:s24], $0x1000  }
0x134: {  	[sflag:s24] =	ssyncset.done $0x0  }
0x135: {  	[sflag:s24] =	ssyncadd.s32 $0xFFFFF000  }
0x136: {  	[spmem:s3] =	stream.indirect.scatter.add.f32 [tilespmem:s14], [sflag:$0x6], $0x20, s25, s0, $0xb8;
	[tilespmem:$0x1CEA0] =	vst v63  }
0x137: {  	_ = 	snop  }
0x138: {  	[spmem:s3] =	stream.indirect.scatter.add.f32 [tilespmem:s16], [sflag:$0x6], $0x20, s26, s0, $0xb8;
	[tilespmem:$0x1CEA0] =	vst v63  }
0x139: {  	p5 =	sge.u32 s17, s29;
	_ =	swait.ge [sflag:s20], $0x1000  }
.Ltmp9:
0x13a: {  	[sflag:s20] =	ssyncset.done $0x0;
	(pc) =	sbr.rel @p5 .LBB2_12-.Ltmp9, $4  }
0x13b: {  	[sflag:s20] =	ssyncadd.s32 $0xFFFFF000  }
0x13c: {  	_ =	swait.ge [sflag:s20], $0x1000  }
0x13d: {  	[sflag:s20] =	ssyncset.done $0x0  }
0x13e: {  	[sflag:s20] =	ssyncadd.s32 $0xFFFFF000  }
0x13f: {  	_ =	swait.ge [sflag:s31], $0x100  }
0x140: {  	[sflag:s31] =	ssyncset.done $0x0  }
0x141: {  	[sflag:s31] =	ssyncadd.s32 $0xFFFFFF00  }
0x142: {  	_ =	swait.ge [sflag:s31], $0x100  }
0x143: {  	[sflag:s31] =	ssyncset.done $0x0  }
0x144: {  	[sflag:s31] =	ssyncadd.s32 $0xFFFFFF00  }
0x145: {  	v2 =	vld [tilespmem:$0x0];
	_ =	sdelay $0x1  }
0x146: {  	v3 =	vld [tilespmem:$0x10]  }
0x147: {  	v4 =	vld [tilespmem:$0x200]  }
0x148: {  	v5 =	vld [tilespmem:$0x20]  }
0x149: {  	v6 =	vld [tilespmem:$0x210];
	v2 =	vshll.u32 v2, $0x1  }
0x14a: {  	v7 =	vld [tilespmem:$0x30];
	v2 =	vor.u32 v0, v2  }
0x14b: {  	[tilespmem:$0x400] =	vst v2;
	v2 =	vshll.u32 v3, $0x1;
	v3 =	vld [tilespmem:$0x220]  }
0x14c: {  	v44 =	vld [tilespmem:$0x40];
	[tilespmem:$0x600] =	vst v4;
	v2 =	vor.u32 v0, v2  }
0x14d: {  	v45 =	vld [tilespmem:$0x230];
	[tilespmem:$0x410] =	vst v2;
	v2 =	vshll.u32 v5, $0x1  }
0x14e: {  	v46 =	vld [tilespmem:$0x50];
	[tilespmem:$0x610] =	vst v6;
	v2 =	vor.u32 v0, v2  }
0x14f: {  	v47 =	vld [tilespmem:$0x240];
	[tilespmem:$0x420] =	vst v2;
	v2 =	vshll.u32 v7, $0x1  }
0x150: {  	[tilespmem:$0x620] =	vst v3;
	v2 =	vor.u32 v0, v2;
	v3 =	vld [tilespmem:$0x60]  }
0x151: {  	v48 =	vld [tilespmem:$0x250];
	[tilespmem:$0x430] =	vst v2;
	v2 =	vshll.u32 v44, $0x1  }
0x152: {  	v49 =	vld [tilespmem:$0x70];
	[tilespmem:$0x630] =	vst v45;
	v2 =	vor.u32 v0, v2  }
0x153: {  	v50 =	vld [tilespmem:$0x260];
	[tilespmem:$0x440] =	vst v2;
	v2 =	vshll.u32 v46, $0x1  }
0x154: {  	v51 =	vld [tilespmem:$0x80];
	[tilespmem:$0x640] =	vst v47;
	v2 =	vor.u32 v0, v2  }
0x155: {  	[tilespmem:$0x450] =	vst v2;
	v2 =	vshll.u32 v3, $0x1;
	v3 =	vld [tilespmem:$0x270]  }
0x156: {  	v52 =	vld [tilespmem:$0x90];
	[tilespmem:$0x650] =	vst v48;
	v2 =	vor.u32 v0, v2  }
0x157: {  	v53 =	vld [tilespmem:$0x280];
	[tilespmem:$0x460] =	vst v2;
	v2 =	vshll.u32 v49, $0x1  }
0x158: {  	v54 =	vld [tilespmem:$0xA0];
	[tilespmem:$0x660] =	vst v50;
	v2 =	vor.u32 v0, v2  }
0x159: {  	v55 =	vld [tilespmem:$0x290];
	[tilespmem:$0x470] =	vst v2;
	v2 =	vshll.u32 v51, $0x1  }
0x15a: {  	[tilespmem:$0x670] =	vst v3;
	v2 =	vor.u32 v0, v2;
	v3 =	vld [tilespmem:$0xB0]  }
0x15b: {  	v56 =	vld [tilespmem:$0x2A0];
	[tilespmem:$0x480] =	vst v2;
	v2 =	vshll.u32 v52, $0x1  }
0x15c: {  	v57 =	vld [tilespmem:$0xC0];
	[tilespmem:$0x680] =	vst v53;
	v2 =	vor.u32 v0, v2  }
0x15d: {  	v58 =	vld [tilespmem:$0x2B0];
	[tilespmem:$0x490] =	vst v2;
	v2 =	vshll.u32 v54, $0x1  }
0x15e: {  	v59 =	vld [tilespmem:$0xD0];
	[tilespmem:$0x690] =	vst v55;
	v2 =	vor.u32 v0, v2  }
0x15f: {  	[tilespmem:$0x4A0] =	vst v2;
	v2 =	vshll.u32 v3, $0x1;
	v3 =	vld [tilespmem:$0x2C0]  }
0x160: {  	v60 =	vld [tilespmem:$0xE0];
	[tilespmem:$0x6A0] =	vst v56;
	v2 =	vor.u32 v0, v2  }
0x161: {  	v61 =	vld [tilespmem:$0x2D0];
	[tilespmem:$0x4B0] =	vst v2;
	v2 =	vshll.u32 v57, $0x1  }
0x162: {  	v62 =	vld [tilespmem:$0xF0];
	[tilespmem:$0x6B0] =	vst v58;
	v2 =	vor.u32 v0, v2  }
0x163: {  	v63 =	vld [tilespmem:$0x2E0];
	[tilespmem:$0x4C0] =	vst v2;
	v2 =	vshll.u32 v59, $0x1  }
0x164: {  	[tilespmem:$0x6C0] =	vst v3;
	v2 =	vor.u32 v0, v2  }
0x165: {  	v3 =	vld [tilespmem:$0x2F0];
	[tilespmem:$0x4D0] =	vst v2;
	v2 =	vshll.u32 v60, $0x1  }
0x166: {  	[tilespmem:$0x6D0] =	vst v61;
	v2 =	vor.u32 v0, v2  }
0x167: {  	[tilespmem:$0x4E0] =	vst v2;
	v2 =	vshll.u32 v62, $0x1  }
0x168: {  	[tilespmem:$0x6E0] =	vst v63;
	v2 =	vor.u32 v0, v2  }
.Ltmp10:
0x169: {  	[tilespmem:$0x4F0] =	vst v2;
	(pc) =	sbr.rel .LBB2_13-.Ltmp10, $4  }
0x16a: {  	[tilespmem:$0x6F0] =	vst v3  }
0x16b: {  	[tilespmem:s30], [sflag:$0x3] =	stream.indirect.gather [hbm4b:s1+s0], $0x20, s6, s0, $0xb8;
	[tilespmem:$0x1CEA0] =	vst v63  }
0x16c: {  	_ = 	snop  }
0x16d: {  	[tilespmem:s8], [sflag:$0x3] =	stream.indirect.gather [hbm4b:s1+s0], $0x20, s7, s0, $0xb8;
	[tilespmem:$0x1CEA0] =	vst v63  }
.LBB2_16:
0x16e: {  	_ =	sfence.sel $0x180000  }
0x16f: {  	[bflag:$0x0] =	sbarrier.arrive $0xFFFF  }
0x170: {  	_ =	strace $0x90000047  }
0x171: {  	[bflag:$0x2] =	sbarrier.arrive $0xFFFF  }
0x172: {  	p0 =	sne.s32 s15, $0x0;
	s0 =	rddreg [dreg:$0x3]  }
0x173: {  	s0 =	sadd.s32 @!p0 $0x100000, s0  }
0x174: {  	[sflag:s0] =	ssyncadd.tile.s32 @!p0 $0x1;
	_ =	shalt  }
.Lfunc_end2:
_tile_overlayer_lowered:
.L_overlay_start_2:
0x175: {  	(tag) =	ssettag $0x2  }
0x176: {  	s0 =	rddreg [dreg:$0x0];
	s2 =	stileid.u32  }
0x177: {  	s1 =	rddreg [dreg:$0x1];
	p0 =	sne.s32 s2, $0x0  }
0x178: {  	s3 =	rddreg [dreg:$0x2];
	[bflag:$0x3] =	sbarrier.arrive $0xFFFF;
	s2 =	simm.s32 @!p0 $0x1C07  }
0x179: {  	[timem:s3], [sflag:s2] =	dma.local @!p0 [hbm:s0], s1  }
0x17a: {  	s0 =	simm.s32 @!p0 $0x7  }
0x17b: {  	_ =	swait.ge @!p0 [sflag:s0], s1  }
0x17c: {  	s1 =	ssub.s32 @!p0 $0x0, s1;
	[sflag:s0] =	ssyncset.done @!p0 $0x0  }
0x17d: {  	[sflag:s0] =	ssyncadd.s32 @!p0 s1  }
0x17e: {  	[bflag:$0x3] =	sbarrier.arrive $0xFFFF  }
0x17f: {  	_ =	shalt  }

</sc_bundles>
